<compile_context>
chip_gen: v7x
topology: tpu7x:2x2x1
jax: 0.10.2.dev20260603
libtpu: 0.0.44.dev20260713+nightly
codegen_flags: <defaults>
</compile_context>

<pallas_src>
import jax
import jax.numpy as jnp
from jax import lax
from jax.experimental import pallas as pl
from jax.experimental.pallas import tpu as pltpu
from jax.experimental.pallas import tpu_sc as plsc

NUM_RESIDUE_TYPE = 32
PAIR_DIM = 128
N_NODES = 10000
N_EDGES = 320000

NC, NS, L = 2, 16, 16
NW = NC * NS
BPW = N_EDGES // NW
CHUNK = 80
NCHUNK = BPW // CHUNK
VECS = CHUNK // L
K = 11
MACRO = NCHUNK // K
TAIL = NCHUNK - MACRO * K


def _body(src_hbm, dst_hbm, residue_hbm, weight_hbm, out_hbm, *scratch):
    sv = scratch[0:K]
    dv = scratch[K:2 * K]
    rs = scratch[2 * K:3 * K]
    rd = scratch[3 * K:4 * K]
    pair = scratch[4 * K:5 * K]
    rows = scratch[5 * K:6 * K]
    asem = scratch[6 * K:7 * K]
    wsem = scratch[7 * K:8 * K]
    shw = scratch[8 * K]
    shr = scratch[8 * K + 1]

    sid = lax.axis_index("s")
    wid = sid * NC + lax.axis_index("c")
    base = wid * BPW

    @pl.when(sid == 0)
    def _():
        pltpu.sync_copy(weight_hbm, shw)
        pltpu.sync_copy(residue_hbm, shr)

    plsc.subcore_barrier()

    def stage_in(ci, b):
        off = base + ci * CHUNK
        pltpu.async_copy(src_hbm.at[pl.ds(off, CHUNK)], sv[b], asem[b])
        pltpu.async_copy(dst_hbm.at[pl.ds(off, CHUNK)], dv[b], asem[b])

    def fire_residue(b):
        pltpu.make_async_copy(src_hbm.at[pl.ds(0, CHUNK)], sv[b],
                              asem[b]).wait()
        pltpu.make_async_copy(dst_hbm.at[pl.ds(0, CHUNK)], dv[b],
                              asem[b]).wait()
        pltpu.async_copy(shr.at[sv[b]], rs[b], asem[b])
        pltpu.async_copy(shr.at[dv[b]], rd[b], asem[b])

    def fire_weight(b, reuse):
        pltpu.make_async_copy(shr.at[sv[b]], rs[b], asem[b]).wait()
        pltpu.make_async_copy(shr.at[dv[b]], rd[b], asem[b]).wait()

        def vec(j, c):
            o = j * L
            pair[b][pl.ds(o, L)] = (
                rs[b][pl.ds(o, L)] * NUM_RESIDUE_TYPE + rd[b][pl.ds(o, L)])
            return c

        lax.fori_loop(0, VECS, vec, 0, unroll=5)

        if reuse is not None:
            @pl.when(reuse)
            def _():
                pltpu.make_async_copy(
                    rows[b], out_hbm.at[pl.ds(base, CHUNK)], wsem[b]).wait()

        pltpu.async_copy(shw.at[pair[b]], rows[b], asem[b])

    def fire_out(ci, b):
        pltpu.make_async_copy(shw.at[pair[b]], rows[b], asem[b]).wait()
        pltpu.async_copy(rows[b], out_hbm.at[pl.ds(base + ci * CHUNK, CHUNK)],
                         wsem[b])

    def macro_body(m, carry):
        for b in range(K):
            stage_in(m * K + b, b)
        for b in range(K):
            fire_residue(b)
        for b in range(K):
            fire_weight(b, m > 0)
        for b in range(K):
            fire_out(m * K + b, b)
        return carry

    lax.fori_loop(0, MACRO, macro_body, 0)

    for t in range(TAIL):
        ci = MACRO * K + t
        stage_in(ci, t)
        fire_residue(t)
        fire_weight(t, jnp.bool_(True))
        fire_out(ci, t)

    for b in range(K):
        pltpu.make_async_copy(
            rows[b], out_hbm.at[pl.ds(base, CHUNK)], wsem[b]).wait()


@jax.jit
def kernel(residue, edge_index, weight):
    src = edge_index[:, 0].astype(jnp.int32)
    dst = edge_index[:, 1].astype(jnp.int32)
    mesh = plsc.VectorSubcoreMesh(core_axis_name="c", subcore_axis_name="s",
                                  num_cores=NC, num_subcores=NS)
    scratch = (
        [pltpu.VMEM((CHUNK,), jnp.int32) for _ in range(5 * K)]
        + [pltpu.VMEM((CHUNK, PAIR_DIM), jnp.float32) for _ in range(K)]
        + [pltpu.SemaphoreType.DMA for _ in range(2 * K)]
        + [pltpu.VMEM_SHARED((NUM_RESIDUE_TYPE * NUM_RESIDUE_TYPE, PAIR_DIM),
                             jnp.float32),
           pltpu.VMEM_SHARED((N_NODES,), jnp.int32)]
    )
    fn = pl.kernel(
        _body,
        out_type=jax.ShapeDtypeStruct((N_EDGES, PAIR_DIM), jnp.float32),
        mesh=mesh,
        scratch_types=scratch,
    )
    return fn(src, dst, residue.astype(jnp.int32), weight)

# --- scband reference (transcript-rebuilt; emitter-appended) ---
"""Pipeline reference for scband-protein-edge-feature-53944789238388 (READ-ONLY COPY).

The authoritative reference and input builder live on the scoring server;
editing this copy changes nothing except your own understanding.
"""

import jax, jax.numpy as jnp
import numpy as np

NUM_RESIDUE_TYPE = 32
PAIR_DIM = 128
N_NODES = 10000
N_EDGES = 320000

def setup_inputs(seed: int = 0) -> dict:
    key = jax.random.key(seed)
    k1, k2, k3 = jax.random.split(key, 3)
    residue = jax.random.randint(k1, (N_NODES,), 0, NUM_RESIDUE_TYPE, dtype=jnp.int64 if jax.config.jax_enable_x64 else jnp.int32)
    edge_index = jax.random.randint(k2, (N_EDGES, 2), 0, N_NODES, dtype=jnp.int64 if jax.config.jax_enable_x64 else jnp.int32)
    # residue_pair_encoder weight: Embedding(num_residue_type*num_residue_type, pair_dim), normal init std=0.02
    weight = jax.random.normal(k3, (NUM_RESIDUE_TYPE * NUM_RESIDUE_TYPE, PAIR_DIM), dtype=jnp.float32) * 0.02
    return {"residue": residue, "edge_index": edge_index, "weight": weight}

def reference(residue, edge_index, weight):
    # atom is None branch: residue_pair = residue[src]*num_residue_type + residue[dst]
    src = edge_index[:, 0]
    dst = edge_index[:, 1]
    residue_pair = residue[src] * NUM_RESIDUE_TYPE + residue[dst]
    graph_attn_bias = jnp.take(weight, residue_pair, axis=0)
    return graph_attn_bias

if __name__ == "__main__":
    import jax
    _d = setup_inputs()
    print(jax.jit(kernel)(*tuple(_d.values())))

</pallas_src>

<mosaic_0001>
#map = affine_map<(d0, d1) -> (0)>
#map1 = affine_map<(d0, d1) -> (0, 0)>
module attributes {stable_mosaic.version = 14 : i64} {
  func.func @_body(%arg0: i32, %arg1: i32, %arg2: memref<320000xi32, #tpu.memory_space<hbm>>, %arg3: memref<320000xi32, #tpu.memory_space<hbm>>, %arg4: memref<10000xi32, #tpu.memory_space<hbm>>, %arg5: memref<1024x128xf32, #tpu.memory_space<hbm>>, %arg6: memref<320000x128xf32, #tpu.memory_space<hbm>>, %arg7: memref<80xi32, #tpu.memory_space<vmem>>, %arg8: memref<80xi32, #tpu.memory_space<vmem>>, %arg9: memref<80xi32, #tpu.memory_space<vmem>>, %arg10: memref<80xi32, #tpu.memory_space<vmem>>, %arg11: memref<80xi32, #tpu.memory_space<vmem>>, %arg12: memref<80xi32, #tpu.memory_space<vmem>>, %arg13: memref<80xi32, #tpu.memory_space<vmem>>, %arg14: memref<80xi32, #tpu.memory_space<vmem>>, %arg15: memref<80xi32, #tpu.memory_space<vmem>>, %arg16: memref<80xi32, #tpu.memory_space<vmem>>, %arg17: memref<80xi32, #tpu.memory_space<vmem>>, %arg18: memref<80xi32, #tpu.memory_space<vmem>>, %arg19: memref<80xi32, #tpu.memory_space<vmem>>, %arg20: memref<80xi32, #tpu.memory_space<vmem>>, %arg21: memref<80xi32, #tpu.memory_space<vmem>>, %arg22: memref<80xi32, #tpu.memory_space<vmem>>, %arg23: memref<80xi32, #tpu.memory_space<vmem>>, %arg24: memref<80xi32, #tpu.memory_space<vmem>>, %arg25: memref<80xi32, #tpu.memory_space<vmem>>, %arg26: memref<80xi32, #tpu.memory_space<vmem>>, %arg27: memref<80xi32, #tpu.memory_space<vmem>>, %arg28: memref<80xi32, #tpu.memory_space<vmem>>, %arg29: memref<80xi32, #tpu.memory_space<vmem>>, %arg30: memref<80xi32, #tpu.memory_space<vmem>>, %arg31: memref<80xi32, #tpu.memory_space<vmem>>, %arg32: memref<80xi32, #tpu.memory_space<vmem>>, %arg33: memref<80xi32, #tpu.memory_space<vmem>>, %arg34: memref<80xi32, #tpu.memory_space<vmem>>, %arg35: memref<80xi32, #tpu.memory_space<vmem>>, %arg36: memref<80xi32, #tpu.memory_space<vmem>>, %arg37: memref<80xi32, #tpu.memory_space<vmem>>, %arg38: memref<80xi32, #tpu.memory_space<vmem>>, %arg39: memref<80xi32, #tpu.memory_space<vmem>>, %arg40: memref<80xi32, #tpu.memory_space<vmem>>, %arg41: memref<80xi32, #tpu.memory_space<vmem>>, %arg42: memref<80xi32, #tpu.memory_space<vmem>>, %arg43: memref<80xi32, #tpu.memory_space<vmem>>, %arg44: memref<80xi32, #tpu.memory_space<vmem>>, %arg45: memref<80xi32, #tpu.memory_space<vmem>>, %arg46: memref<80xi32, #tpu.memory_space<vmem>>, %arg47: memref<80xi32, #tpu.memory_space<vmem>>, %arg48: memref<80xi32, #tpu.memory_space<vmem>>, %arg49: memref<80xi32, #tpu.memory_space<vmem>>, %arg50: memref<80xi32, #tpu.memory_space<vmem>>, %arg51: memref<80xi32, #tpu.memory_space<vmem>>, %arg52: memref<80xi32, #tpu.memory_space<vmem>>, %arg53: memref<80xi32, #tpu.memory_space<vmem>>, %arg54: memref<80xi32, #tpu.memory_space<vmem>>, %arg55: memref<80xi32, #tpu.memory_space<vmem>>, %arg56: memref<80xi32, #tpu.memory_space<vmem>>, %arg57: memref<80xi32, #tpu.memory_space<vmem>>, %arg58: memref<80xi32, #tpu.memory_space<vmem>>, %arg59: memref<80xi32, #tpu.memory_space<vmem>>, %arg60: memref<80xi32, #tpu.memory_space<vmem>>, %arg61: memref<80xi32, #tpu.memory_space<vmem>>, %arg62: memref<80x128xf32, #tpu.memory_space<vmem>>, %arg63: memref<80x128xf32, #tpu.memory_space<vmem>>, %arg64: memref<80x128xf32, #tpu.memory_space<vmem>>, %arg65: memref<80x128xf32, #tpu.memory_space<vmem>>, %arg66: memref<80x128xf32, #tpu.memory_space<vmem>>, %arg67: memref<80x128xf32, #tpu.memory_space<vmem>>, %arg68: memref<80x128xf32, #tpu.memory_space<vmem>>, %arg69: memref<80x128xf32, #tpu.memory_space<vmem>>, %arg70: memref<80x128xf32, #tpu.memory_space<vmem>>, %arg71: memref<80x128xf32, #tpu.memory_space<vmem>>, %arg72: memref<80x128xf32, #tpu.memory_space<vmem>>, %arg73: memref<!tpu.dma_semaphore, #tpu.memory_space<semaphore_mem>>, %arg74: memref<!tpu.dma_semaphore, #tpu.memory_space<semaphore_mem>>, %arg75: memref<!tpu.dma_semaphore, #tpu.memory_space<semaphore_mem>>, %arg76: memref<!tpu.dma_semaphore, #tpu.memory_space<semaphore_mem>>, %arg77: memref<!tpu.dma_semaphore, #tpu.memory_space<semaphore_mem>>, %arg78: memref<!tpu.dma_semaphore, #tpu.memory_space<semaphore_mem>>, %arg79: memref<!tpu.dma_semaphore, #tpu.memory_space<semaphore_mem>>, %arg80: memref<!tpu.dma_semaphore, #tpu.memory_space<semaphore_mem>>, %arg81: memref<!tpu.dma_semaphore, #tpu.memory_space<semaphore_mem>>, %arg82: memref<!tpu.dma_semaphore, #tpu.memory_space<semaphore_mem>>, %arg83: memref<!tpu.dma_semaphore, #tpu.memory_space<semaphore_mem>>, %arg84: memref<!tpu.dma_semaphore, #tpu.memory_space<semaphore_mem>>, %arg85: memref<!tpu.dma_semaphore, #tpu.memory_space<semaphore_mem>>, %arg86: memref<!tpu.dma_semaphore, #tpu.memory_space<semaphore_mem>>, %arg87: memref<!tpu.dma_semaphore, #tpu.memory_space<semaphore_mem>>, %arg88: memref<!tpu.dma_semaphore, #tpu.memory_space<semaphore_mem>>, %arg89: memref<!tpu.dma_semaphore, #tpu.memory_space<semaphore_mem>>, %arg90: memref<!tpu.dma_semaphore, #tpu.memory_space<semaphore_mem>>, %arg91: memref<!tpu.dma_semaphore, #tpu.memory_space<semaphore_mem>>, %arg92: memref<!tpu.dma_semaphore, #tpu.memory_space<semaphore_mem>>, %arg93: memref<!tpu.dma_semaphore, #tpu.memory_space<semaphore_mem>>, %arg94: memref<!tpu.dma_semaphore, #tpu.memory_space<semaphore_mem>>, %arg95: memref<1024x128xf32, #tpu.memory_space<vmem_shared>>, %arg96: memref<10000xi32, #tpu.memory_space<vmem_shared>>) attributes {dimension_semantics = [#tpu.dimension_semantics<core_parallel>, #tpu.dimension_semantics<subcore_parallel>], iteration_bounds = array<i64: 2, 16>, scalar_prefetch = 0 : i64, scratch_operands = 90 : i64, tpu.core_type = #tpu.core_type<sc_vector_subcore>, window_params = [{transform_indices = #map}, {transform_indices = #map}, {transform_indices = #map}, {transform_indices = #map1}, {transform_indices = #map1}]} {
    %mul3A = arith.constant 2 : i32
    %mul3A_0 = arith.muli %arg1, %mul3A : i32
    %add3A = arith.addi %mul3A_0, %arg0 : i32
    %mul3A_1 = arith.constant 10000 : i32
    %mul3A_2 = arith.muli %add3A, %mul3A_1 : i32
    %eq3A = arith.constant 0 : i32
    %eq3A_3 = arith.cmpi eq, %arg1, %eq3A : i32
    %convert_element_type3A = arith.extui %eq3A_3 : i1 to i32
    %cond3A = arith.constant 0 : i32
    %cond3A_4 = arith.cmpi ne, %convert_element_type3A, %cond3A : i32
    scf.if %cond3A_4 {
      "tpu.region"() ({
        %run_scoped3A = tpu.sem_alloc : memref<!tpu.dma_semaphore, #tpu.memory_space<semaphore_mem>>
        tpu.enqueue_dma source(%arg5 : memref<1024x128xf32, #tpu.memory_space<hbm>>) target(%arg95 : memref<1024x128xf32, #tpu.memory_space<vmem_shared>>) target_semaphore(%run_scoped3A : memref<!tpu.dma_semaphore, #tpu.memory_space<semaphore_mem>>)
        tpu.wait_dma2 semaphore(%run_scoped3A : memref<!tpu.dma_semaphore, #tpu.memory_space<semaphore_mem>>) src(%arg5 : memref<1024x128xf32, #tpu.memory_space<hbm>>) dst(%arg95 : memref<1024x128xf32, #tpu.memory_space<vmem_shared>>)
        tpu.yield
      }) : () -> ()
      "tpu.region"() ({
        %run_scoped3A = tpu.sem_alloc : memref<!tpu.dma_semaphore, #tpu.memory_space<semaphore_mem>>
        tpu.enqueue_dma source(%arg4 : memref<10000xi32, #tpu.memory_space<hbm>>) target(%arg96 : memref<10000xi32, #tpu.memory_space<vmem_shared>>) target_semaphore(%run_scoped3A : memref<!tpu.dma_semaphore, #tpu.memory_space<semaphore_mem>>)
        tpu.wait_dma2 semaphore(%run_scoped3A : memref<!tpu.dma_semaphore, #tpu.memory_space<semaphore_mem>>) src(%arg4 : memref<10000xi32, #tpu.memory_space<hbm>>) dst(%arg96 : memref<10000xi32, #tpu.memory_space<vmem_shared>>)
        tpu.yield
      }) : () -> ()
    } else {
    }
    %barrier3A = arith.constant 0 : index
    tpu.barrier barrier_id(%barrier3A)
    %scan3A = arith.constant 0 : i32
    %scan3A_5 = arith.constant 0 : i32
    %scan3A_6 = arith.constant 11 : i32
    %scan3A_7 = arith.addi %scan3A_5, %scan3A_6 : i32
    %scan3A_8 = arith.constant 1 : i32
    scf.for %scan3A_554 = %scan3A_5 to %scan3A_7 step %scan3A_8  : i32 {
      %mul3A_555 = arith.constant 11 : i32
      %mul3A_556 = arith.muli %scan3A_554, %mul3A_555 : i32
      %add3A_557 = arith.constant 0 : i32
      %add3A_558 = arith.addi %mul3A_556, %add3A_557 : i32
      %mul3A_559 = arith.constant 80 : i32
      %mul3A_560 = arith.muli %add3A_558, %mul3A_559 : i32
      %add3A_561 = arith.addi %mul3A_2, %mul3A_560 : i32
      %dma_start3A_562 = tpu.memref_slice %arg2[%add3A_561] : memref<320000xi32, #tpu.memory_space<hbm>> -> memref<80xi32, #tpu.memory_space<hbm>>
      %dma_start3A_563 = tpu.memref_slice %arg2[%add3A_561] : memref<320000xi32, #tpu.memory_space<hbm>> -> memref<80xi32, #tpu.memory_space<hbm>>
      tpu.enqueue_dma source(%dma_start3A_563 : memref<80xi32, #tpu.memory_space<hbm>>) target(%arg7 : memref<80xi32, #tpu.memory_space<vmem>>) target_semaphore(%arg73 : memref<!tpu.dma_semaphore, #tpu.memory_space<semaphore_mem>>)
      %dma_start3A_564 = tpu.memref_slice %arg3[%add3A_561] : memref<320000xi32, #tpu.memory_space<hbm>> -> memref<80xi32, #tpu.memory_space<hbm>>
      %dma_start3A_565 = tpu.memref_slice %arg3[%add3A_561] : memref<320000xi32, #tpu.memory_space<hbm>> -> memref<80xi32, #tpu.memory_space<hbm>>
      tpu.enqueue_dma source(%dma_start3A_565 : memref<80xi32, #tpu.memory_space<hbm>>) target(%arg18 : memref<80xi32, #tpu.memory_space<vmem>>) target_semaphore(%arg73 : memref<!tpu.dma_semaphore, #tpu.memory_space<semaphore_mem>>)
      %mul3A_566 = arith.constant 11 : i32
      %mul3A_567 = arith.muli %scan3A_554, %mul3A_566 : i32
      %add3A_568 = arith.constant 1 : i32
      %add3A_569 = arith.addi %mul3A_567, %add3A_568 : i32
      %mul3A_570 = arith.constant 80 : i32
      %mul3A_571 = arith.muli %add3A_569, %mul3A_570 : i32
      %add3A_572 = arith.addi %mul3A_2, %mul3A_571 : i32
      %dma_start3A_573 = tpu.memref_slice %arg2[%add3A_572] : memref<320000xi32, #tpu.memory_space<hbm>> -> memref<80xi32, #tpu.memory_space<hbm>>
      %dma_start3A_574 = tpu.memref_slice %arg2[%add3A_572] : memref<320000xi32, #tpu.memory_space<hbm>> -> memref<80xi32, #tpu.memory_space<hbm>>
      tpu.enqueue_dma source(%dma_start3A_574 : memref<80xi32, #tpu.memory_space<hbm>>) target(%arg8 : memref<80xi32, #tpu.memory_space<vmem>>) target_semaphore(%arg74 : memref<!tpu.dma_semaphore, #tpu.memory_space<semaphore_mem>>)
      %dma_start3A_575 = tpu.memref_slice %arg3[%add3A_572] : memref<320000xi32, #tpu.memory_space<hbm>> -> memref<80xi32, #tpu.memory_space<hbm>>
      %dma_start3A_576 = tpu.memref_slice %arg3[%add3A_572] : memref<320000xi32, #tpu.memory_space<hbm>> -> memref<80xi32, #tpu.memory_space<hbm>>
      tpu.enqueue_dma source(%dma_start3A_576 : memref<80xi32, #tpu.memory_space<hbm>>) target(%arg19 : memref<80xi32, #tpu.memory_space<vmem>>) target_semaphore(%arg74 : memref<!tpu.dma_semaphore, #tpu.memory_space<semaphore_mem>>)
      %mul3A_577 = arith.constant 11 : i32
      %mul3A_578 = arith.muli %scan3A_554, %mul3A_577 : i32
      %add3A_579 = arith.constant 2 : i32
      %add3A_580 = arith.addi %mul3A_578, %add3A_579 : i32
      %mul3A_581 = arith.constant 80 : i32
      %mul3A_582 = arith.muli %add3A_580, %mul3A_581 : i32
      %add3A_583 = arith.addi %mul3A_2, %mul3A_582 : i32
      %dma_start3A_584 = tpu.memref_slice %arg2[%add3A_583] : memref<320000xi32, #tpu.memory_space<hbm>> -> memref<80xi32, #tpu.memory_space<hbm>>
      %dma_start3A_585 = tpu.memref_slice %arg2[%add3A_583] : memref<320000xi32, #tpu.memory_space<hbm>> -> memref<80xi32, #tpu.memory_space<hbm>>
      tpu.enqueue_dma source(%dma_start3A_585 : memref<80xi32, #tpu.memory_space<hbm>>) target(%arg9 : memref<80xi32, #tpu.memory_space<vmem>>) target_semaphore(%arg75 : memref<!tpu.dma_semaphore, #tpu.memory_space<semaphore_mem>>)
      %dma_start3A_586 = tpu.memref_slice %arg3[%add3A_583] : memref<320000xi32, #tpu.memory_space<hbm>> -> memref<80xi32, #tpu.memory_space<hbm>>
      %dma_start3A_587 = tpu.memref_slice %arg3[%add3A_583] : memref<320000xi32, #tpu.memory_space<hbm>> -> memref<80xi32, #tpu.memory_space<hbm>>
      tpu.enqueue_dma source(%dma_start3A_587 : memref<80xi32, #tpu.memory_space<hbm>>) target(%arg20 : memref<80xi32, #tpu.memory_space<vmem>>) target_semaphore(%arg75 : memref<!tpu.dma_semaphore, #tpu.memory_space<semaphore_mem>>)
      %mul3A_588 = arith.constant 11 : i32
      %mul3A_589 = arith.muli %scan3A_554, %mul3A_588 : i32
      %add3A_590 = arith.constant 3 : i32
      %add3A_591 = arith.addi %mul3A_589, %add3A_590 : i32
      %mul3A_592 = arith.constant 80 : i32
      %mul3A_593 = arith.muli %add3A_591, %mul3A_592 : i32
      %add3A_594 = arith.addi %mul3A_2, %mul3A_593 : i32
      %dma_start3A_595 = tpu.memref_slice %arg2[%add3A_594] : memref<320000xi32, #tpu.memory_space<hbm>> -> memref<80xi32, #tpu.memory_space<hbm>>
      %dma_start3A_596 = tpu.memref_slice %arg2[%add3A_594] : memref<320000xi32, #tpu.memory_space<hbm>> -> memref<80xi32, #tpu.memory_space<hbm>>
      tpu.enqueue_dma source(%dma_start3A_596 : memref<80xi32, #tpu.memory_space<hbm>>) target(%arg10 : memref<80xi32, #tpu.memory_space<vmem>>) target_semaphore(%arg76 : memref<!tpu.dma_semaphore, #tpu.memory_space<semaphore_mem>>)
      %dma_start3A_597 = tpu.memref_slice %arg3[%add3A_594] : memref<320000xi32, #tpu.memory_space<hbm>> -> memref<80xi32, #tpu.memory_space<hbm>>
      %dma_start3A_598 = tpu.memref_slice %arg3[%add3A_594] : memref<320000xi32, #tpu.memory_space<hbm>> -> memref<80xi32, #tpu.memory_space<hbm>>
      tpu.enqueue_dma source(%dma_start3A_598 : memref<80xi32, #tpu.memory_space<hbm>>) target(%arg21 : memref<80xi32, #tpu.memory_space<vmem>>) target_semaphore(%arg76 : memref<!tpu.dma_semaphore, #tpu.memory_space<semaphore_mem>>)
      %mul3A_599 = arith.constant 11 : i32
      %mul3A_600 = arith.muli %scan3A_554, %mul3A_599 : i32
      %add3A_601 = arith.constant 4 : i32
      %add3A_602 = arith.addi %mul3A_600, %add3A_601 : i32
      %mul3A_603 = arith.constant 80 : i32
      %mul3A_604 = arith.muli %add3A_602, %mul3A_603 : i32
      %add3A_605 = arith.addi %mul3A_2, %mul3A_604 : i32
      %dma_start3A_606 = tpu.memref_slice %arg2[%add3A_605] : memref<320000xi32, #tpu.memory_space<hbm>> -> memref<80xi32, #tpu.memory_space<hbm>>
      %dma_start3A_607 = tpu.memref_slice %arg2[%add3A_605] : memref<320000xi32, #tpu.memory_space<hbm>> -> memref<80xi32, #tpu.memory_space<hbm>>
      tpu.enqueue_dma source(%dma_start3A_607 : memref<80xi32, #tpu.memory_space<hbm>>) target(%arg11 : memref<80xi32, #tpu.memory_space<vmem>>) target_semaphore(%arg77 : memref<!tpu.dma_semaphore, #tpu.memory_space<semaphore_mem>>)
      %dma_start3A_608 = tpu.memref_slice %arg3[%add3A_605] : memref<320000xi32, #tpu.memory_space<hbm>> -> memref<80xi32, #tpu.memory_space<hbm>>
      %dma_start3A_609 = tpu.memref_slice %arg3[%add3A_605] : memref<320000xi32, #tpu.memory_space<hbm>> -> memref<80xi32, #tpu.memory_space<hbm>>
      tpu.enqueue_dma source(%dma_start3A_609 : memref<80xi32, #tpu.memory_space<hbm>>) target(%arg22 : memref<80xi32, #tpu.memory_space<vmem>>) target_semaphore(%arg77 : memref<!tpu.dma_semaphore, #tpu.memory_space<semaphore_mem>>)
      %mul3A_610 = arith.constant 11 : i32
      %mul3A_611 = arith.muli %scan3A_554, %mul3A_610 : i32
      %add3A_612 = arith.constant 5 : i32
      %add3A_613 = arith.addi %mul3A_611, %add3A_612 : i32
      %mul3A_614 = arith.constant 80 : i32
      %mul3A_615 = arith.muli %add3A_613, %mul3A_614 : i32
      %add3A_616 = arith.addi %mul3A_2, %mul3A_615 : i32
      %dma_start3A_617 = tpu.memref_slice %arg2[%add3A_616] : memref<320000xi32, #tpu.memory_space<hbm>> -> memref<80xi32, #tpu.memory_space<hbm>>
      %dma_start3A_618 = tpu.memref_slice %arg2[%add3A_616] : memref<320000xi32, #tpu.memory_space<hbm>> -> memref<80xi32, #tpu.memory_space<hbm>>
      tpu.enqueue_dma source(%dma_start3A_618 : memref<80xi32, #tpu.memory_space<hbm>>) target(%arg12 : memref<80xi32, #tpu.memory_space<vmem>>) target_semaphore(%arg78 : memref<!tpu.dma_semaphore, #tpu.memory_space<semaphore_mem>>)
      %dma_start3A_619 = tpu.memref_slice %arg3[%add3A_616] : memref<320000xi32, #tpu.memory_space<hbm>> -> memref<80xi32, #tpu.memory_space<hbm>>
      %dma_start3A_620 = tpu.memref_slice %arg3[%add3A_616] : memref<320000xi32, #tpu.memory_space<hbm>> -> memref<80xi32, #tpu.memory_space<hbm>>
      tpu.enqueue_dma source(%dma_start3A_620 : memref<80xi32, #tpu.memory_space<hbm>>) target(%arg23 : memref<80xi32, #tpu.memory_space<vmem>>) target_semaphore(%arg78 : memref<!tpu.dma_semaphore, #tpu.memory_space<semaphore_mem>>)
      %mul3A_621 = arith.constant 11 : i32
      %mul3A_622 = arith.muli %scan3A_554, %mul3A_621 : i32
      %add3A_623 = arith.constant 6 : i32
      %add3A_624 = arith.addi %mul3A_622, %add3A_623 : i32
      %mul3A_625 = arith.constant 80 : i32
      %mul3A_626 = arith.muli %add3A_624, %mul3A_625 : i32
      %add3A_627 = arith.addi %mul3A_2, %mul3A_626 : i32
      %dma_start3A_628 = tpu.memref_slice %arg2[%add3A_627] : memref<320000xi32, #tpu.memory_space<hbm>> -> memref<80xi32, #tpu.memory_space<hbm>>
      %dma_start3A_629 = tpu.memref_slice %arg2[%add3A_627] : memref<320000xi32, #tpu.memory_space<hbm>> -> memref<80xi32, #tpu.memory_space<hbm>>
      tpu.enqueue_dma source(%dma_start3A_629 : memref<80xi32, #tpu.memory_space<hbm>>) target(%arg13 : memref<80xi32, #tpu.memory_space<vmem>>) target_semaphore(%arg79 : memref<!tpu.dma_semaphore, #tpu.memory_space<semaphore_mem>>)
      %dma_start3A_630 = tpu.memref_slice %arg3[%add3A_627] : memref<320000xi32, #tpu.memory_space<hbm>> -> memref<80xi32, #tpu.memory_space<hbm>>
      %dma_start3A_631 = tpu.memref_slice %arg3[%add3A_627] : memref<320000xi32, #tpu.memory_space<hbm>> -> memref<80xi32, #tpu.memory_space<hbm>>
      tpu.enqueue_dma source(%dma_start3A_631 : memref<80xi32, #tpu.memory_space<hbm>>) target(%arg24 : memref<80xi32, #tpu.memory_space<vmem>>) target_semaphore(%arg79 : memref<!tpu.dma_semaphore, #tpu.memory_space<semaphore_mem>>)
      %mul3A_632 = arith.constant 11 : i32
      %mul3A_633 = arith.muli %scan3A_554, %mul3A_632 : i32
      %add3A_634 = arith.constant 7 : i32
      %add3A_635 = arith.addi %mul3A_633, %add3A_634 : i32
      %mul3A_636 = arith.constant 80 : i32
      %mul3A_637 = arith.muli %add3A_635, %mul3A_636 : i32
      %add3A_638 = arith.addi %mul3A_2, %mul3A_637 : i32
      %dma_start3A_639 = tpu.memref_slice %arg2[%add3A_638] : memref<320000xi32, #tpu.memory_space<hbm>> -> memref<80xi32, #tpu.memory_space<hbm>>
      %dma_start3A_640 = tpu.memref_slice %arg2[%add3A_638] : memref<320000xi32, #tpu.memory_space<hbm>> -> memref<80xi32, #tpu.memory_space<hbm>>
      tpu.enqueue_dma source(%dma_start3A_640 : memref<80xi32, #tpu.memory_space<hbm>>) target(%arg14 : memref<80xi32, #tpu.memory_space<vmem>>) target_semaphore(%arg80 : memref<!tpu.dma_semaphore, #tpu.memory_space<semaphore_mem>>)
      %dma_start3A_641 = tpu.memref_slice %arg3[%add3A_638] : memref<320000xi32, #tpu.memory_space<hbm>> -> memref<80xi32, #tpu.memory_space<hbm>>
      %dma_start3A_642 = tpu.memref_slice %arg3[%add3A_638] : memref<320000xi32, #tpu.memory_space<hbm>> -> memref<80xi32, #tpu.memory_space<hbm>>
      tpu.enqueue_dma source(%dma_start3A_642 : memref<80xi32, #tpu.memory_space<hbm>>) target(%arg25 : memref<80xi32, #tpu.memory_space<vmem>>) target_semaphore(%arg80 : memref<!tpu.dma_semaphore, #tpu.memory_space<semaphore_mem>>)
      %mul3A_643 = arith.constant 11 : i32
      %mul3A_644 = arith.muli %scan3A_554, %mul3A_643 : i32
      %add3A_645 = arith.constant 8 : i32
      %add3A_646 = arith.addi %mul3A_644, %add3A_645 : i32
      %mul3A_647 = arith.constant 80 : i32
      %mul3A_648 = arith.muli %add3A_646, %mul3A_647 : i32
      %add3A_649 = arith.addi %mul3A_2, %mul3A_648 : i32
      %dma_start3A_650 = tpu.memref_slice %arg2[%add3A_649] : memref<320000xi32, #tpu.memory_space<hbm>> -> memref<80xi32, #tpu.memory_space<hbm>>
      %dma_start3A_651 = tpu.memref_slice %arg2[%add3A_649] : memref<320000xi32, #tpu.memory_space<hbm>> -> memref<80xi32, #tpu.memory_space<hbm>>
      tpu.enqueue_dma source(%dma_start3A_651 : memref<80xi32, #tpu.memory_space<hbm>>) target(%arg15 : memref<80xi32, #tpu.memory_space<vmem>>) target_semaphore(%arg81 : memref<!tpu.dma_semaphore, #tpu.memory_space<semaphore_mem>>)
      %dma_start3A_652 = tpu.memref_slice %arg3[%add3A_649] : memref<320000xi32, #tpu.memory_space<hbm>> -> memref<80xi32, #tpu.memory_space<hbm>>
      %dma_start3A_653 = tpu.memref_slice %arg3[%add3A_649] : memref<320000xi32, #tpu.memory_space<hbm>> -> memref<80xi32, #tpu.memory_space<hbm>>
      tpu.enqueue_dma source(%dma_start3A_653 : memref<80xi32, #tpu.memory_space<hbm>>) target(%arg26 : memref<80xi32, #tpu.memory_space<vmem>>) target_semaphore(%arg81 : memref<!tpu.dma_semaphore, #tpu.memory_space<semaphore_mem>>)
      %mul3A_654 = arith.constant 11 : i32
      %mul3A_655 = arith.muli %scan3A_554, %mul3A_654 : i32
      %add3A_656 = arith.constant 9 : i32
      %add3A_657 = arith.addi %mul3A_655, %add3A_656 : i32
      %mul3A_658 = arith.constant 80 : i32
      %mul3A_659 = arith.muli %add3A_657, %mul3A_658 : i32
      %add3A_660 = arith.addi %mul3A_2, %mul3A_659 : i32
      %dma_start3A_661 = tpu.memref_slice %arg2[%add3A_660] : memref<320000xi32, #tpu.memory_space<hbm>> -> memref<80xi32, #tpu.memory_space<hbm>>
      %dma_start3A_662 = tpu.memref_slice %arg2[%add3A_660] : memref<320000xi32, #tpu.memory_space<hbm>> -> memref<80xi32, #tpu.memory_space<hbm>>
      tpu.enqueue_dma source(%dma_start3A_662 : memref<80xi32, #tpu.memory_space<hbm>>) target(%arg16 : memref<80xi32, #tpu.memory_space<vmem>>) target_semaphore(%arg82 : memref<!tpu.dma_semaphore, #tpu.memory_space<semaphore_mem>>)
      %dma_start3A_663 = tpu.memref_slice %arg3[%add3A_660] : memref<320000xi32, #tpu.memory_space<hbm>> -> memref<80xi32, #tpu.memory_space<hbm>>
      %dma_start3A_664 = tpu.memref_slice %arg3[%add3A_660] : memref<320000xi32, #tpu.memory_space<hbm>> -> memref<80xi32, #tpu.memory_space<hbm>>
      tpu.enqueue_dma source(%dma_start3A_664 : memref<80xi32, #tpu.memory_space<hbm>>) target(%arg27 : memref<80xi32, #tpu.memory_space<vmem>>) target_semaphore(%arg82 : memref<!tpu.dma_semaphore, #tpu.memory_space<semaphore_mem>>)
      %mul3A_665 = arith.constant 11 : i32
      %mul3A_666 = arith.muli %scan3A_554, %mul3A_665 : i32
      %add3A_667 = arith.constant 10 : i32
      %add3A_668 = arith.addi %mul3A_666, %add3A_667 : i32
      %mul3A_669 = arith.constant 80 : i32
      %mul3A_670 = arith.muli %add3A_668, %mul3A_669 : i32
      %add3A_671 = arith.addi %mul3A_2, %mul3A_670 : i32
      %dma_start3A_672 = tpu.memref_slice %arg2[%add3A_671] : memref<320000xi32, #tpu.memory_space<hbm>> -> memref<80xi32, #tpu.memory_space<hbm>>
      %dma_start3A_673 = tpu.memref_slice %arg2[%add3A_671] : memref<320000xi32, #tpu.memory_space<hbm>> -> memref<80xi32, #tpu.memory_space<hbm>>
      tpu.enqueue_dma source(%dma_start3A_673 : memref<80xi32, #tpu.memory_space<hbm>>) target(%arg17 : memref<80xi32, #tpu.memory_space<vmem>>) target_semaphore(%arg83 : memref<!tpu.dma_semaphore, #tpu.memory_space<semaphore_mem>>)
      %dma_start3A_674 = tpu.memref_slice %arg3[%add3A_671] : memref<320000xi32, #tpu.memory_space<hbm>> -> memref<80xi32, #tpu.memory_space<hbm>>
      %dma_start3A_675 = tpu.memref_slice %arg3[%add3A_671] : memref<320000xi32, #tpu.memory_space<hbm>> -> memref<80xi32, #tpu.memory_space<hbm>>
      tpu.enqueue_dma source(%dma_start3A_675 : memref<80xi32, #tpu.memory_space<hbm>>) target(%arg28 : memref<80xi32, #tpu.memory_space<vmem>>) target_semaphore(%arg83 : memref<!tpu.dma_semaphore, #tpu.memory_space<semaphore_mem>>)
      %dma_wait3A_676 = arith.constant 0 : i32
      %dma_wait3A_677 = tpu.memref_slice %arg2[%dma_wait3A_676] : memref<320000xi32, #tpu.memory_space<hbm>> -> memref<80xi32, #tpu.memory_space<hbm>>
      %dma_wait3A_678 = arith.constant 0 : i32
      %dma_wait3A_679 = tpu.memref_slice %arg2[%dma_wait3A_678] : memref<320000xi32, #tpu.memory_space<hbm>> -> memref<80xi32, #tpu.memory_space<hbm>>
      tpu.wait_dma2 semaphore(%arg73 : memref<!tpu.dma_semaphore, #tpu.memory_space<semaphore_mem>>) src(%dma_wait3A_679 : memref<80xi32, #tpu.memory_space<hbm>>) dst(%arg7 : memref<80xi32, #tpu.memory_space<vmem>>)
      %dma_wait3A_680 = arith.constant 0 : i32
      %dma_wait3A_681 = tpu.memref_slice %arg3[%dma_wait3A_680] : memref<320000xi32, #tpu.memory_space<hbm>> -> memref<80xi32, #tpu.memory_space<hbm>>
      %dma_wait3A_682 = arith.constant 0 : i32
      %dma_wait3A_683 = tpu.memref_slice %arg3[%dma_wait3A_682] : memref<320000xi32, #tpu.memory_space<hbm>> -> memref<80xi32, #tpu.memory_space<hbm>>
      tpu.wait_dma2 semaphore(%arg73 : memref<!tpu.dma_semaphore, #tpu.memory_space<semaphore_mem>>) src(%dma_wait3A_683 : memref<80xi32, #tpu.memory_space<hbm>>) dst(%arg18 : memref<80xi32, #tpu.memory_space<vmem>>)
      %dma_start3A_684 = arith.constant 0 : i32
      %dma_start3A_685 = tpu.memref_slice %arg96[%dma_start3A_684] : memref<10000xi32, #tpu.memory_space<vmem_shared>> -> memref<10000xi32, #tpu.memory_space<vmem_shared>>
      tpu.enqueue_indirect_dma source(%dma_start3A_685 : memref<10000xi32, #tpu.memory_space<vmem_shared>>) target(%arg29 : memref<80xi32, #tpu.memory_space<vmem>>) offsets(%arg7 : memref<80xi32, #tpu.memory_space<vmem>>) semaphore(%arg73 : memref<!tpu.dma_semaphore, #tpu.memory_space<semaphore_mem>>)
      %dma_start3A_686 = arith.constant 0 : i32
      %dma_start3A_687 = tpu.memref_slice %arg96[%dma_start3A_686] : memref<10000xi32, #tpu.memory_space<vmem_shared>> -> memref<10000xi32, #tpu.memory_space<vmem_shared>>
      tpu.enqueue_indirect_dma source(%dma_start3A_687 : memref<10000xi32, #tpu.memory_space<vmem_shared>>) target(%arg40 : memref<80xi32, #tpu.memory_space<vmem>>) offsets(%arg18 : memref<80xi32, #tpu.memory_space<vmem>>) semaphore(%arg73 : memref<!tpu.dma_semaphore, #tpu.memory_space<semaphore_mem>>)
      %dma_wait3A_688 = arith.constant 0 : i32
      %dma_wait3A_689 = tpu.memref_slice %arg2[%dma_wait3A_688] : memref<320000xi32, #tpu.memory_space<hbm>> -> memref<80xi32, #tpu.memory_space<hbm>>
      %dma_wait3A_690 = arith.constant 0 : i32
      %dma_wait3A_691 = tpu.memref_slice %arg2[%dma_wait3A_690] : memref<320000xi32, #tpu.memory_space<hbm>> -> memref<80xi32, #tpu.memory_space<hbm>>
      tpu.wait_dma2 semaphore(%arg74 : memref<!tpu.dma_semaphore, #tpu.memory_space<semaphore_mem>>) src(%dma_wait3A_691 : memref<80xi32, #tpu.memory_space<hbm>>) dst(%arg8 : memref<80xi32, #tpu.memory_space<vmem>>)
      %dma_wait3A_692 = arith.constant 0 : i32
      %dma_wait3A_693 = tpu.memref_slice %arg3[%dma_wait3A_692] : memref<320000xi32, #tpu.memory_space<hbm>> -> memref<80xi32, #tpu.memory_space<hbm>>
      %dma_wait3A_694 = arith.constant 0 : i32
      %dma_wait3A_695 = tpu.memref_slice %arg3[%dma_wait3A_694] : memref<320000xi32, #tpu.memory_space<hbm>> -> memref<80xi32, #tpu.memory_space<hbm>>
      tpu.wait_dma2 semaphore(%arg74 : memref<!tpu.dma_semaphore, #tpu.memory_space<semaphore_mem>>) src(%dma_wait3A_695 : memref<80xi32, #tpu.memory_space<hbm>>) dst(%arg19 : memref<80xi32, #tpu.memory_space<vmem>>)
      %dma_start3A_696 = arith.constant 0 : i32
      %dma_start3A_697 = tpu.memref_slice %arg96[%dma_start3A_696] : memref<10000xi32, #tpu.memory_space<vmem_shared>> -> memref<10000xi32, #tpu.memory_space<vmem_shared>>
      tpu.enqueue_indirect_dma source(%dma_start3A_697 : memref<10000xi32, #tpu.memory_space<vmem_shared>>) target(%arg30 : memref<80xi32, #tpu.memory_space<vmem>>) offsets(%arg8 : memref<80xi32, #tpu.memory_space<vmem>>) semaphore(%arg74 : memref<!tpu.dma_semaphore, #tpu.memory_space<semaphore_mem>>)
      %dma_start3A_698 = arith.constant 0 : i32
      %dma_start3A_699 = tpu.memref_slice %arg96[%dma_start3A_698] : memref<10000xi32, #tpu.memory_space<vmem_shared>> -> memref<10000xi32, #tpu.memory_space<vmem_shared>>
      tpu.enqueue_indirect_dma source(%dma_start3A_699 : memref<10000xi32, #tpu.memory_space<vmem_shared>>) target(%arg41 : memref<80xi32, #tpu.memory_space<vmem>>) offsets(%arg19 : memref<80xi32, #tpu.memory_space<vmem>>) semaphore(%arg74 : memref<!tpu.dma_semaphore, #tpu.memory_space<semaphore_mem>>)
      %dma_wait3A_700 = arith.constant 0 : i32
      %dma_wait3A_701 = tpu.memref_slice %arg2[%dma_wait3A_700] : memref<320000xi32, #tpu.memory_space<hbm>> -> memref<80xi32, #tpu.memory_space<hbm>>
      %dma_wait3A_702 = arith.constant 0 : i32
      %dma_wait3A_703 = tpu.memref_slice %arg2[%dma_wait3A_702] : memref<320000xi32, #tpu.memory_space<hbm>> -> memref<80xi32, #tpu.memory_space<hbm>>
      tpu.wait_dma2 semaphore(%arg75 : memref<!tpu.dma_semaphore, #tpu.memory_space<semaphore_mem>>) src(%dma_wait3A_703 : memref<80xi32, #tpu.memory_space<hbm>>) dst(%arg9 : memref<80xi32, #tpu.memory_space<vmem>>)
      %dma_wait3A_704 = arith.constant 0 : i32
      %dma_wait3A_705 = tpu.memref_slice %arg3[%dma_wait3A_704] : memref<320000xi32, #tpu.memory_space<hbm>> -> memref<80xi32, #tpu.memory_space<hbm>>
      %dma_wait3A_706 = arith.constant 0 : i32
      %dma_wait3A_707 = tpu.memref_slice %arg3[%dma_wait3A_706] : memref<320000xi32, #tpu.memory_space<hbm>> -> memref<80xi32, #tpu.memory_space<hbm>>
      tpu.wait_dma2 semaphore(%arg75 : memref<!tpu.dma_semaphore, #tpu.memory_space<semaphore_mem>>) src(%dma_wait3A_707 : memref<80xi32, #tpu.memory_space<hbm>>) dst(%arg20 : memref<80xi32, #tpu.memory_space<vmem>>)
      %dma_start3A_708 = arith.constant 0 : i32
      %dma_start3A_709 = tpu.memref_slice %arg96[%dma_start3A_708] : memref<10000xi32, #tpu.memory_space<vmem_shared>> -> memref<10000xi32, #tpu.memory_space<vmem_shared>>
      tpu.enqueue_indirect_dma source(%dma_start3A_709 : memref<10000xi32, #tpu.memory_space<vmem_shared>>) target(%arg31 : memref<80xi32, #tpu.memory_space<vmem>>) offsets(%arg9 : memref<80xi32, #tpu.memory_space<vmem>>) semaphore(%arg75 : memref<!tpu.dma_semaphore, #tpu.memory_space<semaphore_mem>>)
      %dma_start3A_710 = arith.constant 0 : i32
      %dma_start3A_711 = tpu.memref_slice %arg96[%dma_start3A_710] : memref<10000xi32, #tpu.memory_space<vmem_shared>> -> memref<10000xi32, #tpu.memory_space<vmem_shared>>
      tpu.enqueue_indirect_dma source(%dma_start3A_711 : memref<10000xi32, #tpu.memory_space<vmem_shared>>) target(%arg42 : memref<80xi32, #tpu.memory_space<vmem>>) offsets(%arg20 : memref<80xi32, #tpu.memory_space<vmem>>) semaphore(%arg75 : memref<!tpu.dma_semaphore, #tpu.memory_space<semaphore_mem>>)
      %dma_wait3A_712 = arith.constant 0 : i32
      %dma_wait3A_713 = tpu.memref_slice %arg2[%dma_wait3A_712] : memref<320000xi32, #tpu.memory_space<hbm>> -> memref<80xi32, #tpu.memory_space<hbm>>
      %dma_wait3A_714 = arith.constant 0 : i32
      %dma_wait3A_715 = tpu.memref_slice %arg2[%dma_wait3A_714] : memref<320000xi32, #tpu.memory_space<hbm>> -> memref<80xi32, #tpu.memory_space<hbm>>
      tpu.wait_dma2 semaphore(%arg76 : memref<!tpu.dma_semaphore, #tpu.memory_space<semaphore_mem>>) src(%dma_wait3A_715 : memref<80xi32, #tpu.memory_space<hbm>>) dst(%arg10 : memref<80xi32, #tpu.memory_space<vmem>>)
      %dma_wait3A_716 = arith.constant 0 : i32
      %dma_wait3A_717 = tpu.memref_slice %arg3[%dma_wait3A_716] : memref<320000xi32, #tpu.memory_space<hbm>> -> memref<80xi32, #tpu.memory_space<hbm>>
      %dma_wait3A_718 = arith.constant 0 : i32
      %dma_wait3A_719 = tpu.memref_slice %arg3[%dma_wait3A_718] : memref<320000xi32, #tpu.memory_space<hbm>> -> memref<80xi32, #tpu.memory_space<hbm>>
      tpu.wait_dma2 semaphore(%arg76 : memref<!tpu.dma_semaphore, #tpu.memory_space<semaphore_mem>>) src(%dma_wait3A_719 : memref<80xi32, #tpu.memory_space<hbm>>) dst(%arg21 : memref<80xi32, #tpu.memory_space<vmem>>)
      %dma_start3A_720 = arith.constant 0 : i32
      %dma_start3A_721 = tpu.memref_slice %arg96[%dma_start3A_720] : memref<10000xi32, #tpu.memory_space<vmem_shared>> -> memref<10000xi32, #tpu.memory_space<vmem_shared>>
      tpu.enqueue_indirect_dma source(%dma_start3A_721 : memref<10000xi32, #tpu.memory_space<vmem_shared>>) target(%arg32 : memref<80xi32, #tpu.memory_space<vmem>>) offsets(%arg10 : memref<80xi32, #tpu.memory_space<vmem>>) semaphore(%arg76 : memref<!tpu.dma_semaphore, #tpu.memory_space<semaphore_mem>>)
      %dma_start3A_722 = arith.constant 0 : i32
      %dma_start3A_723 = tpu.memref_slice %arg96[%dma_start3A_722] : memref<10000xi32, #tpu.memory_space<vmem_shared>> -> memref<10000xi32, #tpu.memory_space<vmem_shared>>
      tpu.enqueue_indirect_dma source(%dma_start3A_723 : memref<10000xi32, #tpu.memory_space<vmem_shared>>) target(%arg43 : memref<80xi32, #tpu.memory_space<vmem>>) offsets(%arg21 : memref<80xi32, #tpu.memory_space<vmem>>) semaphore(%arg76 : memref<!tpu.dma_semaphore, #tpu.memory_space<semaphore_mem>>)
      %dma_wait3A_724 = arith.constant 0 : i32
      %dma_wait3A_725 = tpu.memref_slice %arg2[%dma_wait3A_724] : memref<320000xi32, #tpu.memory_space<hbm>> -> memref<80xi32, #tpu.memory_space<hbm>>
      %dma_wait3A_726 = arith.constant 0 : i32
      %dma_wait3A_727 = tpu.memref_slice %arg2[%dma_wait3A_726] : memref<320000xi32, #tpu.memory_space<hbm>> -> memref<80xi32, #tpu.memory_space<hbm>>
      tpu.wait_dma2 semaphore(%arg77 : memref<!tpu.dma_semaphore, #tpu.memory_space<semaphore_mem>>) src(%dma_wait3A_727 : memref<80xi32, #tpu.memory_space<hbm>>) dst(%arg11 : memref<80xi32, #tpu.memory_space<vmem>>)
      %dma_wait3A_728 = arith.constant 0 : i32
      %dma_wait3A_729 = tpu.memref_slice %arg3[%dma_wait3A_728] : memref<320000xi32, #tpu.memory_space<hbm>> -> memref<80xi32, #tpu.memory_space<hbm>>
      %dma_wait3A_730 = arith.constant 0 : i32
      %dma_wait3A_731 = tpu.memref_slice %arg3[%dma_wait3A_730] : memref<320000xi32, #tpu.memory_space<hbm>> -> memref<80xi32, #tpu.memory_space<hbm>>
      tpu.wait_dma2 semaphore(%arg77 : memref<!tpu.dma_semaphore, #tpu.memory_space<semaphore_mem>>) src(%dma_wait3A_731 : memref<80xi32, #tpu.memory_space<hbm>>) dst(%arg22 : memref<80xi32, #tpu.memory_space<vmem>>)
      %dma_start3A_732 = arith.constant 0 : i32
      %dma_start3A_733 = tpu.memref_slice %arg96[%dma_start3A_732] : memref<10000xi32, #tpu.memory_space<vmem_shared>> -> memref<10000xi32, #tpu.memory_space<vmem_shared>>
      tpu.enqueue_indirect_dma source(%dma_start3A_733 : memref<10000xi32, #tpu.memory_space<vmem_shared>>) target(%arg33 : memref<80xi32, #tpu.memory_space<vmem>>) offsets(%arg11 : memref<80xi32, #tpu.memory_space<vmem>>) semaphore(%arg77 : memref<!tpu.dma_semaphore, #tpu.memory_space<semaphore_mem>>)
      %dma_start3A_734 = arith.constant 0 : i32
      %dma_start3A_735 = tpu.memref_slice %arg96[%dma_start3A_734] : memref<10000xi32, #tpu.memory_space<vmem_shared>> -> memref<10000xi32, #tpu.memory_space<vmem_shared>>
      tpu.enqueue_indirect_dma source(%dma_start3A_735 : memref<10000xi32, #tpu.memory_space<vmem_shared>>) target(%arg44 : memref<80xi32, #tpu.memory_space<vmem>>) offsets(%arg22 : memref<80xi32, #tpu.memory_space<vmem>>) semaphore(%arg77 : memref<!tpu.dma_semaphore, #tpu.memory_space<semaphore_mem>>)
      %dma_wait3A_736 = arith.constant 0 : i32
      %dma_wait3A_737 = tpu.memref_slice %arg2[%dma_wait3A_736] : memref<320000xi32, #tpu.memory_space<hbm>> -> memref<80xi32, #tpu.memory_space<hbm>>
      %dma_wait3A_738 = arith.constant 0 : i32
      %dma_wait3A_739 = tpu.memref_slice %arg2[%dma_wait3A_738] : memref<320000xi32, #tpu.memory_space<hbm>> -> memref<80xi32, #tpu.memory_space<hbm>>
      tpu.wait_dma2 semaphore(%arg78 : memref<!tpu.dma_semaphore, #tpu.memory_space<semaphore_mem>>) src(%dma_wait3A_739 : memref<80xi32, #tpu.memory_space<hbm>>) dst(%arg12 : memref<80xi32, #tpu.memory_space<vmem>>)
      %dma_wait3A_740 = arith.constant 0 : i32
      %dma_wait3A_741 = tpu.memref_slice %arg3[%dma_wait3A_740] : memref<320000xi32, #tpu.memory_space<hbm>> -> memref<80xi32, #tpu.memory_space<hbm>>
      %dma_wait3A_742 = arith.constant 0 : i32
      %dma_wait3A_743 = tpu.memref_slice %arg3[%dma_wait3A_742] : memref<320000xi32, #tpu.memory_space<hbm>> -> memref<80xi32, #tpu.memory_space<hbm>>
      tpu.wait_dma2 semaphore(%arg78 : memref<!tpu.dma_semaphore, #tpu.memory_space<semaphore_mem>>) src(%dma_wait3A_743 : memref<80xi32, #tpu.memory_space<hbm>>) dst(%arg23 : memref<80xi32, #tpu.memory_space<vmem>>)
      %dma_start3A_744 = arith.constant 0 : i32
      %dma_start3A_745 = tpu.memref_slice %arg96[%dma_start3A_744] : memref<10000xi32, #tpu.memory_space<vmem_shared>> -> memref<10000xi32, #tpu.memory_space<vmem_shared>>
      tpu.enqueue_indirect_dma source(%dma_start3A_745 : memref<10000xi32, #tpu.memory_space<vmem_shared>>) target(%arg34 : memref<80xi32, #tpu.memory_space<vmem>>) offsets(%arg12 : memref<80xi32, #tpu.memory_space<vmem>>) semaphore(%arg78 : memref<!tpu.dma_semaphore, #tpu.memory_space<semaphore_mem>>)
      %dma_start3A_746 = arith.constant 0 : i32
      %dma_start3A_747 = tpu.memref_slice %arg96[%dma_start3A_746] : memref<10000xi32, #tpu.memory_space<vmem_shared>> -> memref<10000xi32, #tpu.memory_space<vmem_shared>>
      tpu.enqueue_indirect_dma source(%dma_start3A_747 : memref<10000xi32, #tpu.memory_space<vmem_shared>>) target(%arg45 : memref<80xi32, #tpu.memory_space<vmem>>) offsets(%arg23 : memref<80xi32, #tpu.memory_space<vmem>>) semaphore(%arg78 : memref<!tpu.dma_semaphore, #tpu.memory_space<semaphore_mem>>)
      %dma_wait3A_748 = arith.constant 0 : i32
      %dma_wait3A_749 = tpu.memref_slice %arg2[%dma_wait3A_748] : memref<320000xi32, #tpu.memory_space<hbm>> -> memref<80xi32, #tpu.memory_space<hbm>>
      %dma_wait3A_750 = arith.constant 0 : i32
      %dma_wait3A_751 = tpu.memref_slice %arg2[%dma_wait3A_750] : memref<320000xi32, #tpu.memory_space<hbm>> -> memref<80xi32, #tpu.memory_space<hbm>>
      tpu.wait_dma2 semaphore(%arg79 : memref<!tpu.dma_semaphore, #tpu.memory_space<semaphore_mem>>) src(%dma_wait3A_751 : memref<80xi32, #tpu.memory_space<hbm>>) dst(%arg13 : memref<80xi32, #tpu.memory_space<vmem>>)
      %dma_wait3A_752 = arith.constant 0 : i32
      %dma_wait3A_753 = tpu.memref_slice %arg3[%dma_wait3A_752] : memref<320000xi32, #tpu.memory_space<hbm>> -> memref<80xi32, #tpu.memory_space<hbm>>
      %dma_wait3A_754 = arith.constant 0 : i32
      %dma_wait3A_755 = tpu.memref_slice %arg3[%dma_wait3A_754] : memref<320000xi32, #tpu.memory_space<hbm>> -> memref<80xi32, #tpu.memory_space<hbm>>
      tpu.wait_dma2 semaphore(%arg79 : memref<!tpu.dma_semaphore, #tpu.memory_space<semaphore_mem>>) src(%dma_wait3A_755 : memref<80xi32, #tpu.memory_space<hbm>>) dst(%arg24 : memref<80xi32, #tpu.memory_space<vmem>>)
      %dma_start3A_756 = arith.constant 0 : i32
      %dma_start3A_757 = tpu.memref_slice %arg96[%dma_start3A_756] : memref<10000xi32, #tpu.memory_space<vmem_shared>> -> memref<10000xi32, #tpu.memory_space<vmem_shared>>
      tpu.enqueue_indirect_dma source(%dma_start3A_757 : memref<10000xi32, #tpu.memory_space<vmem_shared>>) target(%arg35 : memref<80xi32, #tpu.memory_space<vmem>>) offsets(%arg13 : memref<80xi32, #tpu.memory_space<vmem>>) semaphore(%arg79 : memref<!tpu.dma_semaphore, #tpu.memory_space<semaphore_mem>>)
      %dma_start3A_758 = arith.constant 0 : i32
      %dma_start3A_759 = tpu.memref_slice %arg96[%dma_start3A_758] : memref<10000xi32, #tpu.memory_space<vmem_shared>> -> memref<10000xi32, #tpu.memory_space<vmem_shared>>
      tpu.enqueue_indirect_dma source(%dma_start3A_759 : memref<10000xi32, #tpu.memory_space<vmem_shared>>) target(%arg46 : memref<80xi32, #tpu.memory_space<vmem>>) offsets(%arg24 : memref<80xi32, #tpu.memory_space<vmem>>) semaphore(%arg79 : memref<!tpu.dma_semaphore, #tpu.memory_space<semaphore_mem>>)
      %dma_wait3A_760 = arith.constant 0 : i32
      %dma_wait3A_761 = tpu.memref_slice %arg2[%dma_wait3A_760] : memref<320000xi32, #tpu.memory_space<hbm>> -> memref<80xi32, #tpu.memory_space<hbm>>
      %dma_wait3A_762 = arith.constant 0 : i32
      %dma_wait3A_763 = tpu.memref_slice %arg2[%dma_wait3A_762] : memref<320000xi32, #tpu.memory_space<hbm>> -> memref<80xi32, #tpu.memory_space<hbm>>
      tpu.wait_dma2 semaphore(%arg80 : memref<!tpu.dma_semaphore, #tpu.memory_space<semaphore_mem>>) src(%dma_wait3A_763 : memref<80xi32, #tpu.memory_space<hbm>>) dst(%arg14 : memref<80xi32, #tpu.memory_space<vmem>>)
      %dma_wait3A_764 = arith.constant 0 : i32
      %dma_wait3A_765 = tpu.memref_slice %arg3[%dma_wait3A_764] : memref<320000xi32, #tpu.memory_space<hbm>> -> memref<80xi32, #tpu.memory_space<hbm>>
      %dma_wait3A_766 = arith.constant 0 : i32
      %dma_wait3A_767 = tpu.memref_slice %arg3[%dma_wait3A_766] : memref<320000xi32, #tpu.memory_space<hbm>> -> memref<80xi32, #tpu.memory_space<hbm>>
      tpu.wait_dma2 semaphore(%arg80 : memref<!tpu.dma_semaphore, #tpu.memory_space<semaphore_mem>>) src(%dma_wait3A_767 : memref<80xi32, #tpu.memory_space<hbm>>) dst(%arg25 : memref<80xi32, #tpu.memory_space<vmem>>)
      %dma_start3A_768 = arith.constant 0 : i32
      %dma_start3A_769 = tpu.memref_slice %arg96[%dma_start3A_768] : memref<10000xi32, #tpu.memory_space<vmem_shared>> -> memref<10000xi32, #tpu.memory_space<vmem_shared>>
      tpu.enqueue_indirect_dma source(%dma_start3A_769 : memref<10000xi32, #tpu.memory_space<vmem_shared>>) target(%arg36 : memref<80xi32, #tpu.memory_space<vmem>>) offsets(%arg14 : memref<80xi32, #tpu.memory_space<vmem>>) semaphore(%arg80 : memref<!tpu.dma_semaphore, #tpu.memory_space<semaphore_mem>>)
      %dma_start3A_770 = arith.constant 0 : i32
      %dma_start3A_771 = tpu.memref_slice %arg96[%dma_start3A_770] : memref<10000xi32, #tpu.memory_space<vmem_shared>> -> memref<10000xi32, #tpu.memory_space<vmem_shared>>
      tpu.enqueue_indirect_dma source(%dma_start3A_771 : memref<10000xi32, #tpu.memory_space<vmem_shared>>) target(%arg47 : memref<80xi32, #tpu.memory_space<vmem>>) offsets(%arg25 : memref<80xi32, #tpu.memory_space<vmem>>) semaphore(%arg80 : memref<!tpu.dma_semaphore, #tpu.memory_space<semaphore_mem>>)
      %dma_wait3A_772 = arith.constant 0 : i32
      %dma_wait3A_773 = tpu.memref_slice %arg2[%dma_wait3A_772] : memref<320000xi32, #tpu.memory_space<hbm>> -> memref<80xi32, #tpu.memory_space<hbm>>
      %dma_wait3A_774 = arith.constant 0 : i32
      %dma_wait3A_775 = tpu.memref_slice %arg2[%dma_wait3A_774] : memref<320000xi32, #tpu.memory_space<hbm>> -> memref<80xi32, #tpu.memory_space<hbm>>
      tpu.wait_dma2 semaphore(%arg81 : memref<!tpu.dma_semaphore, #tpu.memory_space<semaphore_mem>>) src(%dma_wait3A_775 : memref<80xi32, #tpu.memory_space<hbm>>) dst(%arg15 : memref<80xi32, #tpu.memory_space<vmem>>)
      %dma_wait3A_776 = arith.constant 0 : i32
      %dma_wait3A_777 = tpu.memref_slice %arg3[%dma_wait3A_776] : memref<320000xi32, #tpu.memory_space<hbm>> -> memref<80xi32, #tpu.memory_space<hbm>>
      %dma_wait3A_778 = arith.constant 0 : i32
      %dma_wait3A_779 = tpu.memref_slice %arg3[%dma_wait3A_778] : memref<320000xi32, #tpu.memory_space<hbm>> -> memref<80xi32, #tpu.memory_space<hbm>>
      tpu.wait_dma2 semaphore(%arg81 : memref<!tpu.dma_semaphore, #tpu.memory_space<semaphore_mem>>) src(%dma_wait3A_779 : memref<80xi32, #tpu.memory_space<hbm>>) dst(%arg26 : memref<80xi32, #tpu.memory_space<vmem>>)
      %dma_start3A_780 = arith.constant 0 : i32
      %dma_start3A_781 = tpu.memref_slice %arg96[%dma_start3A_780] : memref<10000xi32, #tpu.memory_space<vmem_shared>> -> memref<10000xi32, #tpu.memory_space<vmem_shared>>
      tpu.enqueue_indirect_dma source(%dma_start3A_781 : memref<10000xi32, #tpu.memory_space<vmem_shared>>) target(%arg37 : memref<80xi32, #tpu.memory_space<vmem>>) offsets(%arg15 : memref<80xi32, #tpu.memory_space<vmem>>) semaphore(%arg81 : memref<!tpu.dma_semaphore, #tpu.memory_space<semaphore_mem>>)
      %dma_start3A_782 = arith.constant 0 : i32
      %dma_start3A_783 = tpu.memref_slice %arg96[%dma_start3A_782] : memref<10000xi32, #tpu.memory_space<vmem_shared>> -> memref<10000xi32, #tpu.memory_space<vmem_shared>>
      tpu.enqueue_indirect_dma source(%dma_start3A_783 : memref<10000xi32, #tpu.memory_space<vmem_shared>>) target(%arg48 : memref<80xi32, #tpu.memory_space<vmem>>) offsets(%arg26 : memref<80xi32, #tpu.memory_space<vmem>>) semaphore(%arg81 : memref<!tpu.dma_semaphore, #tpu.memory_space<semaphore_mem>>)
      %dma_wait3A_784 = arith.constant 0 : i32
      %dma_wait3A_785 = tpu.memref_slice %arg2[%dma_wait3A_784] : memref<320000xi32, #tpu.memory_space<hbm>> -> memref<80xi32, #tpu.memory_space<hbm>>
      %dma_wait3A_786 = arith.constant 0 : i32
      %dma_wait3A_787 = tpu.memref_slice %arg2[%dma_wait3A_786] : memref<320000xi32, #tpu.memory_space<hbm>> -> memref<80xi32, #tpu.memory_space<hbm>>
      tpu.wait_dma2 semaphore(%arg82 : memref<!tpu.dma_semaphore, #tpu.memory_space<semaphore_mem>>) src(%dma_wait3A_787 : memref<80xi32, #tpu.memory_space<hbm>>) dst(%arg16 : memref<80xi32, #tpu.memory_space<vmem>>)
      %dma_wait3A_788 = arith.constant 0 : i32
      %dma_wait3A_789 = tpu.memref_slice %arg3[%dma_wait3A_788] : memref<320000xi32, #tpu.memory_space<hbm>> -> memref<80xi32, #tpu.memory_space<hbm>>
      %dma_wait3A_790 = arith.constant 0 : i32
      %dma_wait3A_791 = tpu.memref_slice %arg3[%dma_wait3A_790] : memref<320000xi32, #tpu.memory_space<hbm>> -> memref<80xi32, #tpu.memory_space<hbm>>
      tpu.wait_dma2 semaphore(%arg82 : memref<!tpu.dma_semaphore, #tpu.memory_space<semaphore_mem>>) src(%dma_wait3A_791 : memref<80xi32, #tpu.memory_space<hbm>>) dst(%arg27 : memref<80xi32, #tpu.memory_space<vmem>>)
      %dma_start3A_792 = arith.constant 0 : i32
      %dma_start3A_793 = tpu.memref_slice %arg96[%dma_start3A_792] : memref<10000xi32, #tpu.memory_space<vmem_shared>> -> memref<10000xi32, #tpu.memory_space<vmem_shared>>
      tpu.enqueue_indirect_dma source(%dma_start3A_793 : memref<10000xi32, #tpu.memory_space<vmem_shared>>) target(%arg38 : memref<80xi32, #tpu.memory_space<vmem>>) offsets(%arg16 : memref<80xi32, #tpu.memory_space<vmem>>) semaphore(%arg82 : memref<!tpu.dma_semaphore, #tpu.memory_space<semaphore_mem>>)
      %dma_start3A_794 = arith.constant 0 : i32
      %dma_start3A_795 = tpu.memref_slice %arg96[%dma_start3A_794] : memref<10000xi32, #tpu.memory_space<vmem_shared>> -> memref<10000xi32, #tpu.memory_space<vmem_shared>>
      tpu.enqueue_indirect_dma source(%dma_start3A_795 : memref<10000xi32, #tpu.memory_space<vmem_shared>>) target(%arg49 : memref<80xi32, #tpu.memory_space<vmem>>) offsets(%arg27 : memref<80xi32, #tpu.memory_space<vmem>>) semaphore(%arg82 : memref<!tpu.dma_semaphore, #tpu.memory_space<semaphore_mem>>)
      %dma_wait3A_796 = arith.constant 0 : i32
      %dma_wait3A_797 = tpu.memref_slice %arg2[%dma_wait3A_796] : memref<320000xi32, #tpu.memory_space<hbm>> -> memref<80xi32, #tpu.memory_space<hbm>>
      %dma_wait3A_798 = arith.constant 0 : i32
      %dma_wait3A_799 = tpu.memref_slice %arg2[%dma_wait3A_798] : memref<320000xi32, #tpu.memory_space<hbm>> -> memref<80xi32, #tpu.memory_space<hbm>>
      tpu.wait_dma2 semaphore(%arg83 : memref<!tpu.dma_semaphore, #tpu.memory_space<semaphore_mem>>) src(%dma_wait3A_799 : memref<80xi32, #tpu.memory_space<hbm>>) dst(%arg17 : memref<80xi32, #tpu.memory_space<vmem>>)
      %dma_wait3A_800 = arith.constant 0 : i32
      %dma_wait3A_801 = tpu.memref_slice %arg3[%dma_wait3A_800] : memref<320000xi32, #tpu.memory_space<hbm>> -> memref<80xi32, #tpu.memory_space<hbm>>
      %dma_wait3A_802 = arith.constant 0 : i32
      %dma_wait3A_803 = tpu.memref_slice %arg3[%dma_wait3A_802] : memref<320000xi32, #tpu.memory_space<hbm>> -> memref<80xi32, #tpu.memory_space<hbm>>
      tpu.wait_dma2 semaphore(%arg83 : memref<!tpu.dma_semaphore, #tpu.memory_space<semaphore_mem>>) src(%dma_wait3A_803 : memref<80xi32, #tpu.memory_space<hbm>>) dst(%arg28 : memref<80xi32, #tpu.memory_space<vmem>>)
      %dma_start3A_804 = arith.constant 0 : i32
      %dma_start3A_805 = tpu.memref_slice %arg96[%dma_start3A_804] : memref<10000xi32, #tpu.memory_space<vmem_shared>> -> memref<10000xi32, #tpu.memory_space<vmem_shared>>
      tpu.enqueue_indirect_dma source(%dma_start3A_805 : memref<10000xi32, #tpu.memory_space<vmem_shared>>) target(%arg39 : memref<80xi32, #tpu.memory_space<vmem>>) offsets(%arg17 : memref<80xi32, #tpu.memory_space<vmem>>) semaphore(%arg83 : memref<!tpu.dma_semaphore, #tpu.memory_space<semaphore_mem>>)
      %dma_start3A_806 = arith.constant 0 : i32
      %dma_start3A_807 = tpu.memref_slice %arg96[%dma_start3A_806] : memref<10000xi32, #tpu.memory_space<vmem_shared>> -> memref<10000xi32, #tpu.memory_space<vmem_shared>>
      tpu.enqueue_indirect_dma source(%dma_start3A_807 : memref<10000xi32, #tpu.memory_space<vmem_shared>>) target(%arg50 : memref<80xi32, #tpu.memory_space<vmem>>) offsets(%arg28 : memref<80xi32, #tpu.memory_space<vmem>>) semaphore(%arg83 : memref<!tpu.dma_semaphore, #tpu.memory_space<semaphore_mem>>)
      %gt3A = arith.constant 0 : i32
      %gt3A_808 = arith.cmpi sgt, %scan3A_554, %gt3A : i32
      %dma_wait3A_809 = arith.constant 0 : i32
      %dma_wait3A_810 = tpu.memref_slice %arg96[%dma_wait3A_809] : memref<10000xi32, #tpu.memory_space<vmem_shared>> -> memref<10000xi32, #tpu.memory_space<vmem_shared>>
      tpu.wait_indirect_dma semaphore(%arg73 : memref<!tpu.dma_semaphore, #tpu.memory_space<semaphore_mem>>) src(%dma_wait3A_810 : memref<10000xi32, #tpu.memory_space<vmem_shared>>) dst(%arg29 : memref<80xi32, #tpu.memory_space<vmem>>)
      %dma_wait3A_811 = arith.constant 0 : i32
      %dma_wait3A_812 = tpu.memref_slice %arg96[%dma_wait3A_811] : memref<10000xi32, #tpu.memory_space<vmem_shared>> -> memref<10000xi32, #tpu.memory_space<vmem_shared>>
      tpu.wait_indirect_dma semaphore(%arg73 : memref<!tpu.dma_semaphore, #tpu.memory_space<semaphore_mem>>) src(%dma_wait3A_812 : memref<10000xi32, #tpu.memory_space<vmem_shared>>) dst(%arg40 : memref<80xi32, #tpu.memory_space<vmem>>)
      %scan3A_813 = arith.constant 0 : i32
      %scan3A_814 = arith.constant 0 : i32
      %mul3A_815 = arith.constant 16 : i32
      %mul3A_816 = arith.muli %scan3A_814, %mul3A_815 : i32
      %get3A_817 = arith.index_cast %mul3A_816 : i32 to index
      %get3A_818 = tpu.vector_load %arg29[%get3A_817] {strides = array<i32>} : memref<80xi32, #tpu.memory_space<vmem>>, vector<16xi32>,
      %get3A_819 = vector.shape_cast %get3A_818 : vector<16xi32> to vector<16xi32>
      %mul3A_820 = arith.constant 32 : i32
      %mul3A_821 = vector.broadcast %mul3A_820 : i32 to vector<16xi32>
      %mul3A_822 = arith.muli %get3A_819, %mul3A_821 : vector<16xi32>
      %get3A_823 = arith.index_cast %mul3A_816 : i32 to index
      %get3A_824 = tpu.vector_load %arg40[%get3A_823] {strides = array<i32>} : memref<80xi32, #tpu.memory_space<vmem>>, vector<16xi32>,
      %get3A_825 = vector.shape_cast %get3A_824 : vector<16xi32> to vector<16xi32>
      %add3A_826 = arith.addi %mul3A_822, %get3A_825 : vector<16xi32>
      %swap3A_827 = arith.index_cast %mul3A_816 : i32 to index
      %swap3A_828 = tpu.vector_load %arg51[%swap3A_827] {strides = array<i32>} : memref<80xi32, #tpu.memory_space<vmem>>, vector<16xi32>,
      %swap3A_829 = vector.shape_cast %swap3A_828 : vector<16xi32> to vector<16xi32>
      %swap3A_830 = vector.shape_cast %add3A_826 : vector<16xi32> to vector<16xi32>
      tpu.vector_store %arg51[%swap3A_827], %swap3A_830 {strides = array<i32>} : memref<80xi32, #tpu.memory_space<vmem>>, vector<16xi32>,
      %scan3A_831 = arith.constant 1 : i32
      %mul3A_832 = arith.constant 16 : i32
      %mul3A_833 = arith.muli %scan3A_831, %mul3A_832 : i32
      %get3A_834 = arith.index_cast %mul3A_833 : i32 to index
      %get3A_835 = tpu.vector_load %arg29[%get3A_834] {strides = array<i32>} : memref<80xi32, #tpu.memory_space<vmem>>, vector<16xi32>,
      %get3A_836 = vector.shape_cast %get3A_835 : vector<16xi32> to vector<16xi32>
      %mul3A_837 = arith.constant 32 : i32
      %mul3A_838 = vector.broadcast %mul3A_837 : i32 to vector<16xi32>
      %mul3A_839 = arith.muli %get3A_836, %mul3A_838 : vector<16xi32>
      %get3A_840 = arith.index_cast %mul3A_833 : i32 to index
      %get3A_841 = tpu.vector_load %arg40[%get3A_840] {strides = array<i32>} : memref<80xi32, #tpu.memory_space<vmem>>, vector<16xi32>,
      %get3A_842 = vector.shape_cast %get3A_841 : vector<16xi32> to vector<16xi32>
      %add3A_843 = arith.addi %mul3A_839, %get3A_842 : vector<16xi32>
      %swap3A_844 = arith.index_cast %mul3A_833 : i32 to index
      %swap3A_845 = tpu.vector_load %arg51[%swap3A_844] {strides = array<i32>} : memref<80xi32, #tpu.memory_space<vmem>>, vector<16xi32>,
      %swap3A_846 = vector.shape_cast %swap3A_845 : vector<16xi32> to vector<16xi32>
      %swap3A_847 = vector.shape_cast %add3A_843 : vector<16xi32> to vector<16xi32>
      tpu.vector_store %arg51[%swap3A_844], %swap3A_847 {strides = array<i32>} : memref<80xi32, #tpu.memory_space<vmem>>, vector<16xi32>,
      %scan3A_848 = arith.constant 2 : i32
      %mul3A_849 = arith.constant 16 : i32
      %mul3A_850 = arith.muli %scan3A_848, %mul3A_849 : i32
      %get3A_851 = arith.index_cast %mul3A_850 : i32 to index
      %get3A_852 = tpu.vector_load %arg29[%get3A_851] {strides = array<i32>} : memref<80xi32, #tpu.memory_space<vmem>>, vector<16xi32>,
      %get3A_853 = vector.shape_cast %get3A_852 : vector<16xi32> to vector<16xi32>
      %mul3A_854 = arith.constant 32 : i32
      %mul3A_855 = vector.broadcast %mul3A_854 : i32 to vector<16xi32>
      %mul3A_856 = arith.muli %get3A_853, %mul3A_855 : vector<16xi32>
      %get3A_857 = arith.index_cast %mul3A_850 : i32 to index
      %get3A_858 = tpu.vector_load %arg40[%get3A_857] {strides = array<i32>} : memref<80xi32, #tpu.memory_space<vmem>>, vector<16xi32>,
      %get3A_859 = vector.shape_cast %get3A_858 : vector<16xi32> to vector<16xi32>
      %add3A_860 = arith.addi %mul3A_856, %get3A_859 : vector<16xi32>
      %swap3A_861 = arith.index_cast %mul3A_850 : i32 to index
      %swap3A_862 = tpu.vector_load %arg51[%swap3A_861] {strides = array<i32>} : memref<80xi32, #tpu.memory_space<vmem>>, vector<16xi32>,
      %swap3A_863 = vector.shape_cast %swap3A_862 : vector<16xi32> to vector<16xi32>
      %swap3A_864 = vector.shape_cast %add3A_860 : vector<16xi32> to vector<16xi32>
      tpu.vector_store %arg51[%swap3A_861], %swap3A_864 {strides = array<i32>} : memref<80xi32, #tpu.memory_space<vmem>>, vector<16xi32>,
      %scan3A_865 = arith.constant 3 : i32
      %mul3A_866 = arith.constant 16 : i32
      %mul3A_867 = arith.muli %scan3A_865, %mul3A_866 : i32
      %get3A_868 = arith.index_cast %mul3A_867 : i32 to index
      %get3A_869 = tpu.vector_load %arg29[%get3A_868] {strides = array<i32>} : memref<80xi32, #tpu.memory_space<vmem>>, vector<16xi32>,
      %get3A_870 = vector.shape_cast %get3A_869 : vector<16xi32> to vector<16xi32>
      %mul3A_871 = arith.constant 32 : i32
      %mul3A_872 = vector.broadcast %mul3A_871 : i32 to vector<16xi32>
      %mul3A_873 = arith.muli %get3A_870, %mul3A_872 : vector<16xi32>
      %get3A_874 = arith.index_cast %mul3A_867 : i32 to index
      %get3A_875 = tpu.vector_load %arg40[%get3A_874] {strides = array<i32>} : memref<80xi32, #tpu.memory_space<vmem>>, vector<16xi32>,
      %get3A_876 = vector.shape_cast %get3A_875 : vector<16xi32> to vector<16xi32>
      %add3A_877 = arith.addi %mul3A_873, %get3A_876 : vector<16xi32>
      %swap3A_878 = arith.index_cast %mul3A_867 : i32 to index
      %swap3A_879 = tpu.vector_load %arg51[%swap3A_878] {strides = array<i32>} : memref<80xi32, #tpu.memory_space<vmem>>, vector<16xi32>,
      %swap3A_880 = vector.shape_cast %swap3A_879 : vector<16xi32> to vector<16xi32>
      %swap3A_881 = vector.shape_cast %add3A_877 : vector<16xi32> to vector<16xi32>
      tpu.vector_store %arg51[%swap3A_878], %swap3A_881 {strides = array<i32>} : memref<80xi32, #tpu.memory_space<vmem>>, vector<16xi32>,
      %scan3A_882 = arith.constant 4 : i32
      %mul3A_883 = arith.constant 16 : i32
      %mul3A_884 = arith.muli %scan3A_882, %mul3A_883 : i32
      %get3A_885 = arith.index_cast %mul3A_884 : i32 to index
      %get3A_886 = tpu.vector_load %arg29[%get3A_885] {strides = array<i32>} : memref<80xi32, #tpu.memory_space<vmem>>, vector<16xi32>,
      %get3A_887 = vector.shape_cast %get3A_886 : vector<16xi32> to vector<16xi32>
      %mul3A_888 = arith.constant 32 : i32
      %mul3A_889 = vector.broadcast %mul3A_888 : i32 to vector<16xi32>
      %mul3A_890 = arith.muli %get3A_887, %mul3A_889 : vector<16xi32>
      %get3A_891 = arith.index_cast %mul3A_884 : i32 to index
      %get3A_892 = tpu.vector_load %arg40[%get3A_891] {strides = array<i32>} : memref<80xi32, #tpu.memory_space<vmem>>, vector<16xi32>,
      %get3A_893 = vector.shape_cast %get3A_892 : vector<16xi32> to vector<16xi32>
      %add3A_894 = arith.addi %mul3A_890, %get3A_893 : vector<16xi32>
      %swap3A_895 = arith.index_cast %mul3A_884 : i32 to index
      %swap3A_896 = tpu.vector_load %arg51[%swap3A_895] {strides = array<i32>} : memref<80xi32, #tpu.memory_space<vmem>>, vector<16xi32>,
      %swap3A_897 = vector.shape_cast %swap3A_896 : vector<16xi32> to vector<16xi32>
      %swap3A_898 = vector.shape_cast %add3A_894 : vector<16xi32> to vector<16xi32>
      tpu.vector_store %arg51[%swap3A_895], %swap3A_898 {strides = array<i32>} : memref<80xi32, #tpu.memory_space<vmem>>, vector<16xi32>,
      %scan3A_899 = arith.constant 5 : i32
      %convert_element_type3A_900 = arith.extui %gt3A_808 : i1 to i32
      %cond3A_901 = arith.constant 0 : i32
      %cond3A_902 = arith.cmpi ne, %convert_element_type3A_900, %cond3A_901 : i32
      scf.if %cond3A_902 {
        %dma_wait3A_2050 = arith.constant 0 : i32
        %dma_wait3A_2051 = tpu.memref_slice %arg6[%mul3A_2, %dma_wait3A_2050] : memref<320000x128xf32, #tpu.memory_space<hbm>> -> memref<80x128xf32, #tpu.memory_space<hbm>>
        %dma_wait3A_2052 = arith.constant 0 : i32
        %dma_wait3A_2053 = tpu.memref_slice %arg6[%mul3A_2, %dma_wait3A_2052] : memref<320000x128xf32, #tpu.memory_space<hbm>> -> memref<80x128xf32, #tpu.memory_space<hbm>>
        tpu.wait_dma2 semaphore(%arg84 : memref<!tpu.dma_semaphore, #tpu.memory_space<semaphore_mem>>) src(%arg62 : memref<80x128xf32, #tpu.memory_space<vmem>>) dst(%dma_wait3A_2053 : memref<80x128xf32, #tpu.memory_space<hbm>>)
      } else {
      }
      %dma_start3A_903 = arith.constant 0 : i32
      %dma_start3A_904 = arith.constant 0 : i32
      %dma_start3A_905 = tpu.memref_slice %arg95[%dma_start3A_903, %dma_start3A_904] : memref<1024x128xf32, #tpu.memory_space<vmem_shared>> -> memref<1024x128xf32, #tpu.memory_space<vmem_shared>>
      tpu.enqueue_indirect_dma source(%dma_start3A_905 : memref<1024x128xf32, #tpu.memory_space<vmem_shared>>) target(%arg62 : memref<80x128xf32, #tpu.memory_space<vmem>>) offsets(%arg51 : memref<80xi32, #tpu.memory_space<vmem>>) semaphore(%arg73 : memref<!tpu.dma_semaphore, #tpu.memory_space<semaphore_mem>>)
      %gt3A_906 = arith.constant 0 : i32
      %gt3A_907 = arith.cmpi sgt, %scan3A_554, %gt3A_906 : i32
      %dma_wait3A_908 = arith.constant 0 : i32
      %dma_wait3A_909 = tpu.memref_slice %arg96[%dma_wait3A_908] : memref<10000xi32, #tpu.memory_space<vmem_shared>> -> memref<10000xi32, #tpu.memory_space<vmem_shared>>
      tpu.wait_indirect_dma semaphore(%arg74 : memref<!tpu.dma_semaphore, #tpu.memory_space<semaphore_mem>>) src(%dma_wait3A_909 : memref<10000xi32, #tpu.memory_space<vmem_shared>>) dst(%arg30 : memref<80xi32, #tpu.memory_space<vmem>>)
      %dma_wait3A_910 = arith.constant 0 : i32
      %dma_wait3A_911 = tpu.memref_slice %arg96[%dma_wait3A_910] : memref<10000xi32, #tpu.memory_space<vmem_shared>> -> memref<10000xi32, #tpu.memory_space<vmem_shared>>
      tpu.wait_indirect_dma semaphore(%arg74 : memref<!tpu.dma_semaphore, #tpu.memory_space<semaphore_mem>>) src(%dma_wait3A_911 : memref<10000xi32, #tpu.memory_space<vmem_shared>>) dst(%arg41 : memref<80xi32, #tpu.memory_space<vmem>>)
      %scan3A_912 = arith.constant 0 : i32
      %scan3A_913 = arith.constant 0 : i32
      %mul3A_914 = arith.constant 16 : i32
      %mul3A_915 = arith.muli %scan3A_913, %mul3A_914 : i32
      %get3A_916 = arith.index_cast %mul3A_915 : i32 to index
      %get3A_917 = tpu.vector_load %arg30[%get3A_916] {strides = array<i32>} : memref<80xi32, #tpu.memory_space<vmem>>, vector<16xi32>,
      %get3A_918 = vector.shape_cast %get3A_917 : vector<16xi32> to vector<16xi32>
      %mul3A_919 = arith.constant 32 : i32
      %mul3A_920 = vector.broadcast %mul3A_919 : i32 to vector<16xi32>
      %mul3A_921 = arith.muli %get3A_918, %mul3A_920 : vector<16xi32>
      %get3A_922 = arith.index_cast %mul3A_915 : i32 to index
      %get3A_923 = tpu.vector_load %arg41[%get3A_922] {strides = array<i32>} : memref<80xi32, #tpu.memory_space<vmem>>, vector<16xi32>,
      %get3A_924 = vector.shape_cast %get3A_923 : vector<16xi32> to vector<16xi32>
      %add3A_925 = arith.addi %mul3A_921, %get3A_924 : vector<16xi32>
      %swap3A_926 = arith.index_cast %mul3A_915 : i32 to index
      %swap3A_927 = tpu.vector_load %arg52[%swap3A_926] {strides = array<i32>} : memref<80xi32, #tpu.memory_space<vmem>>, vector<16xi32>,
      %swap3A_928 = vector.shape_cast %swap3A_927 : vector<16xi32> to vector<16xi32>
      %swap3A_929 = vector.shape_cast %add3A_925 : vector<16xi32> to vector<16xi32>
      tpu.vector_store %arg52[%swap3A_926], %swap3A_929 {strides = array<i32>} : memref<80xi32, #tpu.memory_space<vmem>>, vector<16xi32>,
      %scan3A_930 = arith.constant 1 : i32
      %mul3A_931 = arith.constant 16 : i32
      %mul3A_932 = arith.muli %scan3A_930, %mul3A_931 : i32
      %get3A_933 = arith.index_cast %mul3A_932 : i32 to index
      %get3A_934 = tpu.vector_load %arg30[%get3A_933] {strides = array<i32>} : memref<80xi32, #tpu.memory_space<vmem>>, vector<16xi32>,
      %get3A_935 = vector.shape_cast %get3A_934 : vector<16xi32> to vector<16xi32>
      %mul3A_936 = arith.constant 32 : i32
      %mul3A_937 = vector.broadcast %mul3A_936 : i32 to vector<16xi32>
      %mul3A_938 = arith.muli %get3A_935, %mul3A_937 : vector<16xi32>
      %get3A_939 = arith.index_cast %mul3A_932 : i32 to index
      %get3A_940 = tpu.vector_load %arg41[%get3A_939] {strides = array<i32>} : memref<80xi32, #tpu.memory_space<vmem>>, vector<16xi32>,
      %get3A_941 = vector.shape_cast %get3A_940 : vector<16xi32> to vector<16xi32>
      %add3A_942 = arith.addi %mul3A_938, %get3A_941 : vector<16xi32>
      %swap3A_943 = arith.index_cast %mul3A_932 : i32 to index
      %swap3A_944 = tpu.vector_load %arg52[%swap3A_943] {strides = array<i32>} : memref<80xi32, #tpu.memory_space<vmem>>, vector<16xi32>,
      %swap3A_945 = vector.shape_cast %swap3A_944 : vector<16xi32> to vector<16xi32>
      %swap3A_946 = vector.shape_cast %add3A_942 : vector<16xi32> to vector<16xi32>
      tpu.vector_store %arg52[%swap3A_943], %swap3A_946 {strides = array<i32>} : memref<80xi32, #tpu.memory_space<vmem>>, vector<16xi32>,
      %scan3A_947 = arith.constant 2 : i32
      %mul3A_948 = arith.constant 16 : i32
      %mul3A_949 = arith.muli %scan3A_947, %mul3A_948 : i32
      %get3A_950 = arith.index_cast %mul3A_949 : i32 to index
      %get3A_951 = tpu.vector_load %arg30[%get3A_950] {strides = array<i32>} : memref<80xi32, #tpu.memory_space<vmem>>, vector<16xi32>,
      %get3A_952 = vector.shape_cast %get3A_951 : vector<16xi32> to vector<16xi32>
      %mul3A_953 = arith.constant 32 : i32
      %mul3A_954 = vector.broadcast %mul3A_953 : i32 to vector<16xi32>
      %mul3A_955 = arith.muli %get3A_952, %mul3A_954 : vector<16xi32>
      %get3A_956 = arith.index_cast %mul3A_949 : i32 to index
      %get3A_957 = tpu.vector_load %arg41[%get3A_956] {strides = array<i32>} : memref<80xi32, #tpu.memory_space<vmem>>, vector<16xi32>,
      %get3A_958 = vector.shape_cast %get3A_957 : vector<16xi32> to vector<16xi32>
      %add3A_959 = arith.addi %mul3A_955, %get3A_958 : vector<16xi32>
      %swap3A_960 = arith.index_cast %mul3A_949 : i32 to index
      %swap3A_961 = tpu.vector_load %arg52[%swap3A_960] {strides = array<i32>} : memref<80xi32, #tpu.memory_space<vmem>>, vector<16xi32>,
      %swap3A_962 = vector.shape_cast %swap3A_961 : vector<16xi32> to vector<16xi32>
      %swap3A_963 = vector.shape_cast %add3A_959 : vector<16xi32> to vector<16xi32>
      tpu.vector_store %arg52[%swap3A_960], %swap3A_963 {strides = array<i32>} : memref<80xi32, #tpu.memory_space<vmem>>, vector<16xi32>,
      %scan3A_964 = arith.constant 3 : i32
      %mul3A_965 = arith.constant 16 : i32
      %mul3A_966 = arith.muli %scan3A_964, %mul3A_965 : i32
      %get3A_967 = arith.index_cast %mul3A_966 : i32 to index
      %get3A_968 = tpu.vector_load %arg30[%get3A_967] {strides = array<i32>} : memref<80xi32, #tpu.memory_space<vmem>>, vector<16xi32>,
      %get3A_969 = vector.shape_cast %get3A_968 : vector<16xi32> to vector<16xi32>
      %mul3A_970 = arith.constant 32 : i32
      %mul3A_971 = vector.broadcast %mul3A_970 : i32 to vector<16xi32>
      %mul3A_972 = arith.muli %get3A_969, %mul3A_971 : vector<16xi32>
      %get3A_973 = arith.index_cast %mul3A_966 : i32 to index
      %get3A_974 = tpu.vector_load %arg41[%get3A_973] {strides = array<i32>} : memref<80xi32, #tpu.memory_space<vmem>>, vector<16xi32>,
      %get3A_975 = vector.shape_cast %get3A_974 : vector<16xi32> to vector<16xi32>
      %add3A_976 = arith.addi %mul3A_972, %get3A_975 : vector<16xi32>
      %swap3A_977 = arith.index_cast %mul3A_966 : i32 to index
      %swap3A_978 = tpu.vector_load %arg52[%swap3A_977] {strides = array<i32>} : memref<80xi32, #tpu.memory_space<vmem>>, vector<16xi32>,
      %swap3A_979 = vector.shape_cast %swap3A_978 : vector<16xi32> to vector<16xi32>
      %swap3A_980 = vector.shape_cast %add3A_976 : vector<16xi32> to vector<16xi32>
      tpu.vector_store %arg52[%swap3A_977], %swap3A_980 {strides = array<i32>} : memref<80xi32, #tpu.memory_space<vmem>>, vector<16xi32>,
      %scan3A_981 = arith.constant 4 : i32
      %mul3A_982 = arith.constant 16 : i32
      %mul3A_983 = arith.muli %scan3A_981, %mul3A_982 : i32
      %get3A_984 = arith.index_cast %mul3A_983 : i32 to index
      %get3A_985 = tpu.vector_load %arg30[%get3A_984] {strides = array<i32>} : memref<80xi32, #tpu.memory_space<vmem>>, vector<16xi32>,
      %get3A_986 = vector.shape_cast %get3A_985 : vector<16xi32> to vector<16xi32>
      %mul3A_987 = arith.constant 32 : i32
      %mul3A_988 = vector.broadcast %mul3A_987 : i32 to vector<16xi32>
      %mul3A_989 = arith.muli %get3A_986, %mul3A_988 : vector<16xi32>
      %get3A_990 = arith.index_cast %mul3A_983 : i32 to index
      %get3A_991 = tpu.vector_load %arg41[%get3A_990] {strides = array<i32>} : memref<80xi32, #tpu.memory_space<vmem>>, vector<16xi32>,
      %get3A_992 = vector.shape_cast %get3A_991 : vector<16xi32> to vector<16xi32>
      %add3A_993 = arith.addi %mul3A_989, %get3A_992 : vector<16xi32>
      %swap3A_994 = arith.index_cast %mul3A_983 : i32 to index
      %swap3A_995 = tpu.vector_load %arg52[%swap3A_994] {strides = array<i32>} : memref<80xi32, #tpu.memory_space<vmem>>, vector<16xi32>,
      %swap3A_996 = vector.shape_cast %swap3A_995 : vector<16xi32> to vector<16xi32>
      %swap3A_997 = vector.shape_cast %add3A_993 : vector<16xi32> to vector<16xi32>
      tpu.vector_store %arg52[%swap3A_994], %swap3A_997 {strides = array<i32>} : memref<80xi32, #tpu.memory_space<vmem>>, vector<16xi32>,
      %scan3A_998 = arith.constant 5 : i32
      %convert_element_type3A_999 = arith.extui %gt3A_907 : i1 to i32
      %cond3A_1000 = arith.constant 0 : i32
      %cond3A_1001 = arith.cmpi ne, %convert_element_type3A_999, %cond3A_1000 : i32
      scf.if %cond3A_1001 {
        %dma_wait3A_2050 = arith.constant 0 : i32
        %dma_wait3A_2051 = tpu.memref_slice %arg6[%mul3A_2, %dma_wait3A_2050] : memref<320000x128xf32, #tpu.memory_space<hbm>> -> memref<80x128xf32, #tpu.memory_space<hbm>>
        %dma_wait3A_2052 = arith.constant 0 : i32
        %dma_wait3A_2053 = tpu.memref_slice %arg6[%mul3A_2, %dma_wait3A_2052] : memref<320000x128xf32, #tpu.memory_space<hbm>> -> memref<80x128xf32, #tpu.memory_space<hbm>>
        tpu.wait_dma2 semaphore(%arg85 : memref<!tpu.dma_semaphore, #tpu.memory_space<semaphore_mem>>) src(%arg63 : memref<80x128xf32, #tpu.memory_space<vmem>>) dst(%dma_wait3A_2053 : memref<80x128xf32, #tpu.memory_space<hbm>>)
      } else {
      }
      %dma_start3A_1002 = arith.constant 0 : i32
      %dma_start3A_1003 = arith.constant 0 : i32
      %dma_start3A_1004 = tpu.memref_slice %arg95[%dma_start3A_1002, %dma_start3A_1003] : memref<1024x128xf32, #tpu.memory_space<vmem_shared>> -> memref<1024x128xf32, #tpu.memory_space<vmem_shared>>
      tpu.enqueue_indirect_dma source(%dma_start3A_1004 : memref<1024x128xf32, #tpu.memory_space<vmem_shared>>) target(%arg63 : memref<80x128xf32, #tpu.memory_space<vmem>>) offsets(%arg52 : memref<80xi32, #tpu.memory_space<vmem>>) semaphore(%arg74 : memref<!tpu.dma_semaphore, #tpu.memory_space<semaphore_mem>>)
      %gt3A_1005 = arith.constant 0 : i32
      %gt3A_1006 = arith.cmpi sgt, %scan3A_554, %gt3A_1005 : i32
      %dma_wait3A_1007 = arith.constant 0 : i32
      %dma_wait3A_1008 = tpu.memref_slice %arg96[%dma_wait3A_1007] : memref<10000xi32, #tpu.memory_space<vmem_shared>> -> memref<10000xi32, #tpu.memory_space<vmem_shared>>
      tpu.wait_indirect_dma semaphore(%arg75 : memref<!tpu.dma_semaphore, #tpu.memory_space<semaphore_mem>>) src(%dma_wait3A_1008 : memref<10000xi32, #tpu.memory_space<vmem_shared>>) dst(%arg31 : memref<80xi32, #tpu.memory_space<vmem>>)
      %dma_wait3A_1009 = arith.constant 0 : i32
      %dma_wait3A_1010 = tpu.memref_slice %arg96[%dma_wait3A_1009] : memref<10000xi32, #tpu.memory_space<vmem_shared>> -> memref<10000xi32, #tpu.memory_space<vmem_shared>>
      tpu.wait_indirect_dma semaphore(%arg75 : memref<!tpu.dma_semaphore, #tpu.memory_space<semaphore_mem>>) src(%dma_wait3A_1010 : memref<10000xi32, #tpu.memory_space<vmem_shared>>) dst(%arg42 : memref<80xi32, #tpu.memory_space<vmem>>)
      %scan3A_1011 = arith.constant 0 : i32
      %scan3A_1012 = arith.constant 0 : i32
      %mul3A_1013 = arith.constant 16 : i32
      %mul3A_1014 = arith.muli %scan3A_1012, %mul3A_1013 : i32
      %get3A_1015 = arith.index_cast %mul3A_1014 : i32 to index
      %get3A_1016 = tpu.vector_load %arg31[%get3A_1015] {strides = array<i32>} : memref<80xi32, #tpu.memory_space<vmem>>, vector<16xi32>,
      %get3A_1017 = vector.shape_cast %get3A_1016 : vector<16xi32> to vector<16xi32>
      %mul3A_1018 = arith.constant 32 : i32
      %mul3A_1019 = vector.broadcast %mul3A_1018 : i32 to vector<16xi32>
      %mul3A_1020 = arith.muli %get3A_1017, %mul3A_1019 : vector<16xi32>
      %get3A_1021 = arith.index_cast %mul3A_1014 : i32 to index
      %get3A_1022 = tpu.vector_load %arg42[%get3A_1021] {strides = array<i32>} : memref<80xi32, #tpu.memory_space<vmem>>, vector<16xi32>,
      %get3A_1023 = vector.shape_cast %get3A_1022 : vector<16xi32> to vector<16xi32>
      %add3A_1024 = arith.addi %mul3A_1020, %get3A_1023 : vector<16xi32>
      %swap3A_1025 = arith.index_cast %mul3A_1014 : i32 to index
      %swap3A_1026 = tpu.vector_load %arg53[%swap3A_1025] {strides = array<i32>} : memref<80xi32, #tpu.memory_space<vmem>>, vector<16xi32>,
      %swap3A_1027 = vector.shape_cast %swap3A_1026 : vector<16xi32> to vector<16xi32>
      %swap3A_1028 = vector.shape_cast %add3A_1024 : vector<16xi32> to vector<16xi32>
      tpu.vector_store %arg53[%swap3A_1025], %swap3A_1028 {strides = array<i32>} : memref<80xi32, #tpu.memory_space<vmem>>, vector<16xi32>,
      %scan3A_1029 = arith.constant 1 : i32
      %mul3A_1030 = arith.constant 16 : i32
      %mul3A_1031 = arith.muli %scan3A_1029, %mul3A_1030 : i32
      %get3A_1032 = arith.index_cast %mul3A_1031 : i32 to index
      %get3A_1033 = tpu.vector_load %arg31[%get3A_1032] {strides = array<i32>} : memref<80xi32, #tpu.memory_space<vmem>>, vector<16xi32>,
      %get3A_1034 = vector.shape_cast %get3A_1033 : vector<16xi32> to vector<16xi32>
      %mul3A_1035 = arith.constant 32 : i32
      %mul3A_1036 = vector.broadcast %mul3A_1035 : i32 to vector<16xi32>
      %mul3A_1037 = arith.muli %get3A_1034, %mul3A_1036 : vector<16xi32>
      %get3A_1038 = arith.index_cast %mul3A_1031 : i32 to index
      %get3A_1039 = tpu.vector_load %arg42[%get3A_1038] {strides = array<i32>} : memref<80xi32, #tpu.memory_space<vmem>>, vector<16xi32>,
      %get3A_1040 = vector.shape_cast %get3A_1039 : vector<16xi32> to vector<16xi32>
      %add3A_1041 = arith.addi %mul3A_1037, %get3A_1040 : vector<16xi32>
      %swap3A_1042 = arith.index_cast %mul3A_1031 : i32 to index
      %swap3A_1043 = tpu.vector_load %arg53[%swap3A_1042] {strides = array<i32>} : memref<80xi32, #tpu.memory_space<vmem>>, vector<16xi32>,
      %swap3A_1044 = vector.shape_cast %swap3A_1043 : vector<16xi32> to vector<16xi32>
      %swap3A_1045 = vector.shape_cast %add3A_1041 : vector<16xi32> to vector<16xi32>
      tpu.vector_store %arg53[%swap3A_1042], %swap3A_1045 {strides = array<i32>} : memref<80xi32, #tpu.memory_space<vmem>>, vector<16xi32>,
      %scan3A_1046 = arith.constant 2 : i32
      %mul3A_1047 = arith.constant 16 : i32
      %mul3A_1048 = arith.muli %scan3A_1046, %mul3A_1047 : i32
      %get3A_1049 = arith.index_cast %mul3A_1048 : i32 to index
      %get3A_1050 = tpu.vector_load %arg31[%get3A_1049] {strides = array<i32>} : memref<80xi32, #tpu.memory_space<vmem>>, vector<16xi32>,
      %get3A_1051 = vector.shape_cast %get3A_1050 : vector<16xi32> to vector<16xi32>
      %mul3A_1052 = arith.constant 32 : i32
      %mul3A_1053 = vector.broadcast %mul3A_1052 : i32 to vector<16xi32>
      %mul3A_1054 = arith.muli %get3A_1051, %mul3A_1053 : vector<16xi32>
      %get3A_1055 = arith.index_cast %mul3A_1048 : i32 to index
      %get3A_1056 = tpu.vector_load %arg42[%get3A_1055] {strides = array<i32>} : memref<80xi32, #tpu.memory_space<vmem>>, vector<16xi32>,
      %get3A_1057 = vector.shape_cast %get3A_1056 : vector<16xi32> to vector<16xi32>
      %add3A_1058 = arith.addi %mul3A_1054, %get3A_1057 : vector<16xi32>
      %swap3A_1059 = arith.index_cast %mul3A_1048 : i32 to index
      %swap3A_1060 = tpu.vector_load %arg53[%swap3A_1059] {strides = array<i32>} : memref<80xi32, #tpu.memory_space<vmem>>, vector<16xi32>,
      %swap3A_1061 = vector.shape_cast %swap3A_1060 : vector<16xi32> to vector<16xi32>
      %swap3A_1062 = vector.shape_cast %add3A_1058 : vector<16xi32> to vector<16xi32>
      tpu.vector_store %arg53[%swap3A_1059], %swap3A_1062 {strides = array<i32>} : memref<80xi32, #tpu.memory_space<vmem>>, vector<16xi32>,
      %scan3A_1063 = arith.constant 3 : i32
      %mul3A_1064 = arith.constant 16 : i32
      %mul3A_1065 = arith.muli %scan3A_1063, %mul3A_1064 : i32
      %get3A_1066 = arith.index_cast %mul3A_1065 : i32 to index
      %get3A_1067 = tpu.vector_load %arg31[%get3A_1066] {strides = array<i32>} : memref<80xi32, #tpu.memory_space<vmem>>, vector<16xi32>,
      %get3A_1068 = vector.shape_cast %get3A_1067 : vector<16xi32> to vector<16xi32>
      %mul3A_1069 = arith.constant 32 : i32
      %mul3A_1070 = vector.broadcast %mul3A_1069 : i32 to vector<16xi32>
      %mul3A_1071 = arith.muli %get3A_1068, %mul3A_1070 : vector<16xi32>
      %get3A_1072 = arith.index_cast %mul3A_1065 : i32 to index
      %get3A_1073 = tpu.vector_load %arg42[%get3A_1072] {strides = array<i32>} : memref<80xi32, #tpu.memory_space<vmem>>, vector<16xi32>,
      %get3A_1074 = vector.shape_cast %get3A_1073 : vector<16xi32> to vector<16xi32>
      %add3A_1075 = arith.addi %mul3A_1071, %get3A_1074 : vector<16xi32>
      %swap3A_1076 = arith.index_cast %mul3A_1065 : i32 to index
      %swap3A_1077 = tpu.vector_load %arg53[%swap3A_1076] {strides = array<i32>} : memref<80xi32, #tpu.memory_space<vmem>>, vector<16xi32>,
      %swap3A_1078 = vector.shape_cast %swap3A_1077 : vector<16xi32> to vector<16xi32>
      %swap3A_1079 = vector.shape_cast %add3A_1075 : vector<16xi32> to vector<16xi32>
      tpu.vector_store %arg53[%swap3A_1076], %swap3A_1079 {strides = array<i32>} : memref<80xi32, #tpu.memory_space<vmem>>, vector<16xi32>,
      %scan3A_1080 = arith.constant 4 : i32
      %mul3A_1081 = arith.constant 16 : i32
      %mul3A_1082 = arith.muli %scan3A_1080, %mul3A_1081 : i32
      %get3A_1083 = arith.index_cast %mul3A_1082 : i32 to index
      %get3A_1084 = tpu.vector_load %arg31[%get3A_1083] {strides = array<i32>} : memref<80xi32, #tpu.memory_space<vmem>>, vector<16xi32>,
      %get3A_1085 = vector.shape_cast %get3A_1084 : vector<16xi32> to vector<16xi32>
      %mul3A_1086 = arith.constant 32 : i32
      %mul3A_1087 = vector.broadcast %mul3A_1086 : i32 to vector<16xi32>
      %mul3A_1088 = arith.muli %get3A_1085, %mul3A_1087 : vector<16xi32>
      %get3A_1089 = arith.index_cast %mul3A_1082 : i32 to index
      %get3A_1090 = tpu.vector_load %arg42[%get3A_1089] {strides = array<i32>} : memref<80xi32, #tpu.memory_space<vmem>>, vector<16xi32>,
      %get3A_1091 = vector.shape_cast %get3A_1090 : vector<16xi32> to vector<16xi32>
      %add3A_1092 = arith.addi %mul3A_1088, %get3A_1091 : vector<16xi32>
      %swap3A_1093 = arith.index_cast %mul3A_1082 : i32 to index
      %swap3A_1094 = tpu.vector_load %arg53[%swap3A_1093] {strides = array<i32>} : memref<80xi32, #tpu.memory_space<vmem>>, vector<16xi32>,
      %swap3A_1095 = vector.shape_cast %swap3A_1094 : vector<16xi32> to vector<16xi32>
      %swap3A_1096 = vector.shape_cast %add3A_1092 : vector<16xi32> to vector<16xi32>
      tpu.vector_store %arg53[%swap3A_1093], %swap3A_1096 {strides = array<i32>} : memref<80xi32, #tpu.memory_space<vmem>>, vector<16xi32>,
      %scan3A_1097 = arith.constant 5 : i32
      %convert_element_type3A_1098 = arith.extui %gt3A_1006 : i1 to i32
      %cond3A_1099 = arith.constant 0 : i32
      %cond3A_1100 = arith.cmpi ne, %convert_element_type3A_1098, %cond3A_1099 : i32
      scf.if %cond3A_1100 {
        %dma_wait3A_2050 = arith.constant 0 : i32
        %dma_wait3A_2051 = tpu.memref_slice %arg6[%mul3A_2, %dma_wait3A_2050] : memref<320000x128xf32, #tpu.memory_space<hbm>> -> memref<80x128xf32, #tpu.memory_space<hbm>>
        %dma_wait3A_2052 = arith.constant 0 : i32
        %dma_wait3A_2053 = tpu.memref_slice %arg6[%mul3A_2, %dma_wait3A_2052] : memref<320000x128xf32, #tpu.memory_space<hbm>> -> memref<80x128xf32, #tpu.memory_space<hbm>>
        tpu.wait_dma2 semaphore(%arg86 : memref<!tpu.dma_semaphore, #tpu.memory_space<semaphore_mem>>) src(%arg64 : memref<80x128xf32, #tpu.memory_space<vmem>>) dst(%dma_wait3A_2053 : memref<80x128xf32, #tpu.memory_space<hbm>>)
      } else {
      }
      %dma_start3A_1101 = arith.constant 0 : i32
      %dma_start3A_1102 = arith.constant 0 : i32
      %dma_start3A_1103 = tpu.memref_slice %arg95[%dma_start3A_1101, %dma_start3A_1102] : memref<1024x128xf32, #tpu.memory_space<vmem_shared>> -> memref<1024x128xf32, #tpu.memory_space<vmem_shared>>
      tpu.enqueue_indirect_dma source(%dma_start3A_1103 : memref<1024x128xf32, #tpu.memory_space<vmem_shared>>) target(%arg64 : memref<80x128xf32, #tpu.memory_space<vmem>>) offsets(%arg53 : memref<80xi32, #tpu.memory_space<vmem>>) semaphore(%arg75 : memref<!tpu.dma_semaphore, #tpu.memory_space<semaphore_mem>>)
      %gt3A_1104 = arith.constant 0 : i32
      %gt3A_1105 = arith.cmpi sgt, %scan3A_554, %gt3A_1104 : i32
      %dma_wait3A_1106 = arith.constant 0 : i32
      %dma_wait3A_1107 = tpu.memref_slice %arg96[%dma_wait3A_1106] : memref<10000xi32, #tpu.memory_space<vmem_shared>> -> memref<10000xi32, #tpu.memory_space<vmem_shared>>
      tpu.wait_indirect_dma semaphore(%arg76 : memref<!tpu.dma_semaphore, #tpu.memory_space<semaphore_mem>>) src(%dma_wait3A_1107 : memref<10000xi32, #tpu.memory_space<vmem_shared>>) dst(%arg32 : memref<80xi32, #tpu.memory_space<vmem>>)
      %dma_wait3A_1108 = arith.constant 0 : i32
      %dma_wait3A_1109 = tpu.memref_slice %arg96[%dma_wait3A_1108] : memref<10000xi32, #tpu.memory_space<vmem_shared>> -> memref<10000xi32, #tpu.memory_space<vmem_shared>>
      tpu.wait_indirect_dma semaphore(%arg76 : memref<!tpu.dma_semaphore, #tpu.memory_space<semaphore_mem>>) src(%dma_wait3A_1109 : memref<10000xi32, #tpu.memory_space<vmem_shared>>) dst(%arg43 : memref<80xi32, #tpu.memory_space<vmem>>)
      %scan3A_1110 = arith.constant 0 : i32
      %scan3A_1111 = arith.constant 0 : i32
      %mul3A_1112 = arith.constant 16 : i32
      %mul3A_1113 = arith.muli %scan3A_1111, %mul3A_1112 : i32
      %get3A_1114 = arith.index_cast %mul3A_1113 : i32 to index
      %get3A_1115 = tpu.vector_load %arg32[%get3A_1114] {strides = array<i32>} : memref<80xi32, #tpu.memory_space<vmem>>, vector<16xi32>,
      %get3A_1116 = vector.shape_cast %get3A_1115 : vector<16xi32> to vector<16xi32>
      %mul3A_1117 = arith.constant 32 : i32
      %mul3A_1118 = vector.broadcast %mul3A_1117 : i32 to vector<16xi32>
      %mul3A_1119 = arith.muli %get3A_1116, %mul3A_1118 : vector<16xi32>
      %get3A_1120 = arith.index_cast %mul3A_1113 : i32 to index
      %get3A_1121 = tpu.vector_load %arg43[%get3A_1120] {strides = array<i32>} : memref<80xi32, #tpu.memory_space<vmem>>, vector<16xi32>,
      %get3A_1122 = vector.shape_cast %get3A_1121 : vector<16xi32> to vector<16xi32>
      %add3A_1123 = arith.addi %mul3A_1119, %get3A_1122 : vector<16xi32>
      %swap3A_1124 = arith.index_cast %mul3A_1113 : i32 to index
      %swap3A_1125 = tpu.vector_load %arg54[%swap3A_1124] {strides = array<i32>} : memref<80xi32, #tpu.memory_space<vmem>>, vector<16xi32>,
      %swap3A_1126 = vector.shape_cast %swap3A_1125 : vector<16xi32> to vector<16xi32>
      %swap3A_1127 = vector.shape_cast %add3A_1123 : vector<16xi32> to vector<16xi32>
      tpu.vector_store %arg54[%swap3A_1124], %swap3A_1127 {strides = array<i32>} : memref<80xi32, #tpu.memory_space<vmem>>, vector<16xi32>,
      %scan3A_1128 = arith.constant 1 : i32
      %mul3A_1129 = arith.constant 16 : i32
      %mul3A_1130 = arith.muli %scan3A_1128, %mul3A_1129 : i32
      %get3A_1131 = arith.index_cast %mul3A_1130 : i32 to index
      %get3A_1132 = tpu.vector_load %arg32[%get3A_1131] {strides = array<i32>} : memref<80xi32, #tpu.memory_space<vmem>>, vector<16xi32>,
      %get3A_1133 = vector.shape_cast %get3A_1132 : vector<16xi32> to vector<16xi32>
      %mul3A_1134 = arith.constant 32 : i32
      %mul3A_1135 = vector.broadcast %mul3A_1134 : i32 to vector<16xi32>
      %mul3A_1136 = arith.muli %get3A_1133, %mul3A_1135 : vector<16xi32>
      %get3A_1137 = arith.index_cast %mul3A_1130 : i32 to index
      %get3A_1138 = tpu.vector_load %arg43[%get3A_1137] {strides = array<i32>} : memref<80xi32, #tpu.memory_space<vmem>>, vector<16xi32>,
      %get3A_1139 = vector.shape_cast %get3A_1138 : vector<16xi32> to vector<16xi32>
      %add3A_1140 = arith.addi %mul3A_1136, %get3A_1139 : vector<16xi32>
      %swap3A_1141 = arith.index_cast %mul3A_1130 : i32 to index
      %swap3A_1142 = tpu.vector_load %arg54[%swap3A_1141] {strides = array<i32>} : memref<80xi32, #tpu.memory_space<vmem>>, vector<16xi32>,
      %swap3A_1143 = vector.shape_cast %swap3A_1142 : vector<16xi32> to vector<16xi32>
      %swap3A_1144 = vector.shape_cast %add3A_1140 : vector<16xi32> to vector<16xi32>
      tpu.vector_store %arg54[%swap3A_1141], %swap3A_1144 {strides = array<i32>} : memref<80xi32, #tpu.memory_space<vmem>>, vector<16xi32>,
      %scan3A_1145 = arith.constant 2 : i32
      %mul3A_1146 = arith.constant 16 : i32
      %mul3A_1147 = arith.muli %scan3A_1145, %mul3A_1146 : i32
      %get3A_1148 = arith.index_cast %mul3A_1147 : i32 to index
      %get3A_1149 = tpu.vector_load %arg32[%get3A_1148] {strides = array<i32>} : memref<80xi32, #tpu.memory_space<vmem>>, vector<16xi32>,
      %get3A_1150 = vector.shape_cast %get3A_1149 : vector<16xi32> to vector<16xi32>
      %mul3A_1151 = arith.constant 32 : i32
      %mul3A_1152 = vector.broadcast %mul3A_1151 : i32 to vector<16xi32>
      %mul3A_1153 = arith.muli %get3A_1150, %mul3A_1152 : vector<16xi32>
      %get3A_1154 = arith.index_cast %mul3A_1147 : i32 to index
      %get3A_1155 = tpu.vector_load %arg43[%get3A_1154] {strides = array<i32>} : memref<80xi32, #tpu.memory_space<vmem>>, vector<16xi32>,
      %get3A_1156 = vector.shape_cast %get3A_1155 : vector<16xi32> to vector<16xi32>
      %add3A_1157 = arith.addi %mul3A_1153, %get3A_1156 : vector<16xi32>
      %swap3A_1158 = arith.index_cast %mul3A_1147 : i32 to index
      %swap3A_1159 = tpu.vector_load %arg54[%swap3A_1158] {strides = array<i32>} : memref<80xi32, #tpu.memory_space<vmem>>, vector<16xi32>,
      %swap3A_1160 = vector.shape_cast %swap3A_1159 : vector<16xi32> to vector<16xi32>
      %swap3A_1161 = vector.shape_cast %add3A_1157 : vector<16xi32> to vector<16xi32>
      tpu.vector_store %arg54[%swap3A_1158], %swap3A_1161 {strides = array<i32>} : memref<80xi32, #tpu.memory_space<vmem>>, vector<16xi32>,
      %scan3A_1162 = arith.constant 3 : i32
      %mul3A_1163 = arith.constant 16 : i32
      %mul3A_1164 = arith.muli %scan3A_1162, %mul3A_1163 : i32
      %get3A_1165 = arith.index_cast %mul3A_1164 : i32 to index
      %get3A_1166 = tpu.vector_load %arg32[%get3A_1165] {strides = array<i32>} : memref<80xi32, #tpu.memory_space<vmem>>, vector<16xi32>,
      %get3A_1167 = vector.shape_cast %get3A_1166 : vector<16xi32> to vector<16xi32>
      %mul3A_1168 = arith.constant 32 : i32
      %mul3A_1169 = vector.broadcast %mul3A_1168 : i32 to vector<16xi32>
      %mul3A_1170 = arith.muli %get3A_1167, %mul3A_1169 : vector<16xi32>
      %get3A_1171 = arith.index_cast %mul3A_1164 : i32 to index
      %get3A_1172 = tpu.vector_load %arg43[%get3A_1171] {strides = array<i32>} : memref<80xi32, #tpu.memory_space<vmem>>, vector<16xi32>,
      %get3A_1173 = vector.shape_cast %get3A_1172 : vector<16xi32> to vector<16xi32>
      %add3A_1174 = arith.addi %mul3A_1170, %get3A_1173 : vector<16xi32>
      %swap3A_1175 = arith.index_cast %mul3A_1164 : i32 to index
      %swap3A_1176 = tpu.vector_load %arg54[%swap3A_1175] {strides = array<i32>} : memref<80xi32, #tpu.memory_space<vmem>>, vector<16xi32>,
      %swap3A_1177 = vector.shape_cast %swap3A_1176 : vector<16xi32> to vector<16xi32>
      %swap3A_1178 = vector.shape_cast %add3A_1174 : vector<16xi32> to vector<16xi32>
      tpu.vector_store %arg54[%swap3A_1175], %swap3A_1178 {strides = array<i32>} : memref<80xi32, #tpu.memory_space<vmem>>, vector<16xi32>,
      %scan3A_1179 = arith.constant 4 : i32
      %mul3A_1180 = arith.constant 16 : i32
      %mul3A_1181 = arith.muli %scan3A_1179, %mul3A_1180 : i32
      %get3A_1182 = arith.index_cast %mul3A_1181 : i32 to index
      %get3A_1183 = tpu.vector_load %arg32[%get3A_1182] {strides = array<i32>} : memref<80xi32, #tpu.memory_space<vmem>>, vector<16xi32>,
      %get3A_1184 = vector.shape_cast %get3A_1183 : vector<16xi32> to vector<16xi32>
      %mul3A_1185 = arith.constant 32 : i32
      %mul3A_1186 = vector.broadcast %mul3A_1185 : i32 to vector<16xi32>
      %mul3A_1187 = arith.muli %get3A_1184, %mul3A_1186 : vector<16xi32>
      %get3A_1188 = arith.index_cast %mul3A_1181 : i32 to index
      %get3A_1189 = tpu.vector_load %arg43[%get3A_1188] {strides = array<i32>} : memref<80xi32, #tpu.memory_space<vmem>>, vector<16xi32>,
      %get3A_1190 = vector.shape_cast %get3A_1189 : vector<16xi32> to vector<16xi32>
      %add3A_1191 = arith.addi %mul3A_1187, %get3A_1190 : vector<16xi32>
      %swap3A_1192 = arith.index_cast %mul3A_1181 : i32 to index
      %swap3A_1193 = tpu.vector_load %arg54[%swap3A_1192] {strides = array<i32>} : memref<80xi32, #tpu.memory_space<vmem>>, vector<16xi32>,
      %swap3A_1194 = vector.shape_cast %swap3A_1193 : vector<16xi32> to vector<16xi32>
      %swap3A_1195 = vector.shape_cast %add3A_1191 : vector<16xi32> to vector<16xi32>
      tpu.vector_store %arg54[%swap3A_1192], %swap3A_1195 {strides = array<i32>} : memref<80xi32, #tpu.memory_space<vmem>>, vector<16xi32>,
      %scan3A_1196 = arith.constant 5 : i32
      %convert_element_type3A_1197 = arith.extui %gt3A_1105 : i1 to i32
      %cond3A_1198 = arith.constant 0 : i32
      %cond3A_1199 = arith.cmpi ne, %convert_element_type3A_1197, %cond3A_1198 : i32
      scf.if %cond3A_1199 {
        %dma_wait3A_2050 = arith.constant 0 : i32
        %dma_wait3A_2051 = tpu.memref_slice %arg6[%mul3A_2, %dma_wait3A_2050] : memref<320000x128xf32, #tpu.memory_space<hbm>> -> memref<80x128xf32, #tpu.memory_space<hbm>>
        %dma_wait3A_2052 = arith.constant 0 : i32
        %dma_wait3A_2053 = tpu.memref_slice %arg6[%mul3A_2, %dma_wait3A_2052] : memref<320000x128xf32, #tpu.memory_space<hbm>> -> memref<80x128xf32, #tpu.memory_space<hbm>>
        tpu.wait_dma2 semaphore(%arg87 : memref<!tpu.dma_semaphore, #tpu.memory_space<semaphore_mem>>) src(%arg65 : memref<80x128xf32, #tpu.memory_space<vmem>>) dst(%dma_wait3A_2053 : memref<80x128xf32, #tpu.memory_space<hbm>>)
      } else {
      }
      %dma_start3A_1200 = arith.constant 0 : i32
      %dma_start3A_1201 = arith.constant 0 : i32
      %dma_start3A_1202 = tpu.memref_slice %arg95[%dma_start3A_1200, %dma_start3A_1201] : memref<1024x128xf32, #tpu.memory_space<vmem_shared>> -> memref<1024x128xf32, #tpu.memory_space<vmem_shared>>
      tpu.enqueue_indirect_dma source(%dma_start3A_1202 : memref<1024x128xf32, #tpu.memory_space<vmem_shared>>) target(%arg65 : memref<80x128xf32, #tpu.memory_space<vmem>>) offsets(%arg54 : memref<80xi32, #tpu.memory_space<vmem>>) semaphore(%arg76 : memref<!tpu.dma_semaphore, #tpu.memory_space<semaphore_mem>>)
      %gt3A_1203 = arith.constant 0 : i32
      %gt3A_1204 = arith.cmpi sgt, %scan3A_554, %gt3A_1203 : i32
      %dma_wait3A_1205 = arith.constant 0 : i32
      %dma_wait3A_1206 = tpu.memref_slice %arg96[%dma_wait3A_1205] : memref<10000xi32, #tpu.memory_space<vmem_shared>> -> memref<10000xi32, #tpu.memory_space<vmem_shared>>
      tpu.wait_indirect_dma semaphore(%arg77 : memref<!tpu.dma_semaphore, #tpu.memory_space<semaphore_mem>>) src(%dma_wait3A_1206 : memref<10000xi32, #tpu.memory_space<vmem_shared>>) dst(%arg33 : memref<80xi32, #tpu.memory_space<vmem>>)
      %dma_wait3A_1207 = arith.constant 0 : i32
      %dma_wait3A_1208 = tpu.memref_slice %arg96[%dma_wait3A_1207] : memref<10000xi32, #tpu.memory_space<vmem_shared>> -> memref<10000xi32, #tpu.memory_space<vmem_shared>>
      tpu.wait_indirect_dma semaphore(%arg77 : memref<!tpu.dma_semaphore, #tpu.memory_space<semaphore_mem>>) src(%dma_wait3A_1208 : memref<10000xi32, #tpu.memory_space<vmem_shared>>) dst(%arg44 : memref<80xi32, #tpu.memory_space<vmem>>)
      %scan3A_1209 = arith.constant 0 : i32
      %scan3A_1210 = arith.constant 0 : i32
      %mul3A_1211 = arith.constant 16 : i32
      %mul3A_1212 = arith.muli %scan3A_1210, %mul3A_1211 : i32
      %get3A_1213 = arith.index_cast %mul3A_1212 : i32 to index
      %get3A_1214 = tpu.vector_load %arg33[%get3A_1213] {strides = array<i32>} : memref<80xi32, #tpu.memory_space<vmem>>, vector<16xi32>,
      %get3A_1215 = vector.shape_cast %get3A_1214 : vector<16xi32> to vector<16xi32>
      %mul3A_1216 = arith.constant 32 : i32
      %mul3A_1217 = vector.broadcast %mul3A_1216 : i32 to vector<16xi32>
      %mul3A_1218 = arith.muli %get3A_1215, %mul3A_1217 : vector<16xi32>
      %get3A_1219 = arith.index_cast %mul3A_1212 : i32 to index
      %get3A_1220 = tpu.vector_load %arg44[%get3A_1219] {strides = array<i32>} : memref<80xi32, #tpu.memory_space<vmem>>, vector<16xi32>,
      %get3A_1221 = vector.shape_cast %get3A_1220 : vector<16xi32> to vector<16xi32>
      %add3A_1222 = arith.addi %mul3A_1218, %get3A_1221 : vector<16xi32>
      %swap3A_1223 = arith.index_cast %mul3A_1212 : i32 to index
      %swap3A_1224 = tpu.vector_load %arg55[%swap3A_1223] {strides = array<i32>} : memref<80xi32, #tpu.memory_space<vmem>>, vector<16xi32>,
      %swap3A_1225 = vector.shape_cast %swap3A_1224 : vector<16xi32> to vector<16xi32>
      %swap3A_1226 = vector.shape_cast %add3A_1222 : vector<16xi32> to vector<16xi32>
      tpu.vector_store %arg55[%swap3A_1223], %swap3A_1226 {strides = array<i32>} : memref<80xi32, #tpu.memory_space<vmem>>, vector<16xi32>,
      %scan3A_1227 = arith.constant 1 : i32
      %mul3A_1228 = arith.constant 16 : i32
      %mul3A_1229 = arith.muli %scan3A_1227, %mul3A_1228 : i32
      %get3A_1230 = arith.index_cast %mul3A_1229 : i32 to index
      %get3A_1231 = tpu.vector_load %arg33[%get3A_1230] {strides = array<i32>} : memref<80xi32, #tpu.memory_space<vmem>>, vector<16xi32>,
      %get3A_1232 = vector.shape_cast %get3A_1231 : vector<16xi32> to vector<16xi32>
      %mul3A_1233 = arith.constant 32 : i32
      %mul3A_1234 = vector.broadcast %mul3A_1233 : i32 to vector<16xi32>
      %mul3A_1235 = arith.muli %get3A_1232, %mul3A_1234 : vector<16xi32>
      %get3A_1236 = arith.index_cast %mul3A_1229 : i32 to index
      %get3A_1237 = tpu.vector_load %arg44[%get3A_1236] {strides = array<i32>} : memref<80xi32, #tpu.memory_space<vmem>>, vector<16xi32>,
      %get3A_1238 = vector.shape_cast %get3A_1237 : vector<16xi32> to vector<16xi32>
      %add3A_1239 = arith.addi %mul3A_1235, %get3A_1238 : vector<16xi32>
      %swap3A_1240 = arith.index_cast %mul3A_1229 : i32 to index
      %swap3A_1241 = tpu.vector_load %arg55[%swap3A_1240] {strides = array<i32>} : memref<80xi32, #tpu.memory_space<vmem>>, vector<16xi32>,
      %swap3A_1242 = vector.shape_cast %swap3A_1241 : vector<16xi32> to vector<16xi32>
      %swap3A_1243 = vector.shape_cast %add3A_1239 : vector<16xi32> to vector<16xi32>
      tpu.vector_store %arg55[%swap3A_1240], %swap3A_1243 {strides = array<i32>} : memref<80xi32, #tpu.memory_space<vmem>>, vector<16xi32>,
      %scan3A_1244 = arith.constant 2 : i32
      %mul3A_1245 = arith.constant 16 : i32
      %mul3A_1246 = arith.muli %scan3A_1244, %mul3A_1245 : i32
      %get3A_1247 = arith.index_cast %mul3A_1246 : i32 to index
      %get3A_1248 = tpu.vector_load %arg33[%get3A_1247] {strides = array<i32>} : memref<80xi32, #tpu.memory_space<vmem>>, vector<16xi32>,
      %get3A_1249 = vector.shape_cast %get3A_1248 : vector<16xi32> to vector<16xi32>
      %mul3A_1250 = arith.constant 32 : i32
      %mul3A_1251 = vector.broadcast %mul3A_1250 : i32 to vector<16xi32>
      %mul3A_1252 = arith.muli %get3A_1249, %mul3A_1251 : vector<16xi32>
      %get3A_1253 = arith.index_cast %mul3A_1246 : i32 to index
      %get3A_1254 = tpu.vector_load %arg44[%get3A_1253] {strides = array<i32>} : memref<80xi32, #tpu.memory_space<vmem>>, vector<16xi32>,
      %get3A_1255 = vector.shape_cast %get3A_1254 : vector<16xi32> to vector<16xi32>
      %add3A_1256 = arith.addi %mul3A_1252, %get3A_1255 : vector<16xi32>
      %swap3A_1257 = arith.index_cast %mul3A_1246 : i32 to index
      %swap3A_1258 = tpu.vector_load %arg55[%swap3A_1257] {strides = array<i32>} : memref<80xi32, #tpu.memory_space<vmem>>, vector<16xi32>,
      %swap3A_1259 = vector.shape_cast %swap3A_1258 : vector<16xi32> to vector<16xi32>
      %swap3A_1260 = vector.shape_cast %add3A_1256 : vector<16xi32> to vector<16xi32>
      tpu.vector_store %arg55[%swap3A_1257], %swap3A_1260 {strides = array<i32>} : memref<80xi32, #tpu.memory_space<vmem>>, vector<16xi32>,
      %scan3A_1261 = arith.constant 3 : i32
      %mul3A_1262 = arith.constant 16 : i32
      %mul3A_1263 = arith.muli %scan3A_1261, %mul3A_1262 : i32
      %get3A_1264 = arith.index_cast %mul3A_1263 : i32 to index
      %get3A_1265 = tpu.vector_load %arg33[%get3A_1264] {strides = array<i32>} : memref<80xi32, #tpu.memory_space<vmem>>, vector<16xi32>,
      %get3A_1266 = vector.shape_cast %get3A_1265 : vector<16xi32> to vector<16xi32>
      %mul3A_1267 = arith.constant 32 : i32
      %mul3A_1268 = vector.broadcast %mul3A_1267 : i32 to vector<16xi32>
      %mul3A_1269 = arith.muli %get3A_1266, %mul3A_1268 : vector<16xi32>
      %get3A_1270 = arith.index_cast %mul3A_1263 : i32 to index
      %get3A_1271 = tpu.vector_load %arg44[%get3A_1270] {strides = array<i32>} : memref<80xi32, #tpu.memory_space<vmem>>, vector<16xi32>,
      %get3A_1272 = vector.shape_cast %get3A_1271 : vector<16xi32> to vector<16xi32>
      %add3A_1273 = arith.addi %mul3A_1269, %get3A_1272 : vector<16xi32>
      %swap3A_1274 = arith.index_cast %mul3A_1263 : i32 to index
      %swap3A_1275 = tpu.vector_load %arg55[%swap3A_1274] {strides = array<i32>} : memref<80xi32, #tpu.memory_space<vmem>>, vector<16xi32>,
      %swap3A_1276 = vector.shape_cast %swap3A_1275 : vector<16xi32> to vector<16xi32>
      %swap3A_1277 = vector.shape_cast %add3A_1273 : vector<16xi32> to vector<16xi32>
      tpu.vector_store %arg55[%swap3A_1274], %swap3A_1277 {strides = array<i32>} : memref<80xi32, #tpu.memory_space<vmem>>, vector<16xi32>,
      %scan3A_1278 = arith.constant 4 : i32
      %mul3A_1279 = arith.constant 16 : i32
      %mul3A_1280 = arith.muli %scan3A_1278, %mul3A_1279 : i32
      %get3A_1281 = arith.index_cast %mul3A_1280 : i32 to index
      %get3A_1282 = tpu.vector_load %arg33[%get3A_1281] {strides = array<i32>} : memref<80xi32, #tpu.memory_space<vmem>>, vector<16xi32>,
      %get3A_1283 = vector.shape_cast %get3A_1282 : vector<16xi32> to vector<16xi32>
      %mul3A_1284 = arith.constant 32 : i32
      %mul3A_1285 = vector.broadcast %mul3A_1284 : i32 to vector<16xi32>
      %mul3A_1286 = arith.muli %get3A_1283, %mul3A_1285 : vector<16xi32>
      %get3A_1287 = arith.index_cast %mul3A_1280 : i32 to index
      %get3A_1288 = tpu.vector_load %arg44[%get3A_1287] {strides = array<i32>} : memref<80xi32, #tpu.memory_space<vmem>>, vector<16xi32>,
      %get3A_1289 = vector.shape_cast %get3A_1288 : vector<16xi32> to vector<16xi32>
      %add3A_1290 = arith.addi %mul3A_1286, %get3A_1289 : vector<16xi32>
      %swap3A_1291 = arith.index_cast %mul3A_1280 : i32 to index
      %swap3A_1292 = tpu.vector_load %arg55[%swap3A_1291] {strides = array<i32>} : memref<80xi32, #tpu.memory_space<vmem>>, vector<16xi32>,
      %swap3A_1293 = vector.shape_cast %swap3A_1292 : vector<16xi32> to vector<16xi32>
      %swap3A_1294 = vector.shape_cast %add3A_1290 : vector<16xi32> to vector<16xi32>
      tpu.vector_store %arg55[%swap3A_1291], %swap3A_1294 {strides = array<i32>} : memref<80xi32, #tpu.memory_space<vmem>>, vector<16xi32>,
      %scan3A_1295 = arith.constant 5 : i32
      %convert_element_type3A_1296 = arith.extui %gt3A_1204 : i1 to i32
      %cond3A_1297 = arith.constant 0 : i32
      %cond3A_1298 = arith.cmpi ne, %convert_element_type3A_1296, %cond3A_1297 : i32
      scf.if %cond3A_1298 {
        %dma_wait3A_2050 = arith.constant 0 : i32
        %dma_wait3A_2051 = tpu.memref_slice %arg6[%mul3A_2, %dma_wait3A_2050] : memref<320000x128xf32, #tpu.memory_space<hbm>> -> memref<80x128xf32, #tpu.memory_space<hbm>>
        %dma_wait3A_2052 = arith.constant 0 : i32
        %dma_wait3A_2053 = tpu.memref_slice %arg6[%mul3A_2, %dma_wait3A_2052] : memref<320000x128xf32, #tpu.memory_space<hbm>> -> memref<80x128xf32, #tpu.memory_space<hbm>>
        tpu.wait_dma2 semaphore(%arg88 : memref<!tpu.dma_semaphore, #tpu.memory_space<semaphore_mem>>) src(%arg66 : memref<80x128xf32, #tpu.memory_space<vmem>>) dst(%dma_wait3A_2053 : memref<80x128xf32, #tpu.memory_space<hbm>>)
      } else {
      }
      %dma_start3A_1299 = arith.constant 0 : i32
      %dma_start3A_1300 = arith.constant 0 : i32
      %dma_start3A_1301 = tpu.memref_slice %arg95[%dma_start3A_1299, %dma_start3A_1300] : memref<1024x128xf32, #tpu.memory_space<vmem_shared>> -> memref<1024x128xf32, #tpu.memory_space<vmem_shared>>
      tpu.enqueue_indirect_dma source(%dma_start3A_1301 : memref<1024x128xf32, #tpu.memory_space<vmem_shared>>) target(%arg66 : memref<80x128xf32, #tpu.memory_space<vmem>>) offsets(%arg55 : memref<80xi32, #tpu.memory_space<vmem>>) semaphore(%arg77 : memref<!tpu.dma_semaphore, #tpu.memory_space<semaphore_mem>>)
      %gt3A_1302 = arith.constant 0 : i32
      %gt3A_1303 = arith.cmpi sgt, %scan3A_554, %gt3A_1302 : i32
      %dma_wait3A_1304 = arith.constant 0 : i32
      %dma_wait3A_1305 = tpu.memref_slice %arg96[%dma_wait3A_1304] : memref<10000xi32, #tpu.memory_space<vmem_shared>> -> memref<10000xi32, #tpu.memory_space<vmem_shared>>
      tpu.wait_indirect_dma semaphore(%arg78 : memref<!tpu.dma_semaphore, #tpu.memory_space<semaphore_mem>>) src(%dma_wait3A_1305 : memref<10000xi32, #tpu.memory_space<vmem_shared>>) dst(%arg34 : memref<80xi32, #tpu.memory_space<vmem>>)
      %dma_wait3A_1306 = arith.constant 0 : i32
      %dma_wait3A_1307 = tpu.memref_slice %arg96[%dma_wait3A_1306] : memref<10000xi32, #tpu.memory_space<vmem_shared>> -> memref<10000xi32, #tpu.memory_space<vmem_shared>>
      tpu.wait_indirect_dma semaphore(%arg78 : memref<!tpu.dma_semaphore, #tpu.memory_space<semaphore_mem>>) src(%dma_wait3A_1307 : memref<10000xi32, #tpu.memory_space<vmem_shared>>) dst(%arg45 : memref<80xi32, #tpu.memory_space<vmem>>)
      %scan3A_1308 = arith.constant 0 : i32
      %scan3A_1309 = arith.constant 0 : i32
      %mul3A_1310 = arith.constant 16 : i32
      %mul3A_1311 = arith.muli %scan3A_1309, %mul3A_1310 : i32
      %get3A_1312 = arith.index_cast %mul3A_1311 : i32 to index
      %get3A_1313 = tpu.vector_load %arg34[%get3A_1312] {strides = array<i32>} : memref<80xi32, #tpu.memory_space<vmem>>, vector<16xi32>,
      %get3A_1314 = vector.shape_cast %get3A_1313 : vector<16xi32> to vector<16xi32>
      %mul3A_1315 = arith.constant 32 : i32
      %mul3A_1316 = vector.broadcast %mul3A_1315 : i32 to vector<16xi32>
      %mul3A_1317 = arith.muli %get3A_1314, %mul3A_1316 : vector<16xi32>
      %get3A_1318 = arith.index_cast %mul3A_1311 : i32 to index
      %get3A_1319 = tpu.vector_load %arg45[%get3A_1318] {strides = array<i32>} : memref<80xi32, #tpu.memory_space<vmem>>, vector<16xi32>,
      %get3A_1320 = vector.shape_cast %get3A_1319 : vector<16xi32> to vector<16xi32>
      %add3A_1321 = arith.addi %mul3A_1317, %get3A_1320 : vector<16xi32>
      %swap3A_1322 = arith.index_cast %mul3A_1311 : i32 to index
      %swap3A_1323 = tpu.vector_load %arg56[%swap3A_1322] {strides = array<i32>} : memref<80xi32, #tpu.memory_space<vmem>>, vector<16xi32>,
      %swap3A_1324 = vector.shape_cast %swap3A_1323 : vector<16xi32> to vector<16xi32>
      %swap3A_1325 = vector.shape_cast %add3A_1321 : vector<16xi32> to vector<16xi32>
      tpu.vector_store %arg56[%swap3A_1322], %swap3A_1325 {strides = array<i32>} : memref<80xi32, #tpu.memory_space<vmem>>, vector<16xi32>,
      %scan3A_1326 = arith.constant 1 : i32
      %mul3A_1327 = arith.constant 16 : i32
      %mul3A_1328 = arith.muli %scan3A_1326, %mul3A_1327 : i32
      %get3A_1329 = arith.index_cast %mul3A_1328 : i32 to index
      %get3A_1330 = tpu.vector_load %arg34[%get3A_1329] {strides = array<i32>} : memref<80xi32, #tpu.memory_space<vmem>>, vector<16xi32>,
      %get3A_1331 = vector.shape_cast %get3A_1330 : vector<16xi32> to vector<16xi32>
      %mul3A_1332 = arith.constant 32 : i32
      %mul3A_1333 = vector.broadcast %mul3A_1332 : i32 to vector<16xi32>
      %mul3A_1334 = arith.muli %get3A_1331, %mul3A_1333 : vector<16xi32>
      %get3A_1335 = arith.index_cast %mul3A_1328 : i32 to index
      %get3A_1336 = tpu.vector_load %arg45[%get3A_1335] {strides = array<i32>} : memref<80xi32, #tpu.memory_space<vmem>>, vector<16xi32>,
      %get3A_1337 = vector.shape_cast %get3A_1336 : vector<16xi32> to vector<16xi32>
      %add3A_1338 = arith.addi %mul3A_1334, %get3A_1337 : vector<16xi32>
      %swap3A_1339 = arith.index_cast %mul3A_1328 : i32 to index
      %swap3A_1340 = tpu.vector_load %arg56[%swap3A_1339] {strides = array<i32>} : memref<80xi32, #tpu.memory_space<vmem>>, vector<16xi32>,
      %swap3A_1341 = vector.shape_cast %swap3A_1340 : vector<16xi32> to vector<16xi32>
      %swap3A_1342 = vector.shape_cast %add3A_1338 : vector<16xi32> to vector<16xi32>
      tpu.vector_store %arg56[%swap3A_1339], %swap3A_1342 {strides = array<i32>} : memref<80xi32, #tpu.memory_space<vmem>>, vector<16xi32>,
      %scan3A_1343 = arith.constant 2 : i32
      %mul3A_1344 = arith.constant 16 : i32
      %mul3A_1345 = arith.muli %scan3A_1343, %mul3A_1344 : i32
      %get3A_1346 = arith.index_cast %mul3A_1345 : i32 to index
      %get3A_1347 = tpu.vector_load %arg34[%get3A_1346] {strides = array<i32>} : memref<80xi32, #tpu.memory_space<vmem>>, vector<16xi32>,
      %get3A_1348 = vector.shape_cast %get3A_1347 : vector<16xi32> to vector<16xi32>
      %mul3A_1349 = arith.constant 32 : i32
      %mul3A_1350 = vector.broadcast %mul3A_1349 : i32 to vector<16xi32>
      %mul3A_1351 = arith.muli %get3A_1348, %mul3A_1350 : vector<16xi32>
      %get3A_1352 = arith.index_cast %mul3A_1345 : i32 to index
      %get3A_1353 = tpu.vector_load %arg45[%get3A_1352] {strides = array<i32>} : memref<80xi32, #tpu.memory_space<vmem>>, vector<16xi32>,
      %get3A_1354 = vector.shape_cast %get3A_1353 : vector<16xi32> to vector<16xi32>
      %add3A_1355 = arith.addi %mul3A_1351, %get3A_1354 : vector<16xi32>
      %swap3A_1356 = arith.index_cast %mul3A_1345 : i32 to index
      %swap3A_1357 = tpu.vector_load %arg56[%swap3A_1356] {strides = array<i32>} : memref<80xi32, #tpu.memory_space<vmem>>, vector<16xi32>,
      %swap3A_1358 = vector.shape_cast %swap3A_1357 : vector<16xi32> to vector<16xi32>
      %swap3A_1359 = vector.shape_cast %add3A_1355 : vector<16xi32> to vector<16xi32>
      tpu.vector_store %arg56[%swap3A_1356], %swap3A_1359 {strides = array<i32>} : memref<80xi32, #tpu.memory_space<vmem>>, vector<16xi32>,
      %scan3A_1360 = arith.constant 3 : i32
      %mul3A_1361 = arith.constant 16 : i32
      %mul3A_1362 = arith.muli %scan3A_1360, %mul3A_1361 : i32
      %get3A_1363 = arith.index_cast %mul3A_1362 : i32 to index
      %get3A_1364 = tpu.vector_load %arg34[%get3A_1363] {strides = array<i32>} : memref<80xi32, #tpu.memory_space<vmem>>, vector<16xi32>,
      %get3A_1365 = vector.shape_cast %get3A_1364 : vector<16xi32> to vector<16xi32>
      %mul3A_1366 = arith.constant 32 : i32
      %mul3A_1367 = vector.broadcast %mul3A_1366 : i32 to vector<16xi32>
      %mul3A_1368 = arith.muli %get3A_1365, %mul3A_1367 : vector<16xi32>
      %get3A_1369 = arith.index_cast %mul3A_1362 : i32 to index
      %get3A_1370 = tpu.vector_load %arg45[%get3A_1369] {strides = array<i32>} : memref<80xi32, #tpu.memory_space<vmem>>, vector<16xi32>,
      %get3A_1371 = vector.shape_cast %get3A_1370 : vector<16xi32> to vector<16xi32>
      %add3A_1372 = arith.addi %mul3A_1368, %get3A_1371 : vector<16xi32>
      %swap3A_1373 = arith.index_cast %mul3A_1362 : i32 to index
      %swap3A_1374 = tpu.vector_load %arg56[%swap3A_1373] {strides = array<i32>} : memref<80xi32, #tpu.memory_space<vmem>>, vector<16xi32>,
      %swap3A_1375 = vector.shape_cast %swap3A_1374 : vector<16xi32> to vector<16xi32>
      %swap3A_1376 = vector.shape_cast %add3A_1372 : vector<16xi32> to vector<16xi32>
      tpu.vector_store %arg56[%swap3A_1373], %swap3A_1376 {strides = array<i32>} : memref<80xi32, #tpu.memory_space<vmem>>, vector<16xi32>,
      %scan3A_1377 = arith.constant 4 : i32
      %mul3A_1378 = arith.constant 16 : i32
      %mul3A_1379 = arith.muli %scan3A_1377, %mul3A_1378 : i32
      %get3A_1380 = arith.index_cast %mul3A_1379 : i32 to index
      %get3A_1381 = tpu.vector_load %arg34[%get3A_1380] {strides = array<i32>} : memref<80xi32, #tpu.memory_space<vmem>>, vector<16xi32>,
      %get3A_1382 = vector.shape_cast %get3A_1381 : vector<16xi32> to vector<16xi32>
      %mul3A_1383 = arith.constant 32 : i32
      %mul3A_1384 = vector.broadcast %mul3A_1383 : i32 to vector<16xi32>
      %mul3A_1385 = arith.muli %get3A_1382, %mul3A_1384 : vector<16xi32>
      %get3A_1386 = arith.index_cast %mul3A_1379 : i32 to index
      %get3A_1387 = tpu.vector_load %arg45[%get3A_1386] {strides = array<i32>} : memref<80xi32, #tpu.memory_space<vmem>>, vector<16xi32>,
      %get3A_1388 = vector.shape_cast %get3A_1387 : vector<16xi32> to vector<16xi32>
      %add3A_1389 = arith.addi %mul3A_1385, %get3A_1388 : vector<16xi32>
      %swap3A_1390 = arith.index_cast %mul3A_1379 : i32 to index
      %swap3A_1391 = tpu.vector_load %arg56[%swap3A_1390] {strides = array<i32>} : memref<80xi32, #tpu.memory_space<vmem>>, vector<16xi32>,
      %swap3A_1392 = vector.shape_cast %swap3A_1391 : vector<16xi32> to vector<16xi32>
      %swap3A_1393 = vector.shape_cast %add3A_1389 : vector<16xi32> to vector<16xi32>
      tpu.vector_store %arg56[%swap3A_1390], %swap3A_1393 {strides = array<i32>} : memref<80xi32, #tpu.memory_space<vmem>>, vector<16xi32>,
      %scan3A_1394 = arith.constant 5 : i32
      %convert_element_type3A_1395 = arith.extui %gt3A_1303 : i1 to i32
      %cond3A_1396 = arith.constant 0 : i32
      %cond3A_1397 = arith.cmpi ne, %convert_element_type3A_1395, %cond3A_1396 : i32
      scf.if %cond3A_1397 {
        %dma_wait3A_2050 = arith.constant 0 : i32
        %dma_wait3A_2051 = tpu.memref_slice %arg6[%mul3A_2, %dma_wait3A_2050] : memref<320000x128xf32, #tpu.memory_space<hbm>> -> memref<80x128xf32, #tpu.memory_space<hbm>>
        %dma_wait3A_2052 = arith.constant 0 : i32
        %dma_wait3A_2053 = tpu.memref_slice %arg6[%mul3A_2, %dma_wait3A_2052] : memref<320000x128xf32, #tpu.memory_space<hbm>> -> memref<80x128xf32, #tpu.memory_space<hbm>>
        tpu.wait_dma2 semaphore(%arg89 : memref<!tpu.dma_semaphore, #tpu.memory_space<semaphore_mem>>) src(%arg67 : memref<80x128xf32, #tpu.memory_space<vmem>>) dst(%dma_wait3A_2053 : memref<80x128xf32, #tpu.memory_space<hbm>>)
      } else {
      }
      %dma_start3A_1398 = arith.constant 0 : i32
      %dma_start3A_1399 = arith.constant 0 : i32
      %dma_start3A_1400 = tpu.memref_slice %arg95[%dma_start3A_1398, %dma_start3A_1399] : memref<1024x128xf32, #tpu.memory_space<vmem_shared>> -> memref<1024x128xf32, #tpu.memory_space<vmem_shared>>
      tpu.enqueue_indirect_dma source(%dma_start3A_1400 : memref<1024x128xf32, #tpu.memory_space<vmem_shared>>) target(%arg67 : memref<80x128xf32, #tpu.memory_space<vmem>>) offsets(%arg56 : memref<80xi32, #tpu.memory_space<vmem>>) semaphore(%arg78 : memref<!tpu.dma_semaphore, #tpu.memory_space<semaphore_mem>>)
      %gt3A_1401 = arith.constant 0 : i32
      %gt3A_1402 = arith.cmpi sgt, %scan3A_554, %gt3A_1401 : i32
      %dma_wait3A_1403 = arith.constant 0 : i32
      %dma_wait3A_1404 = tpu.memref_slice %arg96[%dma_wait3A_1403] : memref<10000xi32, #tpu.memory_space<vmem_shared>> -> memref<10000xi32, #tpu.memory_space<vmem_shared>>
      tpu.wait_indirect_dma semaphore(%arg79 : memref<!tpu.dma_semaphore, #tpu.memory_space<semaphore_mem>>) src(%dma_wait3A_1404 : memref<10000xi32, #tpu.memory_space<vmem_shared>>) dst(%arg35 : memref<80xi32, #tpu.memory_space<vmem>>)
      %dma_wait3A_1405 = arith.constant 0 : i32
      %dma_wait3A_1406 = tpu.memref_slice %arg96[%dma_wait3A_1405] : memref<10000xi32, #tpu.memory_space<vmem_shared>> -> memref<10000xi32, #tpu.memory_space<vmem_shared>>
      tpu.wait_indirect_dma semaphore(%arg79 : memref<!tpu.dma_semaphore, #tpu.memory_space<semaphore_mem>>) src(%dma_wait3A_1406 : memref<10000xi32, #tpu.memory_space<vmem_shared>>) dst(%arg46 : memref<80xi32, #tpu.memory_space<vmem>>)
      %scan3A_1407 = arith.constant 0 : i32
      %scan3A_1408 = arith.constant 0 : i32
      %mul3A_1409 = arith.constant 16 : i32
      %mul3A_1410 = arith.muli %scan3A_1408, %mul3A_1409 : i32
      %get3A_1411 = arith.index_cast %mul3A_1410 : i32 to index
      %get3A_1412 = tpu.vector_load %arg35[%get3A_1411] {strides = array<i32>} : memref<80xi32, #tpu.memory_space<vmem>>, vector<16xi32>,
      %get3A_1413 = vector.shape_cast %get3A_1412 : vector<16xi32> to vector<16xi32>
      %mul3A_1414 = arith.constant 32 : i32
      %mul3A_1415 = vector.broadcast %mul3A_1414 : i32 to vector<16xi32>
      %mul3A_1416 = arith.muli %get3A_1413, %mul3A_1415 : vector<16xi32>
      %get3A_1417 = arith.index_cast %mul3A_1410 : i32 to index
      %get3A_1418 = tpu.vector_load %arg46[%get3A_1417] {strides = array<i32>} : memref<80xi32, #tpu.memory_space<vmem>>, vector<16xi32>,
      %get3A_1419 = vector.shape_cast %get3A_1418 : vector<16xi32> to vector<16xi32>
      %add3A_1420 = arith.addi %mul3A_1416, %get3A_1419 : vector<16xi32>
      %swap3A_1421 = arith.index_cast %mul3A_1410 : i32 to index
      %swap3A_1422 = tpu.vector_load %arg57[%swap3A_1421] {strides = array<i32>} : memref<80xi32, #tpu.memory_space<vmem>>, vector<16xi32>,
      %swap3A_1423 = vector.shape_cast %swap3A_1422 : vector<16xi32> to vector<16xi32>
      %swap3A_1424 = vector.shape_cast %add3A_1420 : vector<16xi32> to vector<16xi32>
      tpu.vector_store %arg57[%swap3A_1421], %swap3A_1424 {strides = array<i32>} : memref<80xi32, #tpu.memory_space<vmem>>, vector<16xi32>,
      %scan3A_1425 = arith.constant 1 : i32
      %mul3A_1426 = arith.constant 16 : i32
      %mul3A_1427 = arith.muli %scan3A_1425, %mul3A_1426 : i32
      %get3A_1428 = arith.index_cast %mul3A_1427 : i32 to index
      %get3A_1429 = tpu.vector_load %arg35[%get3A_1428] {strides = array<i32>} : memref<80xi32, #tpu.memory_space<vmem>>, vector<16xi32>,
      %get3A_1430 = vector.shape_cast %get3A_1429 : vector<16xi32> to vector<16xi32>
      %mul3A_1431 = arith.constant 32 : i32
      %mul3A_1432 = vector.broadcast %mul3A_1431 : i32 to vector<16xi32>
      %mul3A_1433 = arith.muli %get3A_1430, %mul3A_1432 : vector<16xi32>
      %get3A_1434 = arith.index_cast %mul3A_1427 : i32 to index
      %get3A_1435 = tpu.vector_load %arg46[%get3A_1434] {strides = array<i32>} : memref<80xi32, #tpu.memory_space<vmem>>, vector<16xi32>,
      %get3A_1436 = vector.shape_cast %get3A_1435 : vector<16xi32> to vector<16xi32>
      %add3A_1437 = arith.addi %mul3A_1433, %get3A_1436 : vector<16xi32>
      %swap3A_1438 = arith.index_cast %mul3A_1427 : i32 to index
      %swap3A_1439 = tpu.vector_load %arg57[%swap3A_1438] {strides = array<i32>} : memref<80xi32, #tpu.memory_space<vmem>>, vector<16xi32>,
      %swap3A_1440 = vector.shape_cast %swap3A_1439 : vector<16xi32> to vector<16xi32>
      %swap3A_1441 = vector.shape_cast %add3A_1437 : vector<16xi32> to vector<16xi32>
      tpu.vector_store %arg57[%swap3A_1438], %swap3A_1441 {strides = array<i32>} : memref<80xi32, #tpu.memory_space<vmem>>, vector<16xi32>,
      %scan3A_1442 = arith.constant 2 : i32
      %mul3A_1443 = arith.constant 16 : i32
      %mul3A_1444 = arith.muli %scan3A_1442, %mul3A_1443 : i32
      %get3A_1445 = arith.index_cast %mul3A_1444 : i32 to index
      %get3A_1446 = tpu.vector_load %arg35[%get3A_1445] {strides = array<i32>} : memref<80xi32, #tpu.memory_space<vmem>>, vector<16xi32>,
      %get3A_1447 = vector.shape_cast %get3A_1446 : vector<16xi32> to vector<16xi32>
      %mul3A_1448 = arith.constant 32 : i32
      %mul3A_1449 = vector.broadcast %mul3A_1448 : i32 to vector<16xi32>
      %mul3A_1450 = arith.muli %get3A_1447, %mul3A_1449 : vector<16xi32>
      %get3A_1451 = arith.index_cast %mul3A_1444 : i32 to index
      %get3A_1452 = tpu.vector_load %arg46[%get3A_1451] {strides = array<i32>} : memref<80xi32, #tpu.memory_space<vmem>>, vector<16xi32>,
      %get3A_1453 = vector.shape_cast %get3A_1452 : vector<16xi32> to vector<16xi32>
      %add3A_1454 = arith.addi %mul3A_1450, %get3A_1453 : vector<16xi32>
      %swap3A_1455 = arith.index_cast %mul3A_1444 : i32 to index
      %swap3A_1456 = tpu.vector_load %arg57[%swap3A_1455] {strides = array<i32>} : memref<80xi32, #tpu.memory_space<vmem>>, vector<16xi32>,
      %swap3A_1457 = vector.shape_cast %swap3A_1456 : vector<16xi32> to vector<16xi32>
      %swap3A_1458 = vector.shape_cast %add3A_1454 : vector<16xi32> to vector<16xi32>
      tpu.vector_store %arg57[%swap3A_1455], %swap3A_1458 {strides = array<i32>} : memref<80xi32, #tpu.memory_space<vmem>>, vector<16xi32>,
      %scan3A_1459 = arith.constant 3 : i32
      %mul3A_1460 = arith.constant 16 : i32
      %mul3A_1461 = arith.muli %scan3A_1459, %mul3A_1460 : i32
      %get3A_1462 = arith.index_cast %mul3A_1461 : i32 to index
      %get3A_1463 = tpu.vector_load %arg35[%get3A_1462] {strides = array<i32>} : memref<80xi32, #tpu.memory_space<vmem>>, vector<16xi32>,
      %get3A_1464 = vector.shape_cast %get3A_1463 : vector<16xi32> to vector<16xi32>
      %mul3A_1465 = arith.constant 32 : i32
      %mul3A_1466 = vector.broadcast %mul3A_1465 : i32 to vector<16xi32>
      %mul3A_1467 = arith.muli %get3A_1464, %mul3A_1466 : vector<16xi32>
      %get3A_1468 = arith.index_cast %mul3A_1461 : i32 to index
      %get3A_1469 = tpu.vector_load %arg46[%get3A_1468] {strides = array<i32>} : memref<80xi32, #tpu.memory_space<vmem>>, vector<16xi32>,
      %get3A_1470 = vector.shape_cast %get3A_1469 : vector<16xi32> to vector<16xi32>
      %add3A_1471 = arith.addi %mul3A_1467, %get3A_1470 : vector<16xi32>
      %swap3A_1472 = arith.index_cast %mul3A_1461 : i32 to index
      %swap3A_1473 = tpu.vector_load %arg57[%swap3A_1472] {strides = array<i32>} : memref<80xi32, #tpu.memory_space<vmem>>, vector<16xi32>,
      %swap3A_1474 = vector.shape_cast %swap3A_1473 : vector<16xi32> to vector<16xi32>
      %swap3A_1475 = vector.shape_cast %add3A_1471 : vector<16xi32> to vector<16xi32>
      tpu.vector_store %arg57[%swap3A_1472], %swap3A_1475 {strides = array<i32>} : memref<80xi32, #tpu.memory_space<vmem>>, vector<16xi32>,
      %scan3A_1476 = arith.constant 4 : i32
      %mul3A_1477 = arith.constant 16 : i32
      %mul3A_1478 = arith.muli %scan3A_1476, %mul3A_1477 : i32
      %get3A_1479 = arith.index_cast %mul3A_1478 : i32 to index
      %get3A_1480 = tpu.vector_load %arg35[%get3A_1479] {strides = array<i32>} : memref<80xi32, #tpu.memory_space<vmem>>, vector<16xi32>,
      %get3A_1481 = vector.shape_cast %get3A_1480 : vector<16xi32> to vector<16xi32>
      %mul3A_1482 = arith.constant 32 : i32
      %mul3A_1483 = vector.broadcast %mul3A_1482 : i32 to vector<16xi32>
      %mul3A_1484 = arith.muli %get3A_1481, %mul3A_1483 : vector<16xi32>
      %get3A_1485 = arith.index_cast %mul3A_1478 : i32 to index
      %get3A_1486 = tpu.vector_load %arg46[%get3A_1485] {strides = array<i32>} : memref<80xi32, #tpu.memory_space<vmem>>, vector<16xi32>,
      %get3A_1487 = vector.shape_cast %get3A_1486 : vector<16xi32> to vector<16xi32>
      %add3A_1488 = arith.addi %mul3A_1484, %get3A_1487 : vector<16xi32>
      %swap3A_1489 = arith.index_cast %mul3A_1478 : i32 to index
      %swap3A_1490 = tpu.vector_load %arg57[%swap3A_1489] {strides = array<i32>} : memref<80xi32, #tpu.memory_space<vmem>>, vector<16xi32>,
      %swap3A_1491 = vector.shape_cast %swap3A_1490 : vector<16xi32> to vector<16xi32>
      %swap3A_1492 = vector.shape_cast %add3A_1488 : vector<16xi32> to vector<16xi32>
      tpu.vector_store %arg57[%swap3A_1489], %swap3A_1492 {strides = array<i32>} : memref<80xi32, #tpu.memory_space<vmem>>, vector<16xi32>,
      %scan3A_1493 = arith.constant 5 : i32
      %convert_element_type3A_1494 = arith.extui %gt3A_1402 : i1 to i32
      %cond3A_1495 = arith.constant 0 : i32
      %cond3A_1496 = arith.cmpi ne, %convert_element_type3A_1494, %cond3A_1495 : i32
      scf.if %cond3A_1496 {
        %dma_wait3A_2050 = arith.constant 0 : i32
        %dma_wait3A_2051 = tpu.memref_slice %arg6[%mul3A_2, %dma_wait3A_2050] : memref<320000x128xf32, #tpu.memory_space<hbm>> -> memref<80x128xf32, #tpu.memory_space<hbm>>
        %dma_wait3A_2052 = arith.constant 0 : i32
        %dma_wait3A_2053 = tpu.memref_slice %arg6[%mul3A_2, %dma_wait3A_2052] : memref<320000x128xf32, #tpu.memory_space<hbm>> -> memref<80x128xf32, #tpu.memory_space<hbm>>
        tpu.wait_dma2 semaphore(%arg90 : memref<!tpu.dma_semaphore, #tpu.memory_space<semaphore_mem>>) src(%arg68 : memref<80x128xf32, #tpu.memory_space<vmem>>) dst(%dma_wait3A_2053 : memref<80x128xf32, #tpu.memory_space<hbm>>)
      } else {
      }
      %dma_start3A_1497 = arith.constant 0 : i32
      %dma_start3A_1498 = arith.constant 0 : i32
      %dma_start3A_1499 = tpu.memref_slice %arg95[%dma_start3A_1497, %dma_start3A_1498] : memref<1024x128xf32, #tpu.memory_space<vmem_shared>> -> memref<1024x128xf32, #tpu.memory_space<vmem_shared>>
      tpu.enqueue_indirect_dma source(%dma_start3A_1499 : memref<1024x128xf32, #tpu.memory_space<vmem_shared>>) target(%arg68 : memref<80x128xf32, #tpu.memory_space<vmem>>) offsets(%arg57 : memref<80xi32, #tpu.memory_space<vmem>>) semaphore(%arg79 : memref<!tpu.dma_semaphore, #tpu.memory_space<semaphore_mem>>)
      %gt3A_1500 = arith.constant 0 : i32
      %gt3A_1501 = arith.cmpi sgt, %scan3A_554, %gt3A_1500 : i32
      %dma_wait3A_1502 = arith.constant 0 : i32
      %dma_wait3A_1503 = tpu.memref_slice %arg96[%dma_wait3A_1502] : memref<10000xi32, #tpu.memory_space<vmem_shared>> -> memref<10000xi32, #tpu.memory_space<vmem_shared>>
      tpu.wait_indirect_dma semaphore(%arg80 : memref<!tpu.dma_semaphore, #tpu.memory_space<semaphore_mem>>) src(%dma_wait3A_1503 : memref<10000xi32, #tpu.memory_space<vmem_shared>>) dst(%arg36 : memref<80xi32, #tpu.memory_space<vmem>>)
      %dma_wait3A_1504 = arith.constant 0 : i32
      %dma_wait3A_1505 = tpu.memref_slice %arg96[%dma_wait3A_1504] : memref<10000xi32, #tpu.memory_space<vmem_shared>> -> memref<10000xi32, #tpu.memory_space<vmem_shared>>
      tpu.wait_indirect_dma semaphore(%arg80 : memref<!tpu.dma_semaphore, #tpu.memory_space<semaphore_mem>>) src(%dma_wait3A_1505 : memref<10000xi32, #tpu.memory_space<vmem_shared>>) dst(%arg47 : memref<80xi32, #tpu.memory_space<vmem>>)
      %scan3A_1506 = arith.constant 0 : i32
      %scan3A_1507 = arith.constant 0 : i32
      %mul3A_1508 = arith.constant 16 : i32
      %mul3A_1509 = arith.muli %scan3A_1507, %mul3A_1508 : i32
      %get3A_1510 = arith.index_cast %mul3A_1509 : i32 to index
      %get3A_1511 = tpu.vector_load %arg36[%get3A_1510] {strides = array<i32>} : memref<80xi32, #tpu.memory_space<vmem>>, vector<16xi32>,
      %get3A_1512 = vector.shape_cast %get3A_1511 : vector<16xi32> to vector<16xi32>
      %mul3A_1513 = arith.constant 32 : i32
      %mul3A_1514 = vector.broadcast %mul3A_1513 : i32 to vector<16xi32>
      %mul3A_1515 = arith.muli %get3A_1512, %mul3A_1514 : vector<16xi32>
      %get3A_1516 = arith.index_cast %mul3A_1509 : i32 to index
      %get3A_1517 = tpu.vector_load %arg47[%get3A_1516] {strides = array<i32>} : memref<80xi32, #tpu.memory_space<vmem>>, vector<16xi32>,
      %get3A_1518 = vector.shape_cast %get3A_1517 : vector<16xi32> to vector<16xi32>
      %add3A_1519 = arith.addi %mul3A_1515, %get3A_1518 : vector<16xi32>
      %swap3A_1520 = arith.index_cast %mul3A_1509 : i32 to index
      %swap3A_1521 = tpu.vector_load %arg58[%swap3A_1520] {strides = array<i32>} : memref<80xi32, #tpu.memory_space<vmem>>, vector<16xi32>,
      %swap3A_1522 = vector.shape_cast %swap3A_1521 : vector<16xi32> to vector<16xi32>
      %swap3A_1523 = vector.shape_cast %add3A_1519 : vector<16xi32> to vector<16xi32>
      tpu.vector_store %arg58[%swap3A_1520], %swap3A_1523 {strides = array<i32>} : memref<80xi32, #tpu.memory_space<vmem>>, vector<16xi32>,
      %scan3A_1524 = arith.constant 1 : i32
      %mul3A_1525 = arith.constant 16 : i32
      %mul3A_1526 = arith.muli %scan3A_1524, %mul3A_1525 : i32
      %get3A_1527 = arith.index_cast %mul3A_1526 : i32 to index
      %get3A_1528 = tpu.vector_load %arg36[%get3A_1527] {strides = array<i32>} : memref<80xi32, #tpu.memory_space<vmem>>, vector<16xi32>,
      %get3A_1529 = vector.shape_cast %get3A_1528 : vector<16xi32> to vector<16xi32>
      %mul3A_1530 = arith.constant 32 : i32
      %mul3A_1531 = vector.broadcast %mul3A_1530 : i32 to vector<16xi32>
      %mul3A_1532 = arith.muli %get3A_1529, %mul3A_1531 : vector<16xi32>
      %get3A_1533 = arith.index_cast %mul3A_1526 : i32 to index
      %get3A_1534 = tpu.vector_load %arg47[%get3A_1533] {strides = array<i32>} : memref<80xi32, #tpu.memory_space<vmem>>, vector<16xi32>,
      %get3A_1535 = vector.shape_cast %get3A_1534 : vector<16xi32> to vector<16xi32>
      %add3A_1536 = arith.addi %mul3A_1532, %get3A_1535 : vector<16xi32>
      %swap3A_1537 = arith.index_cast %mul3A_1526 : i32 to index
      %swap3A_1538 = tpu.vector_load %arg58[%swap3A_1537] {strides = array<i32>} : memref<80xi32, #tpu.memory_space<vmem>>, vector<16xi32>,
      %swap3A_1539 = vector.shape_cast %swap3A_1538 : vector<16xi32> to vector<16xi32>
      %swap3A_1540 = vector.shape_cast %add3A_1536 : vector<16xi32> to vector<16xi32>
      tpu.vector_store %arg58[%swap3A_1537], %swap3A_1540 {strides = array<i32>} : memref<80xi32, #tpu.memory_space<vmem>>, vector<16xi32>,
      %scan3A_1541 = arith.constant 2 : i32
      %mul3A_1542 = arith.constant 16 : i32
      %mul3A_1543 = arith.muli %scan3A_1541, %mul3A_1542 : i32
      %get3A_1544 = arith.index_cast %mul3A_1543 : i32 to index
      %get3A_1545 = tpu.vector_load %arg36[%get3A_1544] {strides = array<i32>} : memref<80xi32, #tpu.memory_space<vmem>>, vector<16xi32>,
      %get3A_1546 = vector.shape_cast %get3A_1545 : vector<16xi32> to vector<16xi32>
      %mul3A_1547 = arith.constant 32 : i32
      %mul3A_1548 = vector.broadcast %mul3A_1547 : i32 to vector<16xi32>
      %mul3A_1549 = arith.muli %get3A_1546, %mul3A_1548 : vector<16xi32>
      %get3A_1550 = arith.index_cast %mul3A_1543 : i32 to index
      %get3A_1551 = tpu.vector_load %arg47[%get3A_1550] {strides = array<i32>} : memref<80xi32, #tpu.memory_space<vmem>>, vector<16xi32>,
      %get3A_1552 = vector.shape_cast %get3A_1551 : vector<16xi32> to vector<16xi32>
      %add3A_1553 = arith.addi %mul3A_1549, %get3A_1552 : vector<16xi32>
      %swap3A_1554 = arith.index_cast %mul3A_1543 : i32 to index
      %swap3A_1555 = tpu.vector_load %arg58[%swap3A_1554] {strides = array<i32>} : memref<80xi32, #tpu.memory_space<vmem>>, vector<16xi32>,
      %swap3A_1556 = vector.shape_cast %swap3A_1555 : vector<16xi32> to vector<16xi32>
      %swap3A_1557 = vector.shape_cast %add3A_1553 : vector<16xi32> to vector<16xi32>
      tpu.vector_store %arg58[%swap3A_1554], %swap3A_1557 {strides = array<i32>} : memref<80xi32, #tpu.memory_space<vmem>>, vector<16xi32>,
      %scan3A_1558 = arith.constant 3 : i32
      %mul3A_1559 = arith.constant 16 : i32
      %mul3A_1560 = arith.muli %scan3A_1558, %mul3A_1559 : i32
      %get3A_1561 = arith.index_cast %mul3A_1560 : i32 to index
      %get3A_1562 = tpu.vector_load %arg36[%get3A_1561] {strides = array<i32>} : memref<80xi32, #tpu.memory_space<vmem>>, vector<16xi32>,
      %get3A_1563 = vector.shape_cast %get3A_1562 : vector<16xi32> to vector<16xi32>
      %mul3A_1564 = arith.constant 32 : i32
      %mul3A_1565 = vector.broadcast %mul3A_1564 : i32 to vector<16xi32>
      %mul3A_1566 = arith.muli %get3A_1563, %mul3A_1565 : vector<16xi32>
      %get3A_1567 = arith.index_cast %mul3A_1560 : i32 to index
      %get3A_1568 = tpu.vector_load %arg47[%get3A_1567] {strides = array<i32>} : memref<80xi32, #tpu.memory_space<vmem>>, vector<16xi32>,
      %get3A_1569 = vector.shape_cast %get3A_1568 : vector<16xi32> to vector<16xi32>
      %add3A_1570 = arith.addi %mul3A_1566, %get3A_1569 : vector<16xi32>
      %swap3A_1571 = arith.index_cast %mul3A_1560 : i32 to index
      %swap3A_1572 = tpu.vector_load %arg58[%swap3A_1571] {strides = array<i32>} : memref<80xi32, #tpu.memory_space<vmem>>, vector<16xi32>,
      %swap3A_1573 = vector.shape_cast %swap3A_1572 : vector<16xi32> to vector<16xi32>
      %swap3A_1574 = vector.shape_cast %add3A_1570 : vector<16xi32> to vector<16xi32>
      tpu.vector_store %arg58[%swap3A_1571], %swap3A_1574 {strides = array<i32>} : memref<80xi32, #tpu.memory_space<vmem>>, vector<16xi32>,
      %scan3A_1575 = arith.constant 4 : i32
      %mul3A_1576 = arith.constant 16 : i32
      %mul3A_1577 = arith.muli %scan3A_1575, %mul3A_1576 : i32
      %get3A_1578 = arith.index_cast %mul3A_1577 : i32 to index
      %get3A_1579 = tpu.vector_load %arg36[%get3A_1578] {strides = array<i32>} : memref<80xi32, #tpu.memory_space<vmem>>, vector<16xi32>,
      %get3A_1580 = vector.shape_cast %get3A_1579 : vector<16xi32> to vector<16xi32>
      %mul3A_1581 = arith.constant 32 : i32
      %mul3A_1582 = vector.broadcast %mul3A_1581 : i32 to vector<16xi32>
      %mul3A_1583 = arith.muli %get3A_1580, %mul3A_1582 : vector<16xi32>
      %get3A_1584 = arith.index_cast %mul3A_1577 : i32 to index
      %get3A_1585 = tpu.vector_load %arg47[%get3A_1584] {strides = array<i32>} : memref<80xi32, #tpu.memory_space<vmem>>, vector<16xi32>,
      %get3A_1586 = vector.shape_cast %get3A_1585 : vector<16xi32> to vector<16xi32>
      %add3A_1587 = arith.addi %mul3A_1583, %get3A_1586 : vector<16xi32>
      %swap3A_1588 = arith.index_cast %mul3A_1577 : i32 to index
      %swap3A_1589 = tpu.vector_load %arg58[%swap3A_1588] {strides = array<i32>} : memref<80xi32, #tpu.memory_space<vmem>>, vector<16xi32>,
      %swap3A_1590 = vector.shape_cast %swap3A_1589 : vector<16xi32> to vector<16xi32>
      %swap3A_1591 = vector.shape_cast %add3A_1587 : vector<16xi32> to vector<16xi32>
      tpu.vector_store %arg58[%swap3A_1588], %swap3A_1591 {strides = array<i32>} : memref<80xi32, #tpu.memory_space<vmem>>, vector<16xi32>,
      %scan3A_1592 = arith.constant 5 : i32
      %convert_element_type3A_1593 = arith.extui %gt3A_1501 : i1 to i32
      %cond3A_1594 = arith.constant 0 : i32
      %cond3A_1595 = arith.cmpi ne, %convert_element_type3A_1593, %cond3A_1594 : i32
      scf.if %cond3A_1595 {
        %dma_wait3A_2050 = arith.constant 0 : i32
        %dma_wait3A_2051 = tpu.memref_slice %arg6[%mul3A_2, %dma_wait3A_2050] : memref<320000x128xf32, #tpu.memory_space<hbm>> -> memref<80x128xf32, #tpu.memory_space<hbm>>
        %dma_wait3A_2052 = arith.constant 0 : i32
        %dma_wait3A_2053 = tpu.memref_slice %arg6[%mul3A_2, %dma_wait3A_2052] : memref<320000x128xf32, #tpu.memory_space<hbm>> -> memref<80x128xf32, #tpu.memory_space<hbm>>
        tpu.wait_dma2 semaphore(%arg91 : memref<!tpu.dma_semaphore, #tpu.memory_space<semaphore_mem>>) src(%arg69 : memref<80x128xf32, #tpu.memory_space<vmem>>) dst(%dma_wait3A_2053 : memref<80x128xf32, #tpu.memory_space<hbm>>)
      } else {
      }
      %dma_start3A_1596 = arith.constant 0 : i32
      %dma_start3A_1597 = arith.constant 0 : i32
      %dma_start3A_1598 = tpu.memref_slice %arg95[%dma_start3A_1596, %dma_start3A_1597] : memref<1024x128xf32, #tpu.memory_space<vmem_shared>> -> memref<1024x128xf32, #tpu.memory_space<vmem_shared>>
      tpu.enqueue_indirect_dma source(%dma_start3A_1598 : memref<1024x128xf32, #tpu.memory_space<vmem_shared>>) target(%arg69 : memref<80x128xf32, #tpu.memory_space<vmem>>) offsets(%arg58 : memref<80xi32, #tpu.memory_space<vmem>>) semaphore(%arg80 : memref<!tpu.dma_semaphore, #tpu.memory_space<semaphore_mem>>)
      %gt3A_1599 = arith.constant 0 : i32
      %gt3A_1600 = arith.cmpi sgt, %scan3A_554, %gt3A_1599 : i32
      %dma_wait3A_1601 = arith.constant 0 : i32
      %dma_wait3A_1602 = tpu.memref_slice %arg96[%dma_wait3A_1601] : memref<10000xi32, #tpu.memory_space<vmem_shared>> -> memref<10000xi32, #tpu.memory_space<vmem_shared>>
      tpu.wait_indirect_dma semaphore(%arg81 : memref<!tpu.dma_semaphore, #tpu.memory_space<semaphore_mem>>) src(%dma_wait3A_1602 : memref<10000xi32, #tpu.memory_space<vmem_shared>>) dst(%arg37 : memref<80xi32, #tpu.memory_space<vmem>>)
      %dma_wait3A_1603 = arith.constant 0 : i32
      %dma_wait3A_1604 = tpu.memref_slice %arg96[%dma_wait3A_1603] : memref<10000xi32, #tpu.memory_space<vmem_shared>> -> memref<10000xi32, #tpu.memory_space<vmem_shared>>
      tpu.wait_indirect_dma semaphore(%arg81 : memref<!tpu.dma_semaphore, #tpu.memory_space<semaphore_mem>>) src(%dma_wait3A_1604 : memref<10000xi32, #tpu.memory_space<vmem_shared>>) dst(%arg48 : memref<80xi32, #tpu.memory_space<vmem>>)
      %scan3A_1605 = arith.constant 0 : i32
      %scan3A_1606 = arith.constant 0 : i32
      %mul3A_1607 = arith.constant 16 : i32
      %mul3A_1608 = arith.muli %scan3A_1606, %mul3A_1607 : i32
      %get3A_1609 = arith.index_cast %mul3A_1608 : i32 to index
      %get3A_1610 = tpu.vector_load %arg37[%get3A_1609] {strides = array<i32>} : memref<80xi32, #tpu.memory_space<vmem>>, vector<16xi32>,
      %get3A_1611 = vector.shape_cast %get3A_1610 : vector<16xi32> to vector<16xi32>
      %mul3A_1612 = arith.constant 32 : i32
      %mul3A_1613 = vector.broadcast %mul3A_1612 : i32 to vector<16xi32>
      %mul3A_1614 = arith.muli %get3A_1611, %mul3A_1613 : vector<16xi32>
      %get3A_1615 = arith.index_cast %mul3A_1608 : i32 to index
      %get3A_1616 = tpu.vector_load %arg48[%get3A_1615] {strides = array<i32>} : memref<80xi32, #tpu.memory_space<vmem>>, vector<16xi32>,
      %get3A_1617 = vector.shape_cast %get3A_1616 : vector<16xi32> to vector<16xi32>
      %add3A_1618 = arith.addi %mul3A_1614, %get3A_1617 : vector<16xi32>
      %swap3A_1619 = arith.index_cast %mul3A_1608 : i32 to index
      %swap3A_1620 = tpu.vector_load %arg59[%swap3A_1619] {strides = array<i32>} : memref<80xi32, #tpu.memory_space<vmem>>, vector<16xi32>,
      %swap3A_1621 = vector.shape_cast %swap3A_1620 : vector<16xi32> to vector<16xi32>
      %swap3A_1622 = vector.shape_cast %add3A_1618 : vector<16xi32> to vector<16xi32>
      tpu.vector_store %arg59[%swap3A_1619], %swap3A_1622 {strides = array<i32>} : memref<80xi32, #tpu.memory_space<vmem>>, vector<16xi32>,
      %scan3A_1623 = arith.constant 1 : i32
      %mul3A_1624 = arith.constant 16 : i32
      %mul3A_1625 = arith.muli %scan3A_1623, %mul3A_1624 : i32
      %get3A_1626 = arith.index_cast %mul3A_1625 : i32 to index
      %get3A_1627 = tpu.vector_load %arg37[%get3A_1626] {strides = array<i32>} : memref<80xi32, #tpu.memory_space<vmem>>, vector<16xi32>,
      %get3A_1628 = vector.shape_cast %get3A_1627 : vector<16xi32> to vector<16xi32>
      %mul3A_1629 = arith.constant 32 : i32
      %mul3A_1630 = vector.broadcast %mul3A_1629 : i32 to vector<16xi32>
      %mul3A_1631 = arith.muli %get3A_1628, %mul3A_1630 : vector<16xi32>
      %get3A_1632 = arith.index_cast %mul3A_1625 : i32 to index
      %get3A_1633 = tpu.vector_load %arg48[%get3A_1632] {strides = array<i32>} : memref<80xi32, #tpu.memory_space<vmem>>, vector<16xi32>,
      %get3A_1634 = vector.shape_cast %get3A_1633 : vector<16xi32> to vector<16xi32>
      %add3A_1635 = arith.addi %mul3A_1631, %get3A_1634 : vector<16xi32>
      %swap3A_1636 = arith.index_cast %mul3A_1625 : i32 to index
      %swap3A_1637 = tpu.vector_load %arg59[%swap3A_1636] {strides = array<i32>} : memref<80xi32, #tpu.memory_space<vmem>>, vector<16xi32>,
      %swap3A_1638 = vector.shape_cast %swap3A_1637 : vector<16xi32> to vector<16xi32>
      %swap3A_1639 = vector.shape_cast %add3A_1635 : vector<16xi32> to vector<16xi32>
      tpu.vector_store %arg59[%swap3A_1636], %swap3A_1639 {strides = array<i32>} : memref<80xi32, #tpu.memory_space<vmem>>, vector<16xi32>,
      %scan3A_1640 = arith.constant 2 : i32
      %mul3A_1641 = arith.constant 16 : i32
      %mul3A_1642 = arith.muli %scan3A_1640, %mul3A_1641 : i32
      %get3A_1643 = arith.index_cast %mul3A_1642 : i32 to index
      %get3A_1644 = tpu.vector_load %arg37[%get3A_1643] {strides = array<i32>} : memref<80xi32, #tpu.memory_space<vmem>>, vector<16xi32>,
      %get3A_1645 = vector.shape_cast %get3A_1644 : vector<16xi32> to vector<16xi32>
      %mul3A_1646 = arith.constant 32 : i32
      %mul3A_1647 = vector.broadcast %mul3A_1646 : i32 to vector<16xi32>
      %mul3A_1648 = arith.muli %get3A_1645, %mul3A_1647 : vector<16xi32>
      %get3A_1649 = arith.index_cast %mul3A_1642 : i32 to index
      %get3A_1650 = tpu.vector_load %arg48[%get3A_1649] {strides = array<i32>} : memref<80xi32, #tpu.memory_space<vmem>>, vector<16xi32>,
      %get3A_1651 = vector.shape_cast %get3A_1650 : vector<16xi32> to vector<16xi32>
      %add3A_1652 = arith.addi %mul3A_1648, %get3A_1651 : vector<16xi32>
      %swap3A_1653 = arith.index_cast %mul3A_1642 : i32 to index
      %swap3A_1654 = tpu.vector_load %arg59[%swap3A_1653] {strides = array<i32>} : memref<80xi32, #tpu.memory_space<vmem>>, vector<16xi32>,
      %swap3A_1655 = vector.shape_cast %swap3A_1654 : vector<16xi32> to vector<16xi32>
      %swap3A_1656 = vector.shape_cast %add3A_1652 : vector<16xi32> to vector<16xi32>
      tpu.vector_store %arg59[%swap3A_1653], %swap3A_1656 {strides = array<i32>} : memref<80xi32, #tpu.memory_space<vmem>>, vector<16xi32>,
      %scan3A_1657 = arith.constant 3 : i32
      %mul3A_1658 = arith.constant 16 : i32
      %mul3A_1659 = arith.muli %scan3A_1657, %mul3A_1658 : i32
      %get3A_1660 = arith.index_cast %mul3A_1659 : i32 to index
      %get3A_1661 = tpu.vector_load %arg37[%get3A_1660] {strides = array<i32>} : memref<80xi32, #tpu.memory_space<vmem>>, vector<16xi32>,
      %get3A_1662 = vector.shape_cast %get3A_1661 : vector<16xi32> to vector<16xi32>
      %mul3A_1663 = arith.constant 32 : i32
      %mul3A_1664 = vector.broadcast %mul3A_1663 : i32 to vector<16xi32>
      %mul3A_1665 = arith.muli %get3A_1662, %mul3A_1664 : vector<16xi32>
      %get3A_1666 = arith.index_cast %mul3A_1659 : i32 to index
      %get3A_1667 = tpu.vector_load %arg48[%get3A_1666] {strides = array<i32>} : memref<80xi32, #tpu.memory_space<vmem>>, vector<16xi32>,
      %get3A_1668 = vector.shape_cast %get3A_1667 : vector<16xi32> to vector<16xi32>
      %add3A_1669 = arith.addi %mul3A_1665, %get3A_1668 : vector<16xi32>
      %swap3A_1670 = arith.index_cast %mul3A_1659 : i32 to index
      %swap3A_1671 = tpu.vector_load %arg59[%swap3A_1670] {strides = array<i32>} : memref<80xi32, #tpu.memory_space<vmem>>, vector<16xi32>,
      %swap3A_1672 = vector.shape_cast %swap3A_1671 : vector<16xi32> to vector<16xi32>
      %swap3A_1673 = vector.shape_cast %add3A_1669 : vector<16xi32> to vector<16xi32>
      tpu.vector_store %arg59[%swap3A_1670], %swap3A_1673 {strides = array<i32>} : memref<80xi32, #tpu.memory_space<vmem>>, vector<16xi32>,
      %scan3A_1674 = arith.constant 4 : i32
      %mul3A_1675 = arith.constant 16 : i32
      %mul3A_1676 = arith.muli %scan3A_1674, %mul3A_1675 : i32
      %get3A_1677 = arith.index_cast %mul3A_1676 : i32 to index
      %get3A_1678 = tpu.vector_load %arg37[%get3A_1677] {strides = array<i32>} : memref<80xi32, #tpu.memory_space<vmem>>, vector<16xi32>,
      %get3A_1679 = vector.shape_cast %get3A_1678 : vector<16xi32> to vector<16xi32>
      %mul3A_1680 = arith.constant 32 : i32
      %mul3A_1681 = vector.broadcast %mul3A_1680 : i32 to vector<16xi32>
      %mul3A_1682 = arith.muli %get3A_1679, %mul3A_1681 : vector<16xi32>
      %get3A_1683 = arith.index_cast %mul3A_1676 : i32 to index
      %get3A_1684 = tpu.vector_load %arg48[%get3A_1683] {strides = array<i32>} : memref<80xi32, #tpu.memory_space<vmem>>, vector<16xi32>,
      %get3A_1685 = vector.shape_cast %get3A_1684 : vector<16xi32> to vector<16xi32>
      %add3A_1686 = arith.addi %mul3A_1682, %get3A_1685 : vector<16xi32>
      %swap3A_1687 = arith.index_cast %mul3A_1676 : i32 to index
      %swap3A_1688 = tpu.vector_load %arg59[%swap3A_1687] {strides = array<i32>} : memref<80xi32, #tpu.memory_space<vmem>>, vector<16xi32>,
      %swap3A_1689 = vector.shape_cast %swap3A_1688 : vector<16xi32> to vector<16xi32>
      %swap3A_1690 = vector.shape_cast %add3A_1686 : vector<16xi32> to vector<16xi32>
      tpu.vector_store %arg59[%swap3A_1687], %swap3A_1690 {strides = array<i32>} : memref<80xi32, #tpu.memory_space<vmem>>, vector<16xi32>,
      %scan3A_1691 = arith.constant 5 : i32
      %convert_element_type3A_1692 = arith.extui %gt3A_1600 : i1 to i32
      %cond3A_1693 = arith.constant 0 : i32
      %cond3A_1694 = arith.cmpi ne, %convert_element_type3A_1692, %cond3A_1693 : i32
      scf.if %cond3A_1694 {
        %dma_wait3A_2050 = arith.constant 0 : i32
        %dma_wait3A_2051 = tpu.memref_slice %arg6[%mul3A_2, %dma_wait3A_2050] : memref<320000x128xf32, #tpu.memory_space<hbm>> -> memref<80x128xf32, #tpu.memory_space<hbm>>
        %dma_wait3A_2052 = arith.constant 0 : i32
        %dma_wait3A_2053 = tpu.memref_slice %arg6[%mul3A_2, %dma_wait3A_2052] : memref<320000x128xf32, #tpu.memory_space<hbm>> -> memref<80x128xf32, #tpu.memory_space<hbm>>
        tpu.wait_dma2 semaphore(%arg92 : memref<!tpu.dma_semaphore, #tpu.memory_space<semaphore_mem>>) src(%arg70 : memref<80x128xf32, #tpu.memory_space<vmem>>) dst(%dma_wait3A_2053 : memref<80x128xf32, #tpu.memory_space<hbm>>)
      } else {
      }
      %dma_start3A_1695 = arith.constant 0 : i32
      %dma_start3A_1696 = arith.constant 0 : i32
      %dma_start3A_1697 = tpu.memref_slice %arg95[%dma_start3A_1695, %dma_start3A_1696] : memref<1024x128xf32, #tpu.memory_space<vmem_shared>> -> memref<1024x128xf32, #tpu.memory_space<vmem_shared>>
      tpu.enqueue_indirect_dma source(%dma_start3A_1697 : memref<1024x128xf32, #tpu.memory_space<vmem_shared>>) target(%arg70 : memref<80x128xf32, #tpu.memory_space<vmem>>) offsets(%arg59 : memref<80xi32, #tpu.memory_space<vmem>>) semaphore(%arg81 : memref<!tpu.dma_semaphore, #tpu.memory_space<semaphore_mem>>)
      %gt3A_1698 = arith.constant 0 : i32
      %gt3A_1699 = arith.cmpi sgt, %scan3A_554, %gt3A_1698 : i32
      %dma_wait3A_1700 = arith.constant 0 : i32
      %dma_wait3A_1701 = tpu.memref_slice %arg96[%dma_wait3A_1700] : memref<10000xi32, #tpu.memory_space<vmem_shared>> -> memref<10000xi32, #tpu.memory_space<vmem_shared>>
      tpu.wait_indirect_dma semaphore(%arg82 : memref<!tpu.dma_semaphore, #tpu.memory_space<semaphore_mem>>) src(%dma_wait3A_1701 : memref<10000xi32, #tpu.memory_space<vmem_shared>>) dst(%arg38 : memref<80xi32, #tpu.memory_space<vmem>>)
      %dma_wait3A_1702 = arith.constant 0 : i32
      %dma_wait3A_1703 = tpu.memref_slice %arg96[%dma_wait3A_1702] : memref<10000xi32, #tpu.memory_space<vmem_shared>> -> memref<10000xi32, #tpu.memory_space<vmem_shared>>
      tpu.wait_indirect_dma semaphore(%arg82 : memref<!tpu.dma_semaphore, #tpu.memory_space<semaphore_mem>>) src(%dma_wait3A_1703 : memref<10000xi32, #tpu.memory_space<vmem_shared>>) dst(%arg49 : memref<80xi32, #tpu.memory_space<vmem>>)
      %scan3A_1704 = arith.constant 0 : i32
      %scan3A_1705 = arith.constant 0 : i32
      %mul3A_1706 = arith.constant 16 : i32
      %mul3A_1707 = arith.muli %scan3A_1705, %mul3A_1706 : i32
      %get3A_1708 = arith.index_cast %mul3A_1707 : i32 to index
      %get3A_1709 = tpu.vector_load %arg38[%get3A_1708] {strides = array<i32>} : memref<80xi32, #tpu.memory_space<vmem>>, vector<16xi32>,
      %get3A_1710 = vector.shape_cast %get3A_1709 : vector<16xi32> to vector<16xi32>
      %mul3A_1711 = arith.constant 32 : i32
      %mul3A_1712 = vector.broadcast %mul3A_1711 : i32 to vector<16xi32>
      %mul3A_1713 = arith.muli %get3A_1710, %mul3A_1712 : vector<16xi32>
      %get3A_1714 = arith.index_cast %mul3A_1707 : i32 to index
      %get3A_1715 = tpu.vector_load %arg49[%get3A_1714] {strides = array<i32>} : memref<80xi32, #tpu.memory_space<vmem>>, vector<16xi32>,
      %get3A_1716 = vector.shape_cast %get3A_1715 : vector<16xi32> to vector<16xi32>
      %add3A_1717 = arith.addi %mul3A_1713, %get3A_1716 : vector<16xi32>
      %swap3A_1718 = arith.index_cast %mul3A_1707 : i32 to index
      %swap3A_1719 = tpu.vector_load %arg60[%swap3A_1718] {strides = array<i32>} : memref<80xi32, #tpu.memory_space<vmem>>, vector<16xi32>,
      %swap3A_1720 = vector.shape_cast %swap3A_1719 : vector<16xi32> to vector<16xi32>
      %swap3A_1721 = vector.shape_cast %add3A_1717 : vector<16xi32> to vector<16xi32>
      tpu.vector_store %arg60[%swap3A_1718], %swap3A_1721 {strides = array<i32>} : memref<80xi32, #tpu.memory_space<vmem>>, vector<16xi32>,
      %scan3A_1722 = arith.constant 1 : i32
      %mul3A_1723 = arith.constant 16 : i32
      %mul3A_1724 = arith.muli %scan3A_1722, %mul3A_1723 : i32
      %get3A_1725 = arith.index_cast %mul3A_1724 : i32 to index
      %get3A_1726 = tpu.vector_load %arg38[%get3A_1725] {strides = array<i32>} : memref<80xi32, #tpu.memory_space<vmem>>, vector<16xi32>,
      %get3A_1727 = vector.shape_cast %get3A_1726 : vector<16xi32> to vector<16xi32>
      %mul3A_1728 = arith.constant 32 : i32
      %mul3A_1729 = vector.broadcast %mul3A_1728 : i32 to vector<16xi32>
      %mul3A_1730 = arith.muli %get3A_1727, %mul3A_1729 : vector<16xi32>
      %get3A_1731 = arith.index_cast %mul3A_1724 : i32 to index
      %get3A_1732 = tpu.vector_load %arg49[%get3A_1731] {strides = array<i32>} : memref<80xi32, #tpu.memory_space<vmem>>, vector<16xi32>,
      %get3A_1733 = vector.shape_cast %get3A_1732 : vector<16xi32> to vector<16xi32>
      %add3A_1734 = arith.addi %mul3A_1730, %get3A_1733 : vector<16xi32>
      %swap3A_1735 = arith.index_cast %mul3A_1724 : i32 to index
      %swap3A_1736 = tpu.vector_load %arg60[%swap3A_1735] {strides = array<i32>} : memref<80xi32, #tpu.memory_space<vmem>>, vector<16xi32>,
      %swap3A_1737 = vector.shape_cast %swap3A_1736 : vector<16xi32> to vector<16xi32>
      %swap3A_1738 = vector.shape_cast %add3A_1734 : vector<16xi32> to vector<16xi32>
      tpu.vector_store %arg60[%swap3A_1735], %swap3A_1738 {strides = array<i32>} : memref<80xi32, #tpu.memory_space<vmem>>, vector<16xi32>,
      %scan3A_1739 = arith.constant 2 : i32
      %mul3A_1740 = arith.constant 16 : i32
      %mul3A_1741 = arith.muli %scan3A_1739, %mul3A_1740 : i32
      %get3A_1742 = arith.index_cast %mul3A_1741 : i32 to index
      %get3A_1743 = tpu.vector_load %arg38[%get3A_1742] {strides = array<i32>} : memref<80xi32, #tpu.memory_space<vmem>>, vector<16xi32>,
      %get3A_1744 = vector.shape_cast %get3A_1743 : vector<16xi32> to vector<16xi32>
      %mul3A_1745 = arith.constant 32 : i32
      %mul3A_1746 = vector.broadcast %mul3A_1745 : i32 to vector<16xi32>
      %mul3A_1747 = arith.muli %get3A_1744, %mul3A_1746 : vector<16xi32>
      %get3A_1748 = arith.index_cast %mul3A_1741 : i32 to index
      %get3A_1749 = tpu.vector_load %arg49[%get3A_1748] {strides = array<i32>} : memref<80xi32, #tpu.memory_space<vmem>>, vector<16xi32>,
      %get3A_1750 = vector.shape_cast %get3A_1749 : vector<16xi32> to vector<16xi32>
      %add3A_1751 = arith.addi %mul3A_1747, %get3A_1750 : vector<16xi32>
      %swap3A_1752 = arith.index_cast %mul3A_1741 : i32 to index
      %swap3A_1753 = tpu.vector_load %arg60[%swap3A_1752] {strides = array<i32>} : memref<80xi32, #tpu.memory_space<vmem>>, vector<16xi32>,
      %swap3A_1754 = vector.shape_cast %swap3A_1753 : vector<16xi32> to vector<16xi32>
      %swap3A_1755 = vector.shape_cast %add3A_1751 : vector<16xi32> to vector<16xi32>
      tpu.vector_store %arg60[%swap3A_1752], %swap3A_1755 {strides = array<i32>} : memref<80xi32, #tpu.memory_space<vmem>>, vector<16xi32>,
      %scan3A_1756 = arith.constant 3 : i32
      %mul3A_1757 = arith.constant 16 : i32
      %mul3A_1758 = arith.muli %scan3A_1756, %mul3A_1757 : i32
      %get3A_1759 = arith.index_cast %mul3A_1758 : i32 to index
      %get3A_1760 = tpu.vector_load %arg38[%get3A_1759] {strides = array<i32>} : memref<80xi32, #tpu.memory_space<vmem>>, vector<16xi32>,
      %get3A_1761 = vector.shape_cast %get3A_1760 : vector<16xi32> to vector<16xi32>
      %mul3A_1762 = arith.constant 32 : i32
      %mul3A_1763 = vector.broadcast %mul3A_1762 : i32 to vector<16xi32>
      %mul3A_1764 = arith.muli %get3A_1761, %mul3A_1763 : vector<16xi32>
      %get3A_1765 = arith.index_cast %mul3A_1758 : i32 to index
      %get3A_1766 = tpu.vector_load %arg49[%get3A_1765] {strides = array<i32>} : memref<80xi32, #tpu.memory_space<vmem>>, vector<16xi32>,
      %get3A_1767 = vector.shape_cast %get3A_1766 : vector<16xi32> to vector<16xi32>
      %add3A_1768 = arith.addi %mul3A_1764, %get3A_1767 : vector<16xi32>
      %swap3A_1769 = arith.index_cast %mul3A_1758 : i32 to index
      %swap3A_1770 = tpu.vector_load %arg60[%swap3A_1769] {strides = array<i32>} : memref<80xi32, #tpu.memory_space<vmem>>, vector<16xi32>,
      %swap3A_1771 = vector.shape_cast %swap3A_1770 : vector<16xi32> to vector<16xi32>
      %swap3A_1772 = vector.shape_cast %add3A_1768 : vector<16xi32> to vector<16xi32>
      tpu.vector_store %arg60[%swap3A_1769], %swap3A_1772 {strides = array<i32>} : memref<80xi32, #tpu.memory_space<vmem>>, vector<16xi32>,
      %scan3A_1773 = arith.constant 4 : i32
      %mul3A_1774 = arith.constant 16 : i32
      %mul3A_1775 = arith.muli %scan3A_1773, %mul3A_1774 : i32
      %get3A_1776 = arith.index_cast %mul3A_1775 : i32 to index
      %get3A_1777 = tpu.vector_load %arg38[%get3A_1776] {strides = array<i32>} : memref<80xi32, #tpu.memory_space<vmem>>, vector<16xi32>,
      %get3A_1778 = vector.shape_cast %get3A_1777 : vector<16xi32> to vector<16xi32>
      %mul3A_1779 = arith.constant 32 : i32
      %mul3A_1780 = vector.broadcast %mul3A_1779 : i32 to vector<16xi32>
      %mul3A_1781 = arith.muli %get3A_1778, %mul3A_1780 : vector<16xi32>
      %get3A_1782 = arith.index_cast %mul3A_1775 : i32 to index
      %get3A_1783 = tpu.vector_load %arg49[%get3A_1782] {strides = array<i32>} : memref<80xi32, #tpu.memory_space<vmem>>, vector<16xi32>,
      %get3A_1784 = vector.shape_cast %get3A_1783 : vector<16xi32> to vector<16xi32>
      %add3A_1785 = arith.addi %mul3A_1781, %get3A_1784 : vector<16xi32>
      %swap3A_1786 = arith.index_cast %mul3A_1775 : i32 to index
      %swap3A_1787 = tpu.vector_load %arg60[%swap3A_1786] {strides = array<i32>} : memref<80xi32, #tpu.memory_space<vmem>>, vector<16xi32>,
      %swap3A_1788 = vector.shape_cast %swap3A_1787 : vector<16xi32> to vector<16xi32>
      %swap3A_1789 = vector.shape_cast %add3A_1785 : vector<16xi32> to vector<16xi32>
      tpu.vector_store %arg60[%swap3A_1786], %swap3A_1789 {strides = array<i32>} : memref<80xi32, #tpu.memory_space<vmem>>, vector<16xi32>,
      %scan3A_1790 = arith.constant 5 : i32
      %convert_element_type3A_1791 = arith.extui %gt3A_1699 : i1 to i32
      %cond3A_1792 = arith.constant 0 : i32
      %cond3A_1793 = arith.cmpi ne, %convert_element_type3A_1791, %cond3A_1792 : i32
      scf.if %cond3A_1793 {
        %dma_wait3A_2050 = arith.constant 0 : i32
        %dma_wait3A_2051 = tpu.memref_slice %arg6[%mul3A_2, %dma_wait3A_2050] : memref<320000x128xf32, #tpu.memory_space<hbm>> -> memref<80x128xf32, #tpu.memory_space<hbm>>
        %dma_wait3A_2052 = arith.constant 0 : i32
        %dma_wait3A_2053 = tpu.memref_slice %arg6[%mul3A_2, %dma_wait3A_2052] : memref<320000x128xf32, #tpu.memory_space<hbm>> -> memref<80x128xf32, #tpu.memory_space<hbm>>
        tpu.wait_dma2 semaphore(%arg93 : memref<!tpu.dma_semaphore, #tpu.memory_space<semaphore_mem>>) src(%arg71 : memref<80x128xf32, #tpu.memory_space<vmem>>) dst(%dma_wait3A_2053 : memref<80x128xf32, #tpu.memory_space<hbm>>)
      } else {
      }
      %dma_start3A_1794 = arith.constant 0 : i32
      %dma_start3A_1795 = arith.constant 0 : i32
      %dma_start3A_1796 = tpu.memref_slice %arg95[%dma_start3A_1794, %dma_start3A_1795] : memref<1024x128xf32, #tpu.memory_space<vmem_shared>> -> memref<1024x128xf32, #tpu.memory_space<vmem_shared>>
      tpu.enqueue_indirect_dma source(%dma_start3A_1796 : memref<1024x128xf32, #tpu.memory_space<vmem_shared>>) target(%arg71 : memref<80x128xf32, #tpu.memory_space<vmem>>) offsets(%arg60 : memref<80xi32, #tpu.memory_space<vmem>>) semaphore(%arg82 : memref<!tpu.dma_semaphore, #tpu.memory_space<semaphore_mem>>)
      %gt3A_1797 = arith.constant 0 : i32
      %gt3A_1798 = arith.cmpi sgt, %scan3A_554, %gt3A_1797 : i32
      %dma_wait3A_1799 = arith.constant 0 : i32
      %dma_wait3A_1800 = tpu.memref_slice %arg96[%dma_wait3A_1799] : memref<10000xi32, #tpu.memory_space<vmem_shared>> -> memref<10000xi32, #tpu.memory_space<vmem_shared>>
      tpu.wait_indirect_dma semaphore(%arg83 : memref<!tpu.dma_semaphore, #tpu.memory_space<semaphore_mem>>) src(%dma_wait3A_1800 : memref<10000xi32, #tpu.memory_space<vmem_shared>>) dst(%arg39 : memref<80xi32, #tpu.memory_space<vmem>>)
      %dma_wait3A_1801 = arith.constant 0 : i32
      %dma_wait3A_1802 = tpu.memref_slice %arg96[%dma_wait3A_1801] : memref<10000xi32, #tpu.memory_space<vmem_shared>> -> memref<10000xi32, #tpu.memory_space<vmem_shared>>
      tpu.wait_indirect_dma semaphore(%arg83 : memref<!tpu.dma_semaphore, #tpu.memory_space<semaphore_mem>>) src(%dma_wait3A_1802 : memref<10000xi32, #tpu.memory_space<vmem_shared>>) dst(%arg50 : memref<80xi32, #tpu.memory_space<vmem>>)
      %scan3A_1803 = arith.constant 0 : i32
      %scan3A_1804 = arith.constant 0 : i32
      %mul3A_1805 = arith.constant 16 : i32
      %mul3A_1806 = arith.muli %scan3A_1804, %mul3A_1805 : i32
      %get3A_1807 = arith.index_cast %mul3A_1806 : i32 to index
      %get3A_1808 = tpu.vector_load %arg39[%get3A_1807] {strides = array<i32>} : memref<80xi32, #tpu.memory_space<vmem>>, vector<16xi32>,
      %get3A_1809 = vector.shape_cast %get3A_1808 : vector<16xi32> to vector<16xi32>
      %mul3A_1810 = arith.constant 32 : i32
      %mul3A_1811 = vector.broadcast %mul3A_1810 : i32 to vector<16xi32>
      %mul3A_1812 = arith.muli %get3A_1809, %mul3A_1811 : vector<16xi32>
      %get3A_1813 = arith.index_cast %mul3A_1806 : i32 to index
      %get3A_1814 = tpu.vector_load %arg50[%get3A_1813] {strides = array<i32>} : memref<80xi32, #tpu.memory_space<vmem>>, vector<16xi32>,
      %get3A_1815 = vector.shape_cast %get3A_1814 : vector<16xi32> to vector<16xi32>
      %add3A_1816 = arith.addi %mul3A_1812, %get3A_1815 : vector<16xi32>
      %swap3A_1817 = arith.index_cast %mul3A_1806 : i32 to index
      %swap3A_1818 = tpu.vector_load %arg61[%swap3A_1817] {strides = array<i32>} : memref<80xi32, #tpu.memory_space<vmem>>, vector<16xi32>,
      %swap3A_1819 = vector.shape_cast %swap3A_1818 : vector<16xi32> to vector<16xi32>
      %swap3A_1820 = vector.shape_cast %add3A_1816 : vector<16xi32> to vector<16xi32>
      tpu.vector_store %arg61[%swap3A_1817], %swap3A_1820 {strides = array<i32>} : memref<80xi32, #tpu.memory_space<vmem>>, vector<16xi32>,
      %scan3A_1821 = arith.constant 1 : i32
      %mul3A_1822 = arith.constant 16 : i32
      %mul3A_1823 = arith.muli %scan3A_1821, %mul3A_1822 : i32
      %get3A_1824 = arith.index_cast %mul3A_1823 : i32 to index
      %get3A_1825 = tpu.vector_load %arg39[%get3A_1824] {strides = array<i32>} : memref<80xi32, #tpu.memory_space<vmem>>, vector<16xi32>,
      %get3A_1826 = vector.shape_cast %get3A_1825 : vector<16xi32> to vector<16xi32>
      %mul3A_1827 = arith.constant 32 : i32
      %mul3A_1828 = vector.broadcast %mul3A_1827 : i32 to vector<16xi32>
      %mul3A_1829 = arith.muli %get3A_1826, %mul3A_1828 : vector<16xi32>
      %get3A_1830 = arith.index_cast %mul3A_1823 : i32 to index
      %get3A_1831 = tpu.vector_load %arg50[%get3A_1830] {strides = array<i32>} : memref<80xi32, #tpu.memory_space<vmem>>, vector<16xi32>,
      %get3A_1832 = vector.shape_cast %get3A_1831 : vector<16xi32> to vector<16xi32>
      %add3A_1833 = arith.addi %mul3A_1829, %get3A_1832 : vector<16xi32>
      %swap3A_1834 = arith.index_cast %mul3A_1823 : i32 to index
      %swap3A_1835 = tpu.vector_load %arg61[%swap3A_1834] {strides = array<i32>} : memref<80xi32, #tpu.memory_space<vmem>>, vector<16xi32>,
      %swap3A_1836 = vector.shape_cast %swap3A_1835 : vector<16xi32> to vector<16xi32>
      %swap3A_1837 = vector.shape_cast %add3A_1833 : vector<16xi32> to vector<16xi32>
      tpu.vector_store %arg61[%swap3A_1834], %swap3A_1837 {strides = array<i32>} : memref<80xi32, #tpu.memory_space<vmem>>, vector<16xi32>,
      %scan3A_1838 = arith.constant 2 : i32
      %mul3A_1839 = arith.constant 16 : i32
      %mul3A_1840 = arith.muli %scan3A_1838, %mul3A_1839 : i32
      %get3A_1841 = arith.index_cast %mul3A_1840 : i32 to index
      %get3A_1842 = tpu.vector_load %arg39[%get3A_1841] {strides = array<i32>} : memref<80xi32, #tpu.memory_space<vmem>>, vector<16xi32>,
      %get3A_1843 = vector.shape_cast %get3A_1842 : vector<16xi32> to vector<16xi32>
      %mul3A_1844 = arith.constant 32 : i32
      %mul3A_1845 = vector.broadcast %mul3A_1844 : i32 to vector<16xi32>
      %mul3A_1846 = arith.muli %get3A_1843, %mul3A_1845 : vector<16xi32>
      %get3A_1847 = arith.index_cast %mul3A_1840 : i32 to index
      %get3A_1848 = tpu.vector_load %arg50[%get3A_1847] {strides = array<i32>} : memref<80xi32, #tpu.memory_space<vmem>>, vector<16xi32>,
      %get3A_1849 = vector.shape_cast %get3A_1848 : vector<16xi32> to vector<16xi32>
      %add3A_1850 = arith.addi %mul3A_1846, %get3A_1849 : vector<16xi32>
      %swap3A_1851 = arith.index_cast %mul3A_1840 : i32 to index
      %swap3A_1852 = tpu.vector_load %arg61[%swap3A_1851] {strides = array<i32>} : memref<80xi32, #tpu.memory_space<vmem>>, vector<16xi32>,
      %swap3A_1853 = vector.shape_cast %swap3A_1852 : vector<16xi32> to vector<16xi32>
      %swap3A_1854 = vector.shape_cast %add3A_1850 : vector<16xi32> to vector<16xi32>
      tpu.vector_store %arg61[%swap3A_1851], %swap3A_1854 {strides = array<i32>} : memref<80xi32, #tpu.memory_space<vmem>>, vector<16xi32>,
      %scan3A_1855 = arith.constant 3 : i32
      %mul3A_1856 = arith.constant 16 : i32
      %mul3A_1857 = arith.muli %scan3A_1855, %mul3A_1856 : i32
      %get3A_1858 = arith.index_cast %mul3A_1857 : i32 to index
      %get3A_1859 = tpu.vector_load %arg39[%get3A_1858] {strides = array<i32>} : memref<80xi32, #tpu.memory_space<vmem>>, vector<16xi32>,
      %get3A_1860 = vector.shape_cast %get3A_1859 : vector<16xi32> to vector<16xi32>
      %mul3A_1861 = arith.constant 32 : i32
      %mul3A_1862 = vector.broadcast %mul3A_1861 : i32 to vector<16xi32>
      %mul3A_1863 = arith.muli %get3A_1860, %mul3A_1862 : vector<16xi32>
      %get3A_1864 = arith.index_cast %mul3A_1857 : i32 to index
      %get3A_1865 = tpu.vector_load %arg50[%get3A_1864] {strides = array<i32>} : memref<80xi32, #tpu.memory_space<vmem>>, vector<16xi32>,
      %get3A_1866 = vector.shape_cast %get3A_1865 : vector<16xi32> to vector<16xi32>
      %add3A_1867 = arith.addi %mul3A_1863, %get3A_1866 : vector<16xi32>
      %swap3A_1868 = arith.index_cast %mul3A_1857 : i32 to index
      %swap3A_1869 = tpu.vector_load %arg61[%swap3A_1868] {strides = array<i32>} : memref<80xi32, #tpu.memory_space<vmem>>, vector<16xi32>,
      %swap3A_1870 = vector.shape_cast %swap3A_1869 : vector<16xi32> to vector<16xi32>
      %swap3A_1871 = vector.shape_cast %add3A_1867 : vector<16xi32> to vector<16xi32>
      tpu.vector_store %arg61[%swap3A_1868], %swap3A_1871 {strides = array<i32>} : memref<80xi32, #tpu.memory_space<vmem>>, vector<16xi32>,
      %scan3A_1872 = arith.constant 4 : i32
      %mul3A_1873 = arith.constant 16 : i32
      %mul3A_1874 = arith.muli %scan3A_1872, %mul3A_1873 : i32
      %get3A_1875 = arith.index_cast %mul3A_1874 : i32 to index
      %get3A_1876 = tpu.vector_load %arg39[%get3A_1875] {strides = array<i32>} : memref<80xi32, #tpu.memory_space<vmem>>, vector<16xi32>,
      %get3A_1877 = vector.shape_cast %get3A_1876 : vector<16xi32> to vector<16xi32>
      %mul3A_1878 = arith.constant 32 : i32
      %mul3A_1879 = vector.broadcast %mul3A_1878 : i32 to vector<16xi32>
      %mul3A_1880 = arith.muli %get3A_1877, %mul3A_1879 : vector<16xi32>
      %get3A_1881 = arith.index_cast %mul3A_1874 : i32 to index
      %get3A_1882 = tpu.vector_load %arg50[%get3A_1881] {strides = array<i32>} : memref<80xi32, #tpu.memory_space<vmem>>, vector<16xi32>,
      %get3A_1883 = vector.shape_cast %get3A_1882 : vector<16xi32> to vector<16xi32>
      %add3A_1884 = arith.addi %mul3A_1880, %get3A_1883 : vector<16xi32>
      %swap3A_1885 = arith.index_cast %mul3A_1874 : i32 to index
      %swap3A_1886 = tpu.vector_load %arg61[%swap3A_1885] {strides = array<i32>} : memref<80xi32, #tpu.memory_space<vmem>>, vector<16xi32>,
      %swap3A_1887 = vector.shape_cast %swap3A_1886 : vector<16xi32> to vector<16xi32>
      %swap3A_1888 = vector.shape_cast %add3A_1884 : vector<16xi32> to vector<16xi32>
      tpu.vector_store %arg61[%swap3A_1885], %swap3A_1888 {strides = array<i32>} : memref<80xi32, #tpu.memory_space<vmem>>, vector<16xi32>,
      %scan3A_1889 = arith.constant 5 : i32
      %convert_element_type3A_1890 = arith.extui %gt3A_1798 : i1 to i32
      %cond3A_1891 = arith.constant 0 : i32
      %cond3A_1892 = arith.cmpi ne, %convert_element_type3A_1890, %cond3A_1891 : i32
      scf.if %cond3A_1892 {
        %dma_wait3A_2050 = arith.constant 0 : i32
        %dma_wait3A_2051 = tpu.memref_slice %arg6[%mul3A_2, %dma_wait3A_2050] : memref<320000x128xf32, #tpu.memory_space<hbm>> -> memref<80x128xf32, #tpu.memory_space<hbm>>
        %dma_wait3A_2052 = arith.constant 0 : i32
        %dma_wait3A_2053 = tpu.memref_slice %arg6[%mul3A_2, %dma_wait3A_2052] : memref<320000x128xf32, #tpu.memory_space<hbm>> -> memref<80x128xf32, #tpu.memory_space<hbm>>
        tpu.wait_dma2 semaphore(%arg94 : memref<!tpu.dma_semaphore, #tpu.memory_space<semaphore_mem>>) src(%arg72 : memref<80x128xf32, #tpu.memory_space<vmem>>) dst(%dma_wait3A_2053 : memref<80x128xf32, #tpu.memory_space<hbm>>)
      } else {
      }
      %dma_start3A_1893 = arith.constant 0 : i32
      %dma_start3A_1894 = arith.constant 0 : i32
      %dma_start3A_1895 = tpu.memref_slice %arg95[%dma_start3A_1893, %dma_start3A_1894] : memref<1024x128xf32, #tpu.memory_space<vmem_shared>> -> memref<1024x128xf32, #tpu.memory_space<vmem_shared>>
      tpu.enqueue_indirect_dma source(%dma_start3A_1895 : memref<1024x128xf32, #tpu.memory_space<vmem_shared>>) target(%arg72 : memref<80x128xf32, #tpu.memory_space<vmem>>) offsets(%arg61 : memref<80xi32, #tpu.memory_space<vmem>>) semaphore(%arg83 : memref<!tpu.dma_semaphore, #tpu.memory_space<semaphore_mem>>)
      %mul3A_1896 = arith.constant 11 : i32
      %mul3A_1897 = arith.muli %scan3A_554, %mul3A_1896 : i32
      %add3A_1898 = arith.constant 0 : i32
      %add3A_1899 = arith.addi %mul3A_1897, %add3A_1898 : i32
      %dma_wait3A_1900 = arith.constant 0 : i32
      %dma_wait3A_1901 = arith.constant 0 : i32
      %dma_wait3A_1902 = tpu.memref_slice %arg95[%dma_wait3A_1900, %dma_wait3A_1901] : memref<1024x128xf32, #tpu.memory_space<vmem_shared>> -> memref<1024x128xf32, #tpu.memory_space<vmem_shared>>
      tpu.wait_indirect_dma semaphore(%arg73 : memref<!tpu.dma_semaphore, #tpu.memory_space<semaphore_mem>>) src(%dma_wait3A_1902 : memref<1024x128xf32, #tpu.memory_space<vmem_shared>>) dst(%arg62 : memref<80x128xf32, #tpu.memory_space<vmem>>)
      %mul3A_1903 = arith.constant 80 : i32
      %mul3A_1904 = arith.muli %add3A_1899, %mul3A_1903 : i32
      %add3A_1905 = arith.addi %mul3A_2, %mul3A_1904 : i32
      %dma_start3A_1906 = arith.constant 0 : i32
      %dma_start3A_1907 = tpu.memref_slice %arg6[%add3A_1905, %dma_start3A_1906] : memref<320000x128xf32, #tpu.memory_space<hbm>> -> memref<80x128xf32, #tpu.memory_space<hbm>>
      %dma_start3A_1908 = arith.constant 0 : i32
      %dma_start3A_1909 = tpu.memref_slice %arg6[%add3A_1905, %dma_start3A_1908] : memref<320000x128xf32, #tpu.memory_space<hbm>> -> memref<80x128xf32, #tpu.memory_space<hbm>>
      tpu.enqueue_dma source(%arg62 : memref<80x128xf32, #tpu.memory_space<vmem>>) target(%dma_start3A_1909 : memref<80x128xf32, #tpu.memory_space<hbm>>) target_semaphore(%arg84 : memref<!tpu.dma_semaphore, #tpu.memory_space<semaphore_mem>>)
      %mul3A_1910 = arith.constant 11 : i32
      %mul3A_1911 = arith.muli %scan3A_554, %mul3A_1910 : i32
      %add3A_1912 = arith.constant 1 : i32
      %add3A_1913 = arith.addi %mul3A_1911, %add3A_1912 : i32
      %dma_wait3A_1914 = arith.constant 0 : i32
      %dma_wait3A_1915 = arith.constant 0 : i32
      %dma_wait3A_1916 = tpu.memref_slice %arg95[%dma_wait3A_1914, %dma_wait3A_1915] : memref<1024x128xf32, #tpu.memory_space<vmem_shared>> -> memref<1024x128xf32, #tpu.memory_space<vmem_shared>>
      tpu.wait_indirect_dma semaphore(%arg74 : memref<!tpu.dma_semaphore, #tpu.memory_space<semaphore_mem>>) src(%dma_wait3A_1916 : memref<1024x128xf32, #tpu.memory_space<vmem_shared>>) dst(%arg63 : memref<80x128xf32, #tpu.memory_space<vmem>>)
      %mul3A_1917 = arith.constant 80 : i32
      %mul3A_1918 = arith.muli %add3A_1913, %mul3A_1917 : i32
      %add3A_1919 = arith.addi %mul3A_2, %mul3A_1918 : i32
      %dma_start3A_1920 = arith.constant 0 : i32
      %dma_start3A_1921 = tpu.memref_slice %arg6[%add3A_1919, %dma_start3A_1920] : memref<320000x128xf32, #tpu.memory_space<hbm>> -> memref<80x128xf32, #tpu.memory_space<hbm>>
      %dma_start3A_1922 = arith.constant 0 : i32
      %dma_start3A_1923 = tpu.memref_slice %arg6[%add3A_1919, %dma_start3A_1922] : memref<320000x128xf32, #tpu.memory_space<hbm>> -> memref<80x128xf32, #tpu.memory_space<hbm>>
      tpu.enqueue_dma source(%arg63 : memref<80x128xf32, #tpu.memory_space<vmem>>) target(%dma_start3A_1923 : memref<80x128xf32, #tpu.memory_space<hbm>>) target_semaphore(%arg85 : memref<!tpu.dma_semaphore, #tpu.memory_space<semaphore_mem>>)
      %mul3A_1924 = arith.constant 11 : i32
      %mul3A_1925 = arith.muli %scan3A_554, %mul3A_1924 : i32
      %add3A_1926 = arith.constant 2 : i32
      %add3A_1927 = arith.addi %mul3A_1925, %add3A_1926 : i32
      %dma_wait3A_1928 = arith.constant 0 : i32
      %dma_wait3A_1929 = arith.constant 0 : i32
      %dma_wait3A_1930 = tpu.memref_slice %arg95[%dma_wait3A_1928, %dma_wait3A_1929] : memref<1024x128xf32, #tpu.memory_space<vmem_shared>> -> memref<1024x128xf32, #tpu.memory_space<vmem_shared>>
      tpu.wait_indirect_dma semaphore(%arg75 : memref<!tpu.dma_semaphore, #tpu.memory_space<semaphore_mem>>) src(%dma_wait3A_1930 : memref<1024x128xf32, #tpu.memory_space<vmem_shared>>) dst(%arg64 : memref<80x128xf32, #tpu.memory_space<vmem>>)
      %mul3A_1931 = arith.constant 80 : i32
      %mul3A_1932 = arith.muli %add3A_1927, %mul3A_1931 : i32
      %add3A_1933 = arith.addi %mul3A_2, %mul3A_1932 : i32
      %dma_start3A_1934 = arith.constant 0 : i32
      %dma_start3A_1935 = tpu.memref_slice %arg6[%add3A_1933, %dma_start3A_1934] : memref<320000x128xf32, #tpu.memory_space<hbm>> -> memref<80x128xf32, #tpu.memory_space<hbm>>
      %dma_start3A_1936 = arith.constant 0 : i32
      %dma_start3A_1937 = tpu.memref_slice %arg6[%add3A_1933, %dma_start3A_1936] : memref<320000x128xf32, #tpu.memory_space<hbm>> -> memref<80x128xf32, #tpu.memory_space<hbm>>
      tpu.enqueue_dma source(%arg64 : memref<80x128xf32, #tpu.memory_space<vmem>>) target(%dma_start3A_1937 : memref<80x128xf32, #tpu.memory_space<hbm>>) target_semaphore(%arg86 : memref<!tpu.dma_semaphore, #tpu.memory_space<semaphore_mem>>)
      %mul3A_1938 = arith.constant 11 : i32
      %mul3A_1939 = arith.muli %scan3A_554, %mul3A_1938 : i32
      %add3A_1940 = arith.constant 3 : i32
      %add3A_1941 = arith.addi %mul3A_1939, %add3A_1940 : i32
      %dma_wait3A_1942 = arith.constant 0 : i32
      %dma_wait3A_1943 = arith.constant 0 : i32
      %dma_wait3A_1944 = tpu.memref_slice %arg95[%dma_wait3A_1942, %dma_wait3A_1943] : memref<1024x128xf32, #tpu.memory_space<vmem_shared>> -> memref<1024x128xf32, #tpu.memory_space<vmem_shared>>
      tpu.wait_indirect_dma semaphore(%arg76 : memref<!tpu.dma_semaphore, #tpu.memory_space<semaphore_mem>>) src(%dma_wait3A_1944 : memref<1024x128xf32, #tpu.memory_space<vmem_shared>>) dst(%arg65 : memref<80x128xf32, #tpu.memory_space<vmem>>)
      %mul3A_1945 = arith.constant 80 : i32
      %mul3A_1946 = arith.muli %add3A_1941, %mul3A_1945 : i32
      %add3A_1947 = arith.addi %mul3A_2, %mul3A_1946 : i32
      %dma_start3A_1948 = arith.constant 0 : i32
      %dma_start3A_1949 = tpu.memref_slice %arg6[%add3A_1947, %dma_start3A_1948] : memref<320000x128xf32, #tpu.memory_space<hbm>> -> memref<80x128xf32, #tpu.memory_space<hbm>>
      %dma_start3A_1950 = arith.constant 0 : i32
      %dma_start3A_1951 = tpu.memref_slice %arg6[%add3A_1947, %dma_start3A_1950] : memref<320000x128xf32, #tpu.memory_space<hbm>> -> memref<80x128xf32, #tpu.memory_space<hbm>>
      tpu.enqueue_dma source(%arg65 : memref<80x128xf32, #tpu.memory_space<vmem>>) target(%dma_start3A_1951 : memref<80x128xf32, #tpu.memory_space<hbm>>) target_semaphore(%arg87 : memref<!tpu.dma_semaphore, #tpu.memory_space<semaphore_mem>>)
      %mul3A_1952 = arith.constant 11 : i32
      %mul3A_1953 = arith.muli %scan3A_554, %mul3A_1952 : i32
      %add3A_1954 = arith.constant 4 : i32
      %add3A_1955 = arith.addi %mul3A_1953, %add3A_1954 : i32
      %dma_wait3A_1956 = arith.constant 0 : i32
      %dma_wait3A_1957 = arith.constant 0 : i32
      %dma_wait3A_1958 = tpu.memref_slice %arg95[%dma_wait3A_1956, %dma_wait3A_1957] : memref<1024x128xf32, #tpu.memory_space<vmem_shared>> -> memref<1024x128xf32, #tpu.memory_space<vmem_shared>>
      tpu.wait_indirect_dma semaphore(%arg77 : memref<!tpu.dma_semaphore, #tpu.memory_space<semaphore_mem>>) src(%dma_wait3A_1958 : memref<1024x128xf32, #tpu.memory_space<vmem_shared>>) dst(%arg66 : memref<80x128xf32, #tpu.memory_space<vmem>>)
      %mul3A_1959 = arith.constant 80 : i32
      %mul3A_1960 = arith.muli %add3A_1955, %mul3A_1959 : i32
      %add3A_1961 = arith.addi %mul3A_2, %mul3A_1960 : i32
      %dma_start3A_1962 = arith.constant 0 : i32
      %dma_start3A_1963 = tpu.memref_slice %arg6[%add3A_1961, %dma_start3A_1962] : memref<320000x128xf32, #tpu.memory_space<hbm>> -> memref<80x128xf32, #tpu.memory_space<hbm>>
      %dma_start3A_1964 = arith.constant 0 : i32
      %dma_start3A_1965 = tpu.memref_slice %arg6[%add3A_1961, %dma_start3A_1964] : memref<320000x128xf32, #tpu.memory_space<hbm>> -> memref<80x128xf32, #tpu.memory_space<hbm>>
      tpu.enqueue_dma source(%arg66 : memref<80x128xf32, #tpu.memory_space<vmem>>) target(%dma_start3A_1965 : memref<80x128xf32, #tpu.memory_space<hbm>>) target_semaphore(%arg88 : memref<!tpu.dma_semaphore, #tpu.memory_space<semaphore_mem>>)
      %mul3A_1966 = arith.constant 11 : i32
      %mul3A_1967 = arith.muli %scan3A_554, %mul3A_1966 : i32
      %add3A_1968 = arith.constant 5 : i32
      %add3A_1969 = arith.addi %mul3A_1967, %add3A_1968 : i32
      %dma_wait3A_1970 = arith.constant 0 : i32
      %dma_wait3A_1971 = arith.constant 0 : i32
      %dma_wait3A_1972 = tpu.memref_slice %arg95[%dma_wait3A_1970, %dma_wait3A_1971] : memref<1024x128xf32, #tpu.memory_space<vmem_shared>> -> memref<1024x128xf32, #tpu.memory_space<vmem_shared>>
      tpu.wait_indirect_dma semaphore(%arg78 : memref<!tpu.dma_semaphore, #tpu.memory_space<semaphore_mem>>) src(%dma_wait3A_1972 : memref<1024x128xf32, #tpu.memory_space<vmem_shared>>) dst(%arg67 : memref<80x128xf32, #tpu.memory_space<vmem>>)
      %mul3A_1973 = arith.constant 80 : i32
      %mul3A_1974 = arith.muli %add3A_1969, %mul3A_1973 : i32
      %add3A_1975 = arith.addi %mul3A_2, %mul3A_1974 : i32
      %dma_start3A_1976 = arith.constant 0 : i32
      %dma_start3A_1977 = tpu.memref_slice %arg6[%add3A_1975, %dma_start3A_1976] : memref<320000x128xf32, #tpu.memory_space<hbm>> -> memref<80x128xf32, #tpu.memory_space<hbm>>
      %dma_start3A_1978 = arith.constant 0 : i32
      %dma_start3A_1979 = tpu.memref_slice %arg6[%add3A_1975, %dma_start3A_1978] : memref<320000x128xf32, #tpu.memory_space<hbm>> -> memref<80x128xf32, #tpu.memory_space<hbm>>
      tpu.enqueue_dma source(%arg67 : memref<80x128xf32, #tpu.memory_space<vmem>>) target(%dma_start3A_1979 : memref<80x128xf32, #tpu.memory_space<hbm>>) target_semaphore(%arg89 : memref<!tpu.dma_semaphore, #tpu.memory_space<semaphore_mem>>)
      %mul3A_1980 = arith.constant 11 : i32
      %mul3A_1981 = arith.muli %scan3A_554, %mul3A_1980 : i32
      %add3A_1982 = arith.constant 6 : i32
      %add3A_1983 = arith.addi %mul3A_1981, %add3A_1982 : i32
      %dma_wait3A_1984 = arith.constant 0 : i32
      %dma_wait3A_1985 = arith.constant 0 : i32
      %dma_wait3A_1986 = tpu.memref_slice %arg95[%dma_wait3A_1984, %dma_wait3A_1985] : memref<1024x128xf32, #tpu.memory_space<vmem_shared>> -> memref<1024x128xf32, #tpu.memory_space<vmem_shared>>
      tpu.wait_indirect_dma semaphore(%arg79 : memref<!tpu.dma_semaphore, #tpu.memory_space<semaphore_mem>>) src(%dma_wait3A_1986 : memref<1024x128xf32, #tpu.memory_space<vmem_shared>>) dst(%arg68 : memref<80x128xf32, #tpu.memory_space<vmem>>)
      %mul3A_1987 = arith.constant 80 : i32
      %mul3A_1988 = arith.muli %add3A_1983, %mul3A_1987 : i32
      %add3A_1989 = arith.addi %mul3A_2, %mul3A_1988 : i32
      %dma_start3A_1990 = arith.constant 0 : i32
      %dma_start3A_1991 = tpu.memref_slice %arg6[%add3A_1989, %dma_start3A_1990] : memref<320000x128xf32, #tpu.memory_space<hbm>> -> memref<80x128xf32, #tpu.memory_space<hbm>>
      %dma_start3A_1992 = arith.constant 0 : i32
      %dma_start3A_1993 = tpu.memref_slice %arg6[%add3A_1989, %dma_start3A_1992] : memref<320000x128xf32, #tpu.memory_space<hbm>> -> memref<80x128xf32, #tpu.memory_space<hbm>>
      tpu.enqueue_dma source(%arg68 : memref<80x128xf32, #tpu.memory_space<vmem>>) target(%dma_start3A_1993 : memref<80x128xf32, #tpu.memory_space<hbm>>) target_semaphore(%arg90 : memref<!tpu.dma_semaphore, #tpu.memory_space<semaphore_mem>>)
      %mul3A_1994 = arith.constant 11 : i32
      %mul3A_1995 = arith.muli %scan3A_554, %mul3A_1994 : i32
      %add3A_1996 = arith.constant 7 : i32
      %add3A_1997 = arith.addi %mul3A_1995, %add3A_1996 : i32
      %dma_wait3A_1998 = arith.constant 0 : i32
      %dma_wait3A_1999 = arith.constant 0 : i32
      %dma_wait3A_2000 = tpu.memref_slice %arg95[%dma_wait3A_1998, %dma_wait3A_1999] : memref<1024x128xf32, #tpu.memory_space<vmem_shared>> -> memref<1024x128xf32, #tpu.memory_space<vmem_shared>>
      tpu.wait_indirect_dma semaphore(%arg80 : memref<!tpu.dma_semaphore, #tpu.memory_space<semaphore_mem>>) src(%dma_wait3A_2000 : memref<1024x128xf32, #tpu.memory_space<vmem_shared>>) dst(%arg69 : memref<80x128xf32, #tpu.memory_space<vmem>>)
      %mul3A_2001 = arith.constant 80 : i32
      %mul3A_2002 = arith.muli %add3A_1997, %mul3A_2001 : i32
      %add3A_2003 = arith.addi %mul3A_2, %mul3A_2002 : i32
      %dma_start3A_2004 = arith.constant 0 : i32
      %dma_start3A_2005 = tpu.memref_slice %arg6[%add3A_2003, %dma_start3A_2004] : memref<320000x128xf32, #tpu.memory_space<hbm>> -> memref<80x128xf32, #tpu.memory_space<hbm>>
      %dma_start3A_2006 = arith.constant 0 : i32
      %dma_start3A_2007 = tpu.memref_slice %arg6[%add3A_2003, %dma_start3A_2006] : memref<320000x128xf32, #tpu.memory_space<hbm>> -> memref<80x128xf32, #tpu.memory_space<hbm>>
      tpu.enqueue_dma source(%arg69 : memref<80x128xf32, #tpu.memory_space<vmem>>) target(%dma_start3A_2007 : memref<80x128xf32, #tpu.memory_space<hbm>>) target_semaphore(%arg91 : memref<!tpu.dma_semaphore, #tpu.memory_space<semaphore_mem>>)
      %mul3A_2008 = arith.constant 11 : i32
      %mul3A_2009 = arith.muli %scan3A_554, %mul3A_2008 : i32
      %add3A_2010 = arith.constant 8 : i32
      %add3A_2011 = arith.addi %mul3A_2009, %add3A_2010 : i32
      %dma_wait3A_2012 = arith.constant 0 : i32
      %dma_wait3A_2013 = arith.constant 0 : i32
      %dma_wait3A_2014 = tpu.memref_slice %arg95[%dma_wait3A_2012, %dma_wait3A_2013] : memref<1024x128xf32, #tpu.memory_space<vmem_shared>> -> memref<1024x128xf32, #tpu.memory_space<vmem_shared>>
      tpu.wait_indirect_dma semaphore(%arg81 : memref<!tpu.dma_semaphore, #tpu.memory_space<semaphore_mem>>) src(%dma_wait3A_2014 : memref<1024x128xf32, #tpu.memory_space<vmem_shared>>) dst(%arg70 : memref<80x128xf32, #tpu.memory_space<vmem>>)
      %mul3A_2015 = arith.constant 80 : i32
      %mul3A_2016 = arith.muli %add3A_2011, %mul3A_2015 : i32
      %add3A_2017 = arith.addi %mul3A_2, %mul3A_2016 : i32
      %dma_start3A_2018 = arith.constant 0 : i32
      %dma_start3A_2019 = tpu.memref_slice %arg6[%add3A_2017, %dma_start3A_2018] : memref<320000x128xf32, #tpu.memory_space<hbm>> -> memref<80x128xf32, #tpu.memory_space<hbm>>
      %dma_start3A_2020 = arith.constant 0 : i32
      %dma_start3A_2021 = tpu.memref_slice %arg6[%add3A_2017, %dma_start3A_2020] : memref<320000x128xf32, #tpu.memory_space<hbm>> -> memref<80x128xf32, #tpu.memory_space<hbm>>
      tpu.enqueue_dma source(%arg70 : memref<80x128xf32, #tpu.memory_space<vmem>>) target(%dma_start3A_2021 : memref<80x128xf32, #tpu.memory_space<hbm>>) target_semaphore(%arg92 : memref<!tpu.dma_semaphore, #tpu.memory_space<semaphore_mem>>)
      %mul3A_2022 = arith.constant 11 : i32
      %mul3A_2023 = arith.muli %scan3A_554, %mul3A_2022 : i32
      %add3A_2024 = arith.constant 9 : i32
      %add3A_2025 = arith.addi %mul3A_2023, %add3A_2024 : i32
      %dma_wait3A_2026 = arith.constant 0 : i32
      %dma_wait3A_2027 = arith.constant 0 : i32
      %dma_wait3A_2028 = tpu.memref_slice %arg95[%dma_wait3A_2026, %dma_wait3A_2027] : memref<1024x128xf32, #tpu.memory_space<vmem_shared>> -> memref<1024x128xf32, #tpu.memory_space<vmem_shared>>
      tpu.wait_indirect_dma semaphore(%arg82 : memref<!tpu.dma_semaphore, #tpu.memory_space<semaphore_mem>>) src(%dma_wait3A_2028 : memref<1024x128xf32, #tpu.memory_space<vmem_shared>>) dst(%arg71 : memref<80x128xf32, #tpu.memory_space<vmem>>)
      %mul3A_2029 = arith.constant 80 : i32
      %mul3A_2030 = arith.muli %add3A_2025, %mul3A_2029 : i32
      %add3A_2031 = arith.addi %mul3A_2, %mul3A_2030 : i32
      %dma_start3A_2032 = arith.constant 0 : i32
      %dma_start3A_2033 = tpu.memref_slice %arg6[%add3A_2031, %dma_start3A_2032] : memref<320000x128xf32, #tpu.memory_space<hbm>> -> memref<80x128xf32, #tpu.memory_space<hbm>>
      %dma_start3A_2034 = arith.constant 0 : i32
      %dma_start3A_2035 = tpu.memref_slice %arg6[%add3A_2031, %dma_start3A_2034] : memref<320000x128xf32, #tpu.memory_space<hbm>> -> memref<80x128xf32, #tpu.memory_space<hbm>>
      tpu.enqueue_dma source(%arg71 : memref<80x128xf32, #tpu.memory_space<vmem>>) target(%dma_start3A_2035 : memref<80x128xf32, #tpu.memory_space<hbm>>) target_semaphore(%arg93 : memref<!tpu.dma_semaphore, #tpu.memory_space<semaphore_mem>>)
      %mul3A_2036 = arith.constant 11 : i32
      %mul3A_2037 = arith.muli %scan3A_554, %mul3A_2036 : i32
      %add3A_2038 = arith.constant 10 : i32
      %add3A_2039 = arith.addi %mul3A_2037, %add3A_2038 : i32
      %dma_wait3A_2040 = arith.constant 0 : i32
      %dma_wait3A_2041 = arith.constant 0 : i32
      %dma_wait3A_2042 = tpu.memref_slice %arg95[%dma_wait3A_2040, %dma_wait3A_2041] : memref<1024x128xf32, #tpu.memory_space<vmem_shared>> -> memref<1024x128xf32, #tpu.memory_space<vmem_shared>>
      tpu.wait_indirect_dma semaphore(%arg83 : memref<!tpu.dma_semaphore, #tpu.memory_space<semaphore_mem>>) src(%dma_wait3A_2042 : memref<1024x128xf32, #tpu.memory_space<vmem_shared>>) dst(%arg72 : memref<80x128xf32, #tpu.memory_space<vmem>>)
      %mul3A_2043 = arith.constant 80 : i32
      %mul3A_2044 = arith.muli %add3A_2039, %mul3A_2043 : i32
      %add3A_2045 = arith.addi %mul3A_2, %mul3A_2044 : i32
      %dma_start3A_2046 = arith.constant 0 : i32
      %dma_start3A_2047 = tpu.memref_slice %arg6[%add3A_2045, %dma_start3A_2046] : memref<320000x128xf32, #tpu.memory_space<hbm>> -> memref<80x128xf32, #tpu.memory_space<hbm>>
      %dma_start3A_2048 = arith.constant 0 : i32
      %dma_start3A_2049 = tpu.memref_slice %arg6[%add3A_2045, %dma_start3A_2048] : memref<320000x128xf32, #tpu.memory_space<hbm>> -> memref<80x128xf32, #tpu.memory_space<hbm>>
      tpu.enqueue_dma source(%arg72 : memref<80x128xf32, #tpu.memory_space<vmem>>) target(%dma_start3A_2049 : memref<80x128xf32, #tpu.memory_space<hbm>>) target_semaphore(%arg94 : memref<!tpu.dma_semaphore, #tpu.memory_space<semaphore_mem>>)
    }
    %scan3A_9 = arith.constant 11 : i32
    %add3A_10 = arith.constant 9680 : i32
    %add3A_11 = arith.addi %mul3A_2, %add3A_10 : i32
    %dma_start3A = tpu.memref_slice %arg2[%add3A_11] : memref<320000xi32, #tpu.memory_space<hbm>> -> memref<80xi32, #tpu.memory_space<hbm>>
    %dma_start3A_12 = tpu.memref_slice %arg2[%add3A_11] : memref<320000xi32, #tpu.memory_space<hbm>> -> memref<80xi32, #tpu.memory_space<hbm>>
    tpu.enqueue_dma source(%dma_start3A_12 : memref<80xi32, #tpu.memory_space<hbm>>) target(%arg7 : memref<80xi32, #tpu.memory_space<vmem>>) target_semaphore(%arg73 : memref<!tpu.dma_semaphore, #tpu.memory_space<semaphore_mem>>)
    %dma_start3A_13 = tpu.memref_slice %arg3[%add3A_11] : memref<320000xi32, #tpu.memory_space<hbm>> -> memref<80xi32, #tpu.memory_space<hbm>>
    %dma_start3A_14 = tpu.memref_slice %arg3[%add3A_11] : memref<320000xi32, #tpu.memory_space<hbm>> -> memref<80xi32, #tpu.memory_space<hbm>>
    tpu.enqueue_dma source(%dma_start3A_14 : memref<80xi32, #tpu.memory_space<hbm>>) target(%arg18 : memref<80xi32, #tpu.memory_space<vmem>>) target_semaphore(%arg73 : memref<!tpu.dma_semaphore, #tpu.memory_space<semaphore_mem>>)
    %dma_wait3A = arith.constant 0 : i32
    %dma_wait3A_15 = tpu.memref_slice %arg2[%dma_wait3A] : memref<320000xi32, #tpu.memory_space<hbm>> -> memref<80xi32, #tpu.memory_space<hbm>>
    %dma_wait3A_16 = arith.constant 0 : i32
    %dma_wait3A_17 = tpu.memref_slice %arg2[%dma_wait3A_16] : memref<320000xi32, #tpu.memory_space<hbm>> -> memref<80xi32, #tpu.memory_space<hbm>>
    tpu.wait_dma2 semaphore(%arg73 : memref<!tpu.dma_semaphore, #tpu.memory_space<semaphore_mem>>) src(%dma_wait3A_17 : memref<80xi32, #tpu.memory_space<hbm>>) dst(%arg7 : memref<80xi32, #tpu.memory_space<vmem>>)
    %dma_wait3A_18 = arith.constant 0 : i32
    %dma_wait3A_19 = tpu.memref_slice %arg3[%dma_wait3A_18] : memref<320000xi32, #tpu.memory_space<hbm>> -> memref<80xi32, #tpu.memory_space<hbm>>
    %dma_wait3A_20 = arith.constant 0 : i32
    %dma_wait3A_21 = tpu.memref_slice %arg3[%dma_wait3A_20] : memref<320000xi32, #tpu.memory_space<hbm>> -> memref<80xi32, #tpu.memory_space<hbm>>
    tpu.wait_dma2 semaphore(%arg73 : memref<!tpu.dma_semaphore, #tpu.memory_space<semaphore_mem>>) src(%dma_wait3A_21 : memref<80xi32, #tpu.memory_space<hbm>>) dst(%arg18 : memref<80xi32, #tpu.memory_space<vmem>>)
    %dma_start3A_22 = arith.constant 0 : i32
    %dma_start3A_23 = tpu.memref_slice %arg96[%dma_start3A_22] : memref<10000xi32, #tpu.memory_space<vmem_shared>> -> memref<10000xi32, #tpu.memory_space<vmem_shared>>
    tpu.enqueue_indirect_dma source(%dma_start3A_23 : memref<10000xi32, #tpu.memory_space<vmem_shared>>) target(%arg29 : memref<80xi32, #tpu.memory_space<vmem>>) offsets(%arg7 : memref<80xi32, #tpu.memory_space<vmem>>) semaphore(%arg73 : memref<!tpu.dma_semaphore, #tpu.memory_space<semaphore_mem>>)
    %dma_start3A_24 = arith.constant 0 : i32
    %dma_start3A_25 = tpu.memref_slice %arg96[%dma_start3A_24] : memref<10000xi32, #tpu.memory_space<vmem_shared>> -> memref<10000xi32, #tpu.memory_space<vmem_shared>>
    tpu.enqueue_indirect_dma source(%dma_start3A_25 : memref<10000xi32, #tpu.memory_space<vmem_shared>>) target(%arg40 : memref<80xi32, #tpu.memory_space<vmem>>) offsets(%arg18 : memref<80xi32, #tpu.memory_space<vmem>>) semaphore(%arg73 : memref<!tpu.dma_semaphore, #tpu.memory_space<semaphore_mem>>)
    %dma_wait3A_26 = arith.constant 0 : i32
    %dma_wait3A_27 = tpu.memref_slice %arg96[%dma_wait3A_26] : memref<10000xi32, #tpu.memory_space<vmem_shared>> -> memref<10000xi32, #tpu.memory_space<vmem_shared>>
    tpu.wait_indirect_dma semaphore(%arg73 : memref<!tpu.dma_semaphore, #tpu.memory_space<semaphore_mem>>) src(%dma_wait3A_27 : memref<10000xi32, #tpu.memory_space<vmem_shared>>) dst(%arg29 : memref<80xi32, #tpu.memory_space<vmem>>)
    %dma_wait3A_28 = arith.constant 0 : i32
    %dma_wait3A_29 = tpu.memref_slice %arg96[%dma_wait3A_28] : memref<10000xi32, #tpu.memory_space<vmem_shared>> -> memref<10000xi32, #tpu.memory_space<vmem_shared>>
    tpu.wait_indirect_dma semaphore(%arg73 : memref<!tpu.dma_semaphore, #tpu.memory_space<semaphore_mem>>) src(%dma_wait3A_29 : memref<10000xi32, #tpu.memory_space<vmem_shared>>) dst(%arg40 : memref<80xi32, #tpu.memory_space<vmem>>)
    %scan3A_30 = arith.constant 0 : i32
    %scan3A_31 = arith.constant 0 : i32
    %mul3A_32 = arith.constant 16 : i32
    %mul3A_33 = arith.muli %scan3A_31, %mul3A_32 : i32
    %get3A = arith.index_cast %mul3A_33 : i32 to index
    %get3A_34 = tpu.vector_load %arg29[%get3A] {strides = array<i32>} : memref<80xi32, #tpu.memory_space<vmem>>, vector<16xi32>,
    %get3A_35 = vector.shape_cast %get3A_34 : vector<16xi32> to vector<16xi32>
    %mul3A_36 = arith.constant 32 : i32
    %mul3A_37 = vector.broadcast %mul3A_36 : i32 to vector<16xi32>
    %mul3A_38 = arith.muli %get3A_35, %mul3A_37 : vector<16xi32>
    %get3A_39 = arith.index_cast %mul3A_33 : i32 to index
    %get3A_40 = tpu.vector_load %arg40[%get3A_39] {strides = array<i32>} : memref<80xi32, #tpu.memory_space<vmem>>, vector<16xi32>,
    %get3A_41 = vector.shape_cast %get3A_40 : vector<16xi32> to vector<16xi32>
    %add3A_42 = arith.addi %mul3A_38, %get3A_41 : vector<16xi32>
    %swap3A = arith.index_cast %mul3A_33 : i32 to index
    %swap3A_43 = tpu.vector_load %arg51[%swap3A] {strides = array<i32>} : memref<80xi32, #tpu.memory_space<vmem>>, vector<16xi32>,
    %swap3A_44 = vector.shape_cast %swap3A_43 : vector<16xi32> to vector<16xi32>
    %swap3A_45 = vector.shape_cast %add3A_42 : vector<16xi32> to vector<16xi32>
    tpu.vector_store %arg51[%swap3A], %swap3A_45 {strides = array<i32>} : memref<80xi32, #tpu.memory_space<vmem>>, vector<16xi32>,
    %scan3A_46 = arith.constant 1 : i32
    %mul3A_47 = arith.constant 16 : i32
    %mul3A_48 = arith.muli %scan3A_46, %mul3A_47 : i32
    %get3A_49 = arith.index_cast %mul3A_48 : i32 to index
    %get3A_50 = tpu.vector_load %arg29[%get3A_49] {strides = array<i32>} : memref<80xi32, #tpu.memory_space<vmem>>, vector<16xi32>,
    %get3A_51 = vector.shape_cast %get3A_50 : vector<16xi32> to vector<16xi32>
    %mul3A_52 = arith.constant 32 : i32
    %mul3A_53 = vector.broadcast %mul3A_52 : i32 to vector<16xi32>
    %mul3A_54 = arith.muli %get3A_51, %mul3A_53 : vector<16xi32>
    %get3A_55 = arith.index_cast %mul3A_48 : i32 to index
    %get3A_56 = tpu.vector_load %arg40[%get3A_55] {strides = array<i32>} : memref<80xi32, #tpu.memory_space<vmem>>, vector<16xi32>,
    %get3A_57 = vector.shape_cast %get3A_56 : vector<16xi32> to vector<16xi32>
    %add3A_58 = arith.addi %mul3A_54, %get3A_57 : vector<16xi32>
    %swap3A_59 = arith.index_cast %mul3A_48 : i32 to index
    %swap3A_60 = tpu.vector_load %arg51[%swap3A_59] {strides = array<i32>} : memref<80xi32, #tpu.memory_space<vmem>>, vector<16xi32>,
    %swap3A_61 = vector.shape_cast %swap3A_60 : vector<16xi32> to vector<16xi32>
    %swap3A_62 = vector.shape_cast %add3A_58 : vector<16xi32> to vector<16xi32>
    tpu.vector_store %arg51[%swap3A_59], %swap3A_62 {strides = array<i32>} : memref<80xi32, #tpu.memory_space<vmem>>, vector<16xi32>,
    %scan3A_63 = arith.constant 2 : i32
    %mul3A_64 = arith.constant 16 : i32
    %mul3A_65 = arith.muli %scan3A_63, %mul3A_64 : i32
    %get3A_66 = arith.index_cast %mul3A_65 : i32 to index
    %get3A_67 = tpu.vector_load %arg29[%get3A_66] {strides = array<i32>} : memref<80xi32, #tpu.memory_space<vmem>>, vector<16xi32>,
    %get3A_68 = vector.shape_cast %get3A_67 : vector<16xi32> to vector<16xi32>
    %mul3A_69 = arith.constant 32 : i32
    %mul3A_70 = vector.broadcast %mul3A_69 : i32 to vector<16xi32>
    %mul3A_71 = arith.muli %get3A_68, %mul3A_70 : vector<16xi32>
    %get3A_72 = arith.index_cast %mul3A_65 : i32 to index
    %get3A_73 = tpu.vector_load %arg40[%get3A_72] {strides = array<i32>} : memref<80xi32, #tpu.memory_space<vmem>>, vector<16xi32>,
    %get3A_74 = vector.shape_cast %get3A_73 : vector<16xi32> to vector<16xi32>
    %add3A_75 = arith.addi %mul3A_71, %get3A_74 : vector<16xi32>
    %swap3A_76 = arith.index_cast %mul3A_65 : i32 to index
    %swap3A_77 = tpu.vector_load %arg51[%swap3A_76] {strides = array<i32>} : memref<80xi32, #tpu.memory_space<vmem>>, vector<16xi32>,
    %swap3A_78 = vector.shape_cast %swap3A_77 : vector<16xi32> to vector<16xi32>
    %swap3A_79 = vector.shape_cast %add3A_75 : vector<16xi32> to vector<16xi32>
    tpu.vector_store %arg51[%swap3A_76], %swap3A_79 {strides = array<i32>} : memref<80xi32, #tpu.memory_space<vmem>>, vector<16xi32>,
    %scan3A_80 = arith.constant 3 : i32
    %mul3A_81 = arith.constant 16 : i32
    %mul3A_82 = arith.muli %scan3A_80, %mul3A_81 : i32
    %get3A_83 = arith.index_cast %mul3A_82 : i32 to index
    %get3A_84 = tpu.vector_load %arg29[%get3A_83] {strides = array<i32>} : memref<80xi32, #tpu.memory_space<vmem>>, vector<16xi32>,
    %get3A_85 = vector.shape_cast %get3A_84 : vector<16xi32> to vector<16xi32>
    %mul3A_86 = arith.constant 32 : i32
    %mul3A_87 = vector.broadcast %mul3A_86 : i32 to vector<16xi32>
    %mul3A_88 = arith.muli %get3A_85, %mul3A_87 : vector<16xi32>
    %get3A_89 = arith.index_cast %mul3A_82 : i32 to index
    %get3A_90 = tpu.vector_load %arg40[%get3A_89] {strides = array<i32>} : memref<80xi32, #tpu.memory_space<vmem>>, vector<16xi32>,
    %get3A_91 = vector.shape_cast %get3A_90 : vector<16xi32> to vector<16xi32>
    %add3A_92 = arith.addi %mul3A_88, %get3A_91 : vector<16xi32>
    %swap3A_93 = arith.index_cast %mul3A_82 : i32 to index
    %swap3A_94 = tpu.vector_load %arg51[%swap3A_93] {strides = array<i32>} : memref<80xi32, #tpu.memory_space<vmem>>, vector<16xi32>,
    %swap3A_95 = vector.shape_cast %swap3A_94 : vector<16xi32> to vector<16xi32>
    %swap3A_96 = vector.shape_cast %add3A_92 : vector<16xi32> to vector<16xi32>
    tpu.vector_store %arg51[%swap3A_93], %swap3A_96 {strides = array<i32>} : memref<80xi32, #tpu.memory_space<vmem>>, vector<16xi32>,
    %scan3A_97 = arith.constant 4 : i32
    %mul3A_98 = arith.constant 16 : i32
    %mul3A_99 = arith.muli %scan3A_97, %mul3A_98 : i32
    %get3A_100 = arith.index_cast %mul3A_99 : i32 to index
    %get3A_101 = tpu.vector_load %arg29[%get3A_100] {strides = array<i32>} : memref<80xi32, #tpu.memory_space<vmem>>, vector<16xi32>,
    %get3A_102 = vector.shape_cast %get3A_101 : vector<16xi32> to vector<16xi32>
    %mul3A_103 = arith.constant 32 : i32
    %mul3A_104 = vector.broadcast %mul3A_103 : i32 to vector<16xi32>
    %mul3A_105 = arith.muli %get3A_102, %mul3A_104 : vector<16xi32>
    %get3A_106 = arith.index_cast %mul3A_99 : i32 to index
    %get3A_107 = tpu.vector_load %arg40[%get3A_106] {strides = array<i32>} : memref<80xi32, #tpu.memory_space<vmem>>, vector<16xi32>,
    %get3A_108 = vector.shape_cast %get3A_107 : vector<16xi32> to vector<16xi32>
    %add3A_109 = arith.addi %mul3A_105, %get3A_108 : vector<16xi32>
    %swap3A_110 = arith.index_cast %mul3A_99 : i32 to index
    %swap3A_111 = tpu.vector_load %arg51[%swap3A_110] {strides = array<i32>} : memref<80xi32, #tpu.memory_space<vmem>>, vector<16xi32>,
    %swap3A_112 = vector.shape_cast %swap3A_111 : vector<16xi32> to vector<16xi32>
    %swap3A_113 = vector.shape_cast %add3A_109 : vector<16xi32> to vector<16xi32>
    tpu.vector_store %arg51[%swap3A_110], %swap3A_113 {strides = array<i32>} : memref<80xi32, #tpu.memory_space<vmem>>, vector<16xi32>,
    %scan3A_114 = arith.constant 5 : i32
    %cond3A_115 = arith.constant 1 : i32
    %dma_wait3A_116 = arith.constant 0 : i32
    %dma_wait3A_117 = tpu.memref_slice %arg6[%mul3A_2, %dma_wait3A_116] : memref<320000x128xf32, #tpu.memory_space<hbm>> -> memref<80x128xf32, #tpu.memory_space<hbm>>
    %dma_wait3A_118 = arith.constant 0 : i32
    %dma_wait3A_119 = tpu.memref_slice %arg6[%mul3A_2, %dma_wait3A_118] : memref<320000x128xf32, #tpu.memory_space<hbm>> -> memref<80x128xf32, #tpu.memory_space<hbm>>
    tpu.wait_dma2 semaphore(%arg84 : memref<!tpu.dma_semaphore, #tpu.memory_space<semaphore_mem>>) src(%arg62 : memref<80x128xf32, #tpu.memory_space<vmem>>) dst(%dma_wait3A_119 : memref<80x128xf32, #tpu.memory_space<hbm>>)
    %dma_start3A_120 = arith.constant 0 : i32
    %dma_start3A_121 = arith.constant 0 : i32
    %dma_start3A_122 = tpu.memref_slice %arg95[%dma_start3A_120, %dma_start3A_121] : memref<1024x128xf32, #tpu.memory_space<vmem_shared>> -> memref<1024x128xf32, #tpu.memory_space<vmem_shared>>
    tpu.enqueue_indirect_dma source(%dma_start3A_122 : memref<1024x128xf32, #tpu.memory_space<vmem_shared>>) target(%arg62 : memref<80x128xf32, #tpu.memory_space<vmem>>) offsets(%arg51 : memref<80xi32, #tpu.memory_space<vmem>>) semaphore(%arg73 : memref<!tpu.dma_semaphore, #tpu.memory_space<semaphore_mem>>)
    %dma_wait3A_123 = arith.constant 0 : i32
    %dma_wait3A_124 = arith.constant 0 : i32
    %dma_wait3A_125 = tpu.memref_slice %arg95[%dma_wait3A_123, %dma_wait3A_124] : memref<1024x128xf32, #tpu.memory_space<vmem_shared>> -> memref<1024x128xf32, #tpu.memory_space<vmem_shared>>
    tpu.wait_indirect_dma semaphore(%arg73 : memref<!tpu.dma_semaphore, #tpu.memory_space<semaphore_mem>>) src(%dma_wait3A_125 : memref<1024x128xf32, #tpu.memory_space<vmem_shared>>) dst(%arg62 : memref<80x128xf32, #tpu.memory_space<vmem>>)
    %add3A_126 = arith.constant 9680 : i32
    %add3A_127 = arith.addi %mul3A_2, %add3A_126 : i32
    %dma_start3A_128 = arith.constant 0 : i32
    %dma_start3A_129 = tpu.memref_slice %arg6[%add3A_127, %dma_start3A_128] : memref<320000x128xf32, #tpu.memory_space<hbm>> -> memref<80x128xf32, #tpu.memory_space<hbm>>
    %dma_start3A_130 = arith.constant 0 : i32
    %dma_start3A_131 = tpu.memref_slice %arg6[%add3A_127, %dma_start3A_130] : memref<320000x128xf32, #tpu.memory_space<hbm>> -> memref<80x128xf32, #tpu.memory_space<hbm>>
    tpu.enqueue_dma source(%arg62 : memref<80x128xf32, #tpu.memory_space<vmem>>) target(%dma_start3A_131 : memref<80x128xf32, #tpu.memory_space<hbm>>) target_semaphore(%arg84 : memref<!tpu.dma_semaphore, #tpu.memory_space<semaphore_mem>>)
    %add3A_132 = arith.constant 9760 : i32
    %add3A_133 = arith.addi %mul3A_2, %add3A_132 : i32
    %dma_start3A_134 = tpu.memref_slice %arg2[%add3A_133] : memref<320000xi32, #tpu.memory_space<hbm>> -> memref<80xi32, #tpu.memory_space<hbm>>
    %dma_start3A_135 = tpu.memref_slice %arg2[%add3A_133] : memref<320000xi32, #tpu.memory_space<hbm>> -> memref<80xi32, #tpu.memory_space<hbm>>
    tpu.enqueue_dma source(%dma_start3A_135 : memref<80xi32, #tpu.memory_space<hbm>>) target(%arg8 : memref<80xi32, #tpu.memory_space<vmem>>) target_semaphore(%arg74 : memref<!tpu.dma_semaphore, #tpu.memory_space<semaphore_mem>>)
    %dma_start3A_136 = tpu.memref_slice %arg3[%add3A_133] : memref<320000xi32, #tpu.memory_space<hbm>> -> memref<80xi32, #tpu.memory_space<hbm>>
    %dma_start3A_137 = tpu.memref_slice %arg3[%add3A_133] : memref<320000xi32, #tpu.memory_space<hbm>> -> memref<80xi32, #tpu.memory_space<hbm>>
    tpu.enqueue_dma source(%dma_start3A_137 : memref<80xi32, #tpu.memory_space<hbm>>) target(%arg19 : memref<80xi32, #tpu.memory_space<vmem>>) target_semaphore(%arg74 : memref<!tpu.dma_semaphore, #tpu.memory_space<semaphore_mem>>)
    %dma_wait3A_138 = arith.constant 0 : i32
    %dma_wait3A_139 = tpu.memref_slice %arg2[%dma_wait3A_138] : memref<320000xi32, #tpu.memory_space<hbm>> -> memref<80xi32, #tpu.memory_space<hbm>>
    %dma_wait3A_140 = arith.constant 0 : i32
    %dma_wait3A_141 = tpu.memref_slice %arg2[%dma_wait3A_140] : memref<320000xi32, #tpu.memory_space<hbm>> -> memref<80xi32, #tpu.memory_space<hbm>>
    tpu.wait_dma2 semaphore(%arg74 : memref<!tpu.dma_semaphore, #tpu.memory_space<semaphore_mem>>) src(%dma_wait3A_141 : memref<80xi32, #tpu.memory_space<hbm>>) dst(%arg8 : memref<80xi32, #tpu.memory_space<vmem>>)
    %dma_wait3A_142 = arith.constant 0 : i32
    %dma_wait3A_143 = tpu.memref_slice %arg3[%dma_wait3A_142] : memref<320000xi32, #tpu.memory_space<hbm>> -> memref<80xi32, #tpu.memory_space<hbm>>
    %dma_wait3A_144 = arith.constant 0 : i32
    %dma_wait3A_145 = tpu.memref_slice %arg3[%dma_wait3A_144] : memref<320000xi32, #tpu.memory_space<hbm>> -> memref<80xi32, #tpu.memory_space<hbm>>
    tpu.wait_dma2 semaphore(%arg74 : memref<!tpu.dma_semaphore, #tpu.memory_space<semaphore_mem>>) src(%dma_wait3A_145 : memref<80xi32, #tpu.memory_space<hbm>>) dst(%arg19 : memref<80xi32, #tpu.memory_space<vmem>>)
    %dma_start3A_146 = arith.constant 0 : i32
    %dma_start3A_147 = tpu.memref_slice %arg96[%dma_start3A_146] : memref<10000xi32, #tpu.memory_space<vmem_shared>> -> memref<10000xi32, #tpu.memory_space<vmem_shared>>
    tpu.enqueue_indirect_dma source(%dma_start3A_147 : memref<10000xi32, #tpu.memory_space<vmem_shared>>) target(%arg30 : memref<80xi32, #tpu.memory_space<vmem>>) offsets(%arg8 : memref<80xi32, #tpu.memory_space<vmem>>) semaphore(%arg74 : memref<!tpu.dma_semaphore, #tpu.memory_space<semaphore_mem>>)
    %dma_start3A_148 = arith.constant 0 : i32
    %dma_start3A_149 = tpu.memref_slice %arg96[%dma_start3A_148] : memref<10000xi32, #tpu.memory_space<vmem_shared>> -> memref<10000xi32, #tpu.memory_space<vmem_shared>>
    tpu.enqueue_indirect_dma source(%dma_start3A_149 : memref<10000xi32, #tpu.memory_space<vmem_shared>>) target(%arg41 : memref<80xi32, #tpu.memory_space<vmem>>) offsets(%arg19 : memref<80xi32, #tpu.memory_space<vmem>>) semaphore(%arg74 : memref<!tpu.dma_semaphore, #tpu.memory_space<semaphore_mem>>)
    %dma_wait3A_150 = arith.constant 0 : i32
    %dma_wait3A_151 = tpu.memref_slice %arg96[%dma_wait3A_150] : memref<10000xi32, #tpu.memory_space<vmem_shared>> -> memref<10000xi32, #tpu.memory_space<vmem_shared>>
    tpu.wait_indirect_dma semaphore(%arg74 : memref<!tpu.dma_semaphore, #tpu.memory_space<semaphore_mem>>) src(%dma_wait3A_151 : memref<10000xi32, #tpu.memory_space<vmem_shared>>) dst(%arg30 : memref<80xi32, #tpu.memory_space<vmem>>)
    %dma_wait3A_152 = arith.constant 0 : i32
    %dma_wait3A_153 = tpu.memref_slice %arg96[%dma_wait3A_152] : memref<10000xi32, #tpu.memory_space<vmem_shared>> -> memref<10000xi32, #tpu.memory_space<vmem_shared>>
    tpu.wait_indirect_dma semaphore(%arg74 : memref<!tpu.dma_semaphore, #tpu.memory_space<semaphore_mem>>) src(%dma_wait3A_153 : memref<10000xi32, #tpu.memory_space<vmem_shared>>) dst(%arg41 : memref<80xi32, #tpu.memory_space<vmem>>)
    %scan3A_154 = arith.constant 0 : i32
    %scan3A_155 = arith.constant 0 : i32
    %mul3A_156 = arith.constant 16 : i32
    %mul3A_157 = arith.muli %scan3A_155, %mul3A_156 : i32
    %get3A_158 = arith.index_cast %mul3A_157 : i32 to index
    %get3A_159 = tpu.vector_load %arg30[%get3A_158] {strides = array<i32>} : memref<80xi32, #tpu.memory_space<vmem>>, vector<16xi32>,
    %get3A_160 = vector.shape_cast %get3A_159 : vector<16xi32> to vector<16xi32>
    %mul3A_161 = arith.constant 32 : i32
    %mul3A_162 = vector.broadcast %mul3A_161 : i32 to vector<16xi32>
    %mul3A_163 = arith.muli %get3A_160, %mul3A_162 : vector<16xi32>
    %get3A_164 = arith.index_cast %mul3A_157 : i32 to index
    %get3A_165 = tpu.vector_load %arg41[%get3A_164] {strides = array<i32>} : memref<80xi32, #tpu.memory_space<vmem>>, vector<16xi32>,
    %get3A_166 = vector.shape_cast %get3A_165 : vector<16xi32> to vector<16xi32>
    %add3A_167 = arith.addi %mul3A_163, %get3A_166 : vector<16xi32>
    %swap3A_168 = arith.index_cast %mul3A_157 : i32 to index
    %swap3A_169 = tpu.vector_load %arg52[%swap3A_168] {strides = array<i32>} : memref<80xi32, #tpu.memory_space<vmem>>, vector<16xi32>,
    %swap3A_170 = vector.shape_cast %swap3A_169 : vector<16xi32> to vector<16xi32>
    %swap3A_171 = vector.shape_cast %add3A_167 : vector<16xi32> to vector<16xi32>
    tpu.vector_store %arg52[%swap3A_168], %swap3A_171 {strides = array<i32>} : memref<80xi32, #tpu.memory_space<vmem>>, vector<16xi32>,
    %scan3A_172 = arith.constant 1 : i32
    %mul3A_173 = arith.constant 16 : i32
    %mul3A_174 = arith.muli %scan3A_172, %mul3A_173 : i32
    %get3A_175 = arith.index_cast %mul3A_174 : i32 to index
    %get3A_176 = tpu.vector_load %arg30[%get3A_175] {strides = array<i32>} : memref<80xi32, #tpu.memory_space<vmem>>, vector<16xi32>,
    %get3A_177 = vector.shape_cast %get3A_176 : vector<16xi32> to vector<16xi32>
    %mul3A_178 = arith.constant 32 : i32
    %mul3A_179 = vector.broadcast %mul3A_178 : i32 to vector<16xi32>
    %mul3A_180 = arith.muli %get3A_177, %mul3A_179 : vector<16xi32>
    %get3A_181 = arith.index_cast %mul3A_174 : i32 to index
    %get3A_182 = tpu.vector_load %arg41[%get3A_181] {strides = array<i32>} : memref<80xi32, #tpu.memory_space<vmem>>, vector<16xi32>,
    %get3A_183 = vector.shape_cast %get3A_182 : vector<16xi32> to vector<16xi32>
    %add3A_184 = arith.addi %mul3A_180, %get3A_183 : vector<16xi32>
    %swap3A_185 = arith.index_cast %mul3A_174 : i32 to index
    %swap3A_186 = tpu.vector_load %arg52[%swap3A_185] {strides = array<i32>} : memref<80xi32, #tpu.memory_space<vmem>>, vector<16xi32>,
    %swap3A_187 = vector.shape_cast %swap3A_186 : vector<16xi32> to vector<16xi32>
    %swap3A_188 = vector.shape_cast %add3A_184 : vector<16xi32> to vector<16xi32>
    tpu.vector_store %arg52[%swap3A_185], %swap3A_188 {strides = array<i32>} : memref<80xi32, #tpu.memory_space<vmem>>, vector<16xi32>,
    %scan3A_189 = arith.constant 2 : i32
    %mul3A_190 = arith.constant 16 : i32
    %mul3A_191 = arith.muli %scan3A_189, %mul3A_190 : i32
    %get3A_192 = arith.index_cast %mul3A_191 : i32 to index
    %get3A_193 = tpu.vector_load %arg30[%get3A_192] {strides = array<i32>} : memref<80xi32, #tpu.memory_space<vmem>>, vector<16xi32>,
    %get3A_194 = vector.shape_cast %get3A_193 : vector<16xi32> to vector<16xi32>
    %mul3A_195 = arith.constant 32 : i32
    %mul3A_196 = vector.broadcast %mul3A_195 : i32 to vector<16xi32>
    %mul3A_197 = arith.muli %get3A_194, %mul3A_196 : vector<16xi32>
    %get3A_198 = arith.index_cast %mul3A_191 : i32 to index
    %get3A_199 = tpu.vector_load %arg41[%get3A_198] {strides = array<i32>} : memref<80xi32, #tpu.memory_space<vmem>>, vector<16xi32>,
    %get3A_200 = vector.shape_cast %get3A_199 : vector<16xi32> to vector<16xi32>
    %add3A_201 = arith.addi %mul3A_197, %get3A_200 : vector<16xi32>
    %swap3A_202 = arith.index_cast %mul3A_191 : i32 to index
    %swap3A_203 = tpu.vector_load %arg52[%swap3A_202] {strides = array<i32>} : memref<80xi32, #tpu.memory_space<vmem>>, vector<16xi32>,
    %swap3A_204 = vector.shape_cast %swap3A_203 : vector<16xi32> to vector<16xi32>
    %swap3A_205 = vector.shape_cast %add3A_201 : vector<16xi32> to vector<16xi32>
    tpu.vector_store %arg52[%swap3A_202], %swap3A_205 {strides = array<i32>} : memref<80xi32, #tpu.memory_space<vmem>>, vector<16xi32>,
    %scan3A_206 = arith.constant 3 : i32
    %mul3A_207 = arith.constant 16 : i32
    %mul3A_208 = arith.muli %scan3A_206, %mul3A_207 : i32
    %get3A_209 = arith.index_cast %mul3A_208 : i32 to index
    %get3A_210 = tpu.vector_load %arg30[%get3A_209] {strides = array<i32>} : memref<80xi32, #tpu.memory_space<vmem>>, vector<16xi32>,
    %get3A_211 = vector.shape_cast %get3A_210 : vector<16xi32> to vector<16xi32>
    %mul3A_212 = arith.constant 32 : i32
    %mul3A_213 = vector.broadcast %mul3A_212 : i32 to vector<16xi32>
    %mul3A_214 = arith.muli %get3A_211, %mul3A_213 : vector<16xi32>
    %get3A_215 = arith.index_cast %mul3A_208 : i32 to index
    %get3A_216 = tpu.vector_load %arg41[%get3A_215] {strides = array<i32>} : memref<80xi32, #tpu.memory_space<vmem>>, vector<16xi32>,
    %get3A_217 = vector.shape_cast %get3A_216 : vector<16xi32> to vector<16xi32>
    %add3A_218 = arith.addi %mul3A_214, %get3A_217 : vector<16xi32>
    %swap3A_219 = arith.index_cast %mul3A_208 : i32 to index
    %swap3A_220 = tpu.vector_load %arg52[%swap3A_219] {strides = array<i32>} : memref<80xi32, #tpu.memory_space<vmem>>, vector<16xi32>,
    %swap3A_221 = vector.shape_cast %swap3A_220 : vector<16xi32> to vector<16xi32>
    %swap3A_222 = vector.shape_cast %add3A_218 : vector<16xi32> to vector<16xi32>
    tpu.vector_store %arg52[%swap3A_219], %swap3A_222 {strides = array<i32>} : memref<80xi32, #tpu.memory_space<vmem>>, vector<16xi32>,
    %scan3A_223 = arith.constant 4 : i32
    %mul3A_224 = arith.constant 16 : i32
    %mul3A_225 = arith.muli %scan3A_223, %mul3A_224 : i32
    %get3A_226 = arith.index_cast %mul3A_225 : i32 to index
    %get3A_227 = tpu.vector_load %arg30[%get3A_226] {strides = array<i32>} : memref<80xi32, #tpu.memory_space<vmem>>, vector<16xi32>,
    %get3A_228 = vector.shape_cast %get3A_227 : vector<16xi32> to vector<16xi32>
    %mul3A_229 = arith.constant 32 : i32
    %mul3A_230 = vector.broadcast %mul3A_229 : i32 to vector<16xi32>
    %mul3A_231 = arith.muli %get3A_228, %mul3A_230 : vector<16xi32>
    %get3A_232 = arith.index_cast %mul3A_225 : i32 to index
    %get3A_233 = tpu.vector_load %arg41[%get3A_232] {strides = array<i32>} : memref<80xi32, #tpu.memory_space<vmem>>, vector<16xi32>,
    %get3A_234 = vector.shape_cast %get3A_233 : vector<16xi32> to vector<16xi32>
    %add3A_235 = arith.addi %mul3A_231, %get3A_234 : vector<16xi32>
    %swap3A_236 = arith.index_cast %mul3A_225 : i32 to index
    %swap3A_237 = tpu.vector_load %arg52[%swap3A_236] {strides = array<i32>} : memref<80xi32, #tpu.memory_space<vmem>>, vector<16xi32>,
    %swap3A_238 = vector.shape_cast %swap3A_237 : vector<16xi32> to vector<16xi32>
    %swap3A_239 = vector.shape_cast %add3A_235 : vector<16xi32> to vector<16xi32>
    tpu.vector_store %arg52[%swap3A_236], %swap3A_239 {strides = array<i32>} : memref<80xi32, #tpu.memory_space<vmem>>, vector<16xi32>,
    %scan3A_240 = arith.constant 5 : i32
    %cond3A_241 = arith.constant 1 : i32
    %dma_wait3A_242 = arith.constant 0 : i32
    %dma_wait3A_243 = tpu.memref_slice %arg6[%mul3A_2, %dma_wait3A_242] : memref<320000x128xf32, #tpu.memory_space<hbm>> -> memref<80x128xf32, #tpu.memory_space<hbm>>
    %dma_wait3A_244 = arith.constant 0 : i32
    %dma_wait3A_245 = tpu.memref_slice %arg6[%mul3A_2, %dma_wait3A_244] : memref<320000x128xf32, #tpu.memory_space<hbm>> -> memref<80x128xf32, #tpu.memory_space<hbm>>
    tpu.wait_dma2 semaphore(%arg85 : memref<!tpu.dma_semaphore, #tpu.memory_space<semaphore_mem>>) src(%arg63 : memref<80x128xf32, #tpu.memory_space<vmem>>) dst(%dma_wait3A_245 : memref<80x128xf32, #tpu.memory_space<hbm>>)
    %dma_start3A_246 = arith.constant 0 : i32
    %dma_start3A_247 = arith.constant 0 : i32
    %dma_start3A_248 = tpu.memref_slice %arg95[%dma_start3A_246, %dma_start3A_247] : memref<1024x128xf32, #tpu.memory_space<vmem_shared>> -> memref<1024x128xf32, #tpu.memory_space<vmem_shared>>
    tpu.enqueue_indirect_dma source(%dma_start3A_248 : memref<1024x128xf32, #tpu.memory_space<vmem_shared>>) target(%arg63 : memref<80x128xf32, #tpu.memory_space<vmem>>) offsets(%arg52 : memref<80xi32, #tpu.memory_space<vmem>>) semaphore(%arg74 : memref<!tpu.dma_semaphore, #tpu.memory_space<semaphore_mem>>)
    %dma_wait3A_249 = arith.constant 0 : i32
    %dma_wait3A_250 = arith.constant 0 : i32
    %dma_wait3A_251 = tpu.memref_slice %arg95[%dma_wait3A_249, %dma_wait3A_250] : memref<1024x128xf32, #tpu.memory_space<vmem_shared>> -> memref<1024x128xf32, #tpu.memory_space<vmem_shared>>
    tpu.wait_indirect_dma semaphore(%arg74 : memref<!tpu.dma_semaphore, #tpu.memory_space<semaphore_mem>>) src(%dma_wait3A_251 : memref<1024x128xf32, #tpu.memory_space<vmem_shared>>) dst(%arg63 : memref<80x128xf32, #tpu.memory_space<vmem>>)
    %add3A_252 = arith.constant 9760 : i32
    %add3A_253 = arith.addi %mul3A_2, %add3A_252 : i32
    %dma_start3A_254 = arith.constant 0 : i32
    %dma_start3A_255 = tpu.memref_slice %arg6[%add3A_253, %dma_start3A_254] : memref<320000x128xf32, #tpu.memory_space<hbm>> -> memref<80x128xf32, #tpu.memory_space<hbm>>
    %dma_start3A_256 = arith.constant 0 : i32
    %dma_start3A_257 = tpu.memref_slice %arg6[%add3A_253, %dma_start3A_256] : memref<320000x128xf32, #tpu.memory_space<hbm>> -> memref<80x128xf32, #tpu.memory_space<hbm>>
    tpu.enqueue_dma source(%arg63 : memref<80x128xf32, #tpu.memory_space<vmem>>) target(%dma_start3A_257 : memref<80x128xf32, #tpu.memory_space<hbm>>) target_semaphore(%arg85 : memref<!tpu.dma_semaphore, #tpu.memory_space<semaphore_mem>>)
    %add3A_258 = arith.constant 9840 : i32
    %add3A_259 = arith.addi %mul3A_2, %add3A_258 : i32
    %dma_start3A_260 = tpu.memref_slice %arg2[%add3A_259] : memref<320000xi32, #tpu.memory_space<hbm>> -> memref<80xi32, #tpu.memory_space<hbm>>
    %dma_start3A_261 = tpu.memref_slice %arg2[%add3A_259] : memref<320000xi32, #tpu.memory_space<hbm>> -> memref<80xi32, #tpu.memory_space<hbm>>
    tpu.enqueue_dma source(%dma_start3A_261 : memref<80xi32, #tpu.memory_space<hbm>>) target(%arg9 : memref<80xi32, #tpu.memory_space<vmem>>) target_semaphore(%arg75 : memref<!tpu.dma_semaphore, #tpu.memory_space<semaphore_mem>>)
    %dma_start3A_262 = tpu.memref_slice %arg3[%add3A_259] : memref<320000xi32, #tpu.memory_space<hbm>> -> memref<80xi32, #tpu.memory_space<hbm>>
    %dma_start3A_263 = tpu.memref_slice %arg3[%add3A_259] : memref<320000xi32, #tpu.memory_space<hbm>> -> memref<80xi32, #tpu.memory_space<hbm>>
    tpu.enqueue_dma source(%dma_start3A_263 : memref<80xi32, #tpu.memory_space<hbm>>) target(%arg20 : memref<80xi32, #tpu.memory_space<vmem>>) target_semaphore(%arg75 : memref<!tpu.dma_semaphore, #tpu.memory_space<semaphore_mem>>)
    %dma_wait3A_264 = arith.constant 0 : i32
    %dma_wait3A_265 = tpu.memref_slice %arg2[%dma_wait3A_264] : memref<320000xi32, #tpu.memory_space<hbm>> -> memref<80xi32, #tpu.memory_space<hbm>>
    %dma_wait3A_266 = arith.constant 0 : i32
    %dma_wait3A_267 = tpu.memref_slice %arg2[%dma_wait3A_266] : memref<320000xi32, #tpu.memory_space<hbm>> -> memref<80xi32, #tpu.memory_space<hbm>>
    tpu.wait_dma2 semaphore(%arg75 : memref<!tpu.dma_semaphore, #tpu.memory_space<semaphore_mem>>) src(%dma_wait3A_267 : memref<80xi32, #tpu.memory_space<hbm>>) dst(%arg9 : memref<80xi32, #tpu.memory_space<vmem>>)
    %dma_wait3A_268 = arith.constant 0 : i32
    %dma_wait3A_269 = tpu.memref_slice %arg3[%dma_wait3A_268] : memref<320000xi32, #tpu.memory_space<hbm>> -> memref<80xi32, #tpu.memory_space<hbm>>
    %dma_wait3A_270 = arith.constant 0 : i32
    %dma_wait3A_271 = tpu.memref_slice %arg3[%dma_wait3A_270] : memref<320000xi32, #tpu.memory_space<hbm>> -> memref<80xi32, #tpu.memory_space<hbm>>
    tpu.wait_dma2 semaphore(%arg75 : memref<!tpu.dma_semaphore, #tpu.memory_space<semaphore_mem>>) src(%dma_wait3A_271 : memref<80xi32, #tpu.memory_space<hbm>>) dst(%arg20 : memref<80xi32, #tpu.memory_space<vmem>>)
    %dma_start3A_272 = arith.constant 0 : i32
    %dma_start3A_273 = tpu.memref_slice %arg96[%dma_start3A_272] : memref<10000xi32, #tpu.memory_space<vmem_shared>> -> memref<10000xi32, #tpu.memory_space<vmem_shared>>
    tpu.enqueue_indirect_dma source(%dma_start3A_273 : memref<10000xi32, #tpu.memory_space<vmem_shared>>) target(%arg31 : memref<80xi32, #tpu.memory_space<vmem>>) offsets(%arg9 : memref<80xi32, #tpu.memory_space<vmem>>) semaphore(%arg75 : memref<!tpu.dma_semaphore, #tpu.memory_space<semaphore_mem>>)
    %dma_start3A_274 = arith.constant 0 : i32
    %dma_start3A_275 = tpu.memref_slice %arg96[%dma_start3A_274] : memref<10000xi32, #tpu.memory_space<vmem_shared>> -> memref<10000xi32, #tpu.memory_space<vmem_shared>>
    tpu.enqueue_indirect_dma source(%dma_start3A_275 : memref<10000xi32, #tpu.memory_space<vmem_shared>>) target(%arg42 : memref<80xi32, #tpu.memory_space<vmem>>) offsets(%arg20 : memref<80xi32, #tpu.memory_space<vmem>>) semaphore(%arg75 : memref<!tpu.dma_semaphore, #tpu.memory_space<semaphore_mem>>)
    %dma_wait3A_276 = arith.constant 0 : i32
    %dma_wait3A_277 = tpu.memref_slice %arg96[%dma_wait3A_276] : memref<10000xi32, #tpu.memory_space<vmem_shared>> -> memref<10000xi32, #tpu.memory_space<vmem_shared>>
    tpu.wait_indirect_dma semaphore(%arg75 : memref<!tpu.dma_semaphore, #tpu.memory_space<semaphore_mem>>) src(%dma_wait3A_277 : memref<10000xi32, #tpu.memory_space<vmem_shared>>) dst(%arg31 : memref<80xi32, #tpu.memory_space<vmem>>)
    %dma_wait3A_278 = arith.constant 0 : i32
    %dma_wait3A_279 = tpu.memref_slice %arg96[%dma_wait3A_278] : memref<10000xi32, #tpu.memory_space<vmem_shared>> -> memref<10000xi32, #tpu.memory_space<vmem_shared>>
    tpu.wait_indirect_dma semaphore(%arg75 : memref<!tpu.dma_semaphore, #tpu.memory_space<semaphore_mem>>) src(%dma_wait3A_279 : memref<10000xi32, #tpu.memory_space<vmem_shared>>) dst(%arg42 : memref<80xi32, #tpu.memory_space<vmem>>)
    %scan3A_280 = arith.constant 0 : i32
    %scan3A_281 = arith.constant 0 : i32
    %mul3A_282 = arith.constant 16 : i32
    %mul3A_283 = arith.muli %scan3A_281, %mul3A_282 : i32
    %get3A_284 = arith.index_cast %mul3A_283 : i32 to index
    %get3A_285 = tpu.vector_load %arg31[%get3A_284] {strides = array<i32>} : memref<80xi32, #tpu.memory_space<vmem>>, vector<16xi32>,
    %get3A_286 = vector.shape_cast %get3A_285 : vector<16xi32> to vector<16xi32>
    %mul3A_287 = arith.constant 32 : i32
    %mul3A_288 = vector.broadcast %mul3A_287 : i32 to vector<16xi32>
    %mul3A_289 = arith.muli %get3A_286, %mul3A_288 : vector<16xi32>
    %get3A_290 = arith.index_cast %mul3A_283 : i32 to index
    %get3A_291 = tpu.vector_load %arg42[%get3A_290] {strides = array<i32>} : memref<80xi32, #tpu.memory_space<vmem>>, vector<16xi32>,
    %get3A_292 = vector.shape_cast %get3A_291 : vector<16xi32> to vector<16xi32>
    %add3A_293 = arith.addi %mul3A_289, %get3A_292 : vector<16xi32>
    %swap3A_294 = arith.index_cast %mul3A_283 : i32 to index
    %swap3A_295 = tpu.vector_load %arg53[%swap3A_294] {strides = array<i32>} : memref<80xi32, #tpu.memory_space<vmem>>, vector<16xi32>,
    %swap3A_296 = vector.shape_cast %swap3A_295 : vector<16xi32> to vector<16xi32>
    %swap3A_297 = vector.shape_cast %add3A_293 : vector<16xi32> to vector<16xi32>
    tpu.vector_store %arg53[%swap3A_294], %swap3A_297 {strides = array<i32>} : memref<80xi32, #tpu.memory_space<vmem>>, vector<16xi32>,
    %scan3A_298 = arith.constant 1 : i32
    %mul3A_299 = arith.constant 16 : i32
    %mul3A_300 = arith.muli %scan3A_298, %mul3A_299 : i32
    %get3A_301 = arith.index_cast %mul3A_300 : i32 to index
    %get3A_302 = tpu.vector_load %arg31[%get3A_301] {strides = array<i32>} : memref<80xi32, #tpu.memory_space<vmem>>, vector<16xi32>,
    %get3A_303 = vector.shape_cast %get3A_302 : vector<16xi32> to vector<16xi32>
    %mul3A_304 = arith.constant 32 : i32
    %mul3A_305 = vector.broadcast %mul3A_304 : i32 to vector<16xi32>
    %mul3A_306 = arith.muli %get3A_303, %mul3A_305 : vector<16xi32>
    %get3A_307 = arith.index_cast %mul3A_300 : i32 to index
    %get3A_308 = tpu.vector_load %arg42[%get3A_307] {strides = array<i32>} : memref<80xi32, #tpu.memory_space<vmem>>, vector<16xi32>,
    %get3A_309 = vector.shape_cast %get3A_308 : vector<16xi32> to vector<16xi32>
    %add3A_310 = arith.addi %mul3A_306, %get3A_309 : vector<16xi32>
    %swap3A_311 = arith.index_cast %mul3A_300 : i32 to index
    %swap3A_312 = tpu.vector_load %arg53[%swap3A_311] {strides = array<i32>} : memref<80xi32, #tpu.memory_space<vmem>>, vector<16xi32>,
    %swap3A_313 = vector.shape_cast %swap3A_312 : vector<16xi32> to vector<16xi32>
    %swap3A_314 = vector.shape_cast %add3A_310 : vector<16xi32> to vector<16xi32>
    tpu.vector_store %arg53[%swap3A_311], %swap3A_314 {strides = array<i32>} : memref<80xi32, #tpu.memory_space<vmem>>, vector<16xi32>,
    %scan3A_315 = arith.constant 2 : i32
    %mul3A_316 = arith.constant 16 : i32
    %mul3A_317 = arith.muli %scan3A_315, %mul3A_316 : i32
    %get3A_318 = arith.index_cast %mul3A_317 : i32 to index
    %get3A_319 = tpu.vector_load %arg31[%get3A_318] {strides = array<i32>} : memref<80xi32, #tpu.memory_space<vmem>>, vector<16xi32>,
    %get3A_320 = vector.shape_cast %get3A_319 : vector<16xi32> to vector<16xi32>
    %mul3A_321 = arith.constant 32 : i32
    %mul3A_322 = vector.broadcast %mul3A_321 : i32 to vector<16xi32>
    %mul3A_323 = arith.muli %get3A_320, %mul3A_322 : vector<16xi32>
    %get3A_324 = arith.index_cast %mul3A_317 : i32 to index
    %get3A_325 = tpu.vector_load %arg42[%get3A_324] {strides = array<i32>} : memref<80xi32, #tpu.memory_space<vmem>>, vector<16xi32>,
    %get3A_326 = vector.shape_cast %get3A_325 : vector<16xi32> to vector<16xi32>
    %add3A_327 = arith.addi %mul3A_323, %get3A_326 : vector<16xi32>
    %swap3A_328 = arith.index_cast %mul3A_317 : i32 to index
    %swap3A_329 = tpu.vector_load %arg53[%swap3A_328] {strides = array<i32>} : memref<80xi32, #tpu.memory_space<vmem>>, vector<16xi32>,
    %swap3A_330 = vector.shape_cast %swap3A_329 : vector<16xi32> to vector<16xi32>
    %swap3A_331 = vector.shape_cast %add3A_327 : vector<16xi32> to vector<16xi32>
    tpu.vector_store %arg53[%swap3A_328], %swap3A_331 {strides = array<i32>} : memref<80xi32, #tpu.memory_space<vmem>>, vector<16xi32>,
    %scan3A_332 = arith.constant 3 : i32
    %mul3A_333 = arith.constant 16 : i32
    %mul3A_334 = arith.muli %scan3A_332, %mul3A_333 : i32
    %get3A_335 = arith.index_cast %mul3A_334 : i32 to index
    %get3A_336 = tpu.vector_load %arg31[%get3A_335] {strides = array<i32>} : memref<80xi32, #tpu.memory_space<vmem>>, vector<16xi32>,
    %get3A_337 = vector.shape_cast %get3A_336 : vector<16xi32> to vector<16xi32>
    %mul3A_338 = arith.constant 32 : i32
    %mul3A_339 = vector.broadcast %mul3A_338 : i32 to vector<16xi32>
    %mul3A_340 = arith.muli %get3A_337, %mul3A_339 : vector<16xi32>
    %get3A_341 = arith.index_cast %mul3A_334 : i32 to index
    %get3A_342 = tpu.vector_load %arg42[%get3A_341] {strides = array<i32>} : memref<80xi32, #tpu.memory_space<vmem>>, vector<16xi32>,
    %get3A_343 = vector.shape_cast %get3A_342 : vector<16xi32> to vector<16xi32>
    %add3A_344 = arith.addi %mul3A_340, %get3A_343 : vector<16xi32>
    %swap3A_345 = arith.index_cast %mul3A_334 : i32 to index
    %swap3A_346 = tpu.vector_load %arg53[%swap3A_345] {strides = array<i32>} : memref<80xi32, #tpu.memory_space<vmem>>, vector<16xi32>,
    %swap3A_347 = vector.shape_cast %swap3A_346 : vector<16xi32> to vector<16xi32>
    %swap3A_348 = vector.shape_cast %add3A_344 : vector<16xi32> to vector<16xi32>
    tpu.vector_store %arg53[%swap3A_345], %swap3A_348 {strides = array<i32>} : memref<80xi32, #tpu.memory_space<vmem>>, vector<16xi32>,
    %scan3A_349 = arith.constant 4 : i32
    %mul3A_350 = arith.constant 16 : i32
    %mul3A_351 = arith.muli %scan3A_349, %mul3A_350 : i32
    %get3A_352 = arith.index_cast %mul3A_351 : i32 to index
    %get3A_353 = tpu.vector_load %arg31[%get3A_352] {strides = array<i32>} : memref<80xi32, #tpu.memory_space<vmem>>, vector<16xi32>,
    %get3A_354 = vector.shape_cast %get3A_353 : vector<16xi32> to vector<16xi32>
    %mul3A_355 = arith.constant 32 : i32
    %mul3A_356 = vector.broadcast %mul3A_355 : i32 to vector<16xi32>
    %mul3A_357 = arith.muli %get3A_354, %mul3A_356 : vector<16xi32>
    %get3A_358 = arith.index_cast %mul3A_351 : i32 to index
    %get3A_359 = tpu.vector_load %arg42[%get3A_358] {strides = array<i32>} : memref<80xi32, #tpu.memory_space<vmem>>, vector<16xi32>,
    %get3A_360 = vector.shape_cast %get3A_359 : vector<16xi32> to vector<16xi32>
    %add3A_361 = arith.addi %mul3A_357, %get3A_360 : vector<16xi32>
    %swap3A_362 = arith.index_cast %mul3A_351 : i32 to index
    %swap3A_363 = tpu.vector_load %arg53[%swap3A_362] {strides = array<i32>} : memref<80xi32, #tpu.memory_space<vmem>>, vector<16xi32>,
    %swap3A_364 = vector.shape_cast %swap3A_363 : vector<16xi32> to vector<16xi32>
    %swap3A_365 = vector.shape_cast %add3A_361 : vector<16xi32> to vector<16xi32>
    tpu.vector_store %arg53[%swap3A_362], %swap3A_365 {strides = array<i32>} : memref<80xi32, #tpu.memory_space<vmem>>, vector<16xi32>,
    %scan3A_366 = arith.constant 5 : i32
    %cond3A_367 = arith.constant 1 : i32
    %dma_wait3A_368 = arith.constant 0 : i32
    %dma_wait3A_369 = tpu.memref_slice %arg6[%mul3A_2, %dma_wait3A_368] : memref<320000x128xf32, #tpu.memory_space<hbm>> -> memref<80x128xf32, #tpu.memory_space<hbm>>
    %dma_wait3A_370 = arith.constant 0 : i32
    %dma_wait3A_371 = tpu.memref_slice %arg6[%mul3A_2, %dma_wait3A_370] : memref<320000x128xf32, #tpu.memory_space<hbm>> -> memref<80x128xf32, #tpu.memory_space<hbm>>
    tpu.wait_dma2 semaphore(%arg86 : memref<!tpu.dma_semaphore, #tpu.memory_space<semaphore_mem>>) src(%arg64 : memref<80x128xf32, #tpu.memory_space<vmem>>) dst(%dma_wait3A_371 : memref<80x128xf32, #tpu.memory_space<hbm>>)
    %dma_start3A_372 = arith.constant 0 : i32
    %dma_start3A_373 = arith.constant 0 : i32
    %dma_start3A_374 = tpu.memref_slice %arg95[%dma_start3A_372, %dma_start3A_373] : memref<1024x128xf32, #tpu.memory_space<vmem_shared>> -> memref<1024x128xf32, #tpu.memory_space<vmem_shared>>
    tpu.enqueue_indirect_dma source(%dma_start3A_374 : memref<1024x128xf32, #tpu.memory_space<vmem_shared>>) target(%arg64 : memref<80x128xf32, #tpu.memory_space<vmem>>) offsets(%arg53 : memref<80xi32, #tpu.memory_space<vmem>>) semaphore(%arg75 : memref<!tpu.dma_semaphore, #tpu.memory_space<semaphore_mem>>)
    %dma_wait3A_375 = arith.constant 0 : i32
    %dma_wait3A_376 = arith.constant 0 : i32
    %dma_wait3A_377 = tpu.memref_slice %arg95[%dma_wait3A_375, %dma_wait3A_376] : memref<1024x128xf32, #tpu.memory_space<vmem_shared>> -> memref<1024x128xf32, #tpu.memory_space<vmem_shared>>
    tpu.wait_indirect_dma semaphore(%arg75 : memref<!tpu.dma_semaphore, #tpu.memory_space<semaphore_mem>>) src(%dma_wait3A_377 : memref<1024x128xf32, #tpu.memory_space<vmem_shared>>) dst(%arg64 : memref<80x128xf32, #tpu.memory_space<vmem>>)
    %add3A_378 = arith.constant 9840 : i32
    %add3A_379 = arith.addi %mul3A_2, %add3A_378 : i32
    %dma_start3A_380 = arith.constant 0 : i32
    %dma_start3A_381 = tpu.memref_slice %arg6[%add3A_379, %dma_start3A_380] : memref<320000x128xf32, #tpu.memory_space<hbm>> -> memref<80x128xf32, #tpu.memory_space<hbm>>
    %dma_start3A_382 = arith.constant 0 : i32
    %dma_start3A_383 = tpu.memref_slice %arg6[%add3A_379, %dma_start3A_382] : memref<320000x128xf32, #tpu.memory_space<hbm>> -> memref<80x128xf32, #tpu.memory_space<hbm>>
    tpu.enqueue_dma source(%arg64 : memref<80x128xf32, #tpu.memory_space<vmem>>) target(%dma_start3A_383 : memref<80x128xf32, #tpu.memory_space<hbm>>) target_semaphore(%arg86 : memref<!tpu.dma_semaphore, #tpu.memory_space<semaphore_mem>>)
    %add3A_384 = arith.constant 9920 : i32
    %add3A_385 = arith.addi %mul3A_2, %add3A_384 : i32
    %dma_start3A_386 = tpu.memref_slice %arg2[%add3A_385] : memref<320000xi32, #tpu.memory_space<hbm>> -> memref<80xi32, #tpu.memory_space<hbm>>
    %dma_start3A_387 = tpu.memref_slice %arg2[%add3A_385] : memref<320000xi32, #tpu.memory_space<hbm>> -> memref<80xi32, #tpu.memory_space<hbm>>
    tpu.enqueue_dma source(%dma_start3A_387 : memref<80xi32, #tpu.memory_space<hbm>>) target(%arg10 : memref<80xi32, #tpu.memory_space<vmem>>) target_semaphore(%arg76 : memref<!tpu.dma_semaphore, #tpu.memory_space<semaphore_mem>>)
    %dma_start3A_388 = tpu.memref_slice %arg3[%add3A_385] : memref<320000xi32, #tpu.memory_space<hbm>> -> memref<80xi32, #tpu.memory_space<hbm>>
    %dma_start3A_389 = tpu.memref_slice %arg3[%add3A_385] : memref<320000xi32, #tpu.memory_space<hbm>> -> memref<80xi32, #tpu.memory_space<hbm>>
    tpu.enqueue_dma source(%dma_start3A_389 : memref<80xi32, #tpu.memory_space<hbm>>) target(%arg21 : memref<80xi32, #tpu.memory_space<vmem>>) target_semaphore(%arg76 : memref<!tpu.dma_semaphore, #tpu.memory_space<semaphore_mem>>)
    %dma_wait3A_390 = arith.constant 0 : i32
    %dma_wait3A_391 = tpu.memref_slice %arg2[%dma_wait3A_390] : memref<320000xi32, #tpu.memory_space<hbm>> -> memref<80xi32, #tpu.memory_space<hbm>>
    %dma_wait3A_392 = arith.constant 0 : i32
    %dma_wait3A_393 = tpu.memref_slice %arg2[%dma_wait3A_392] : memref<320000xi32, #tpu.memory_space<hbm>> -> memref<80xi32, #tpu.memory_space<hbm>>
    tpu.wait_dma2 semaphore(%arg76 : memref<!tpu.dma_semaphore, #tpu.memory_space<semaphore_mem>>) src(%dma_wait3A_393 : memref<80xi32, #tpu.memory_space<hbm>>) dst(%arg10 : memref<80xi32, #tpu.memory_space<vmem>>)
    %dma_wait3A_394 = arith.constant 0 : i32
    %dma_wait3A_395 = tpu.memref_slice %arg3[%dma_wait3A_394] : memref<320000xi32, #tpu.memory_space<hbm>> -> memref<80xi32, #tpu.memory_space<hbm>>
    %dma_wait3A_396 = arith.constant 0 : i32
    %dma_wait3A_397 = tpu.memref_slice %arg3[%dma_wait3A_396] : memref<320000xi32, #tpu.memory_space<hbm>> -> memref<80xi32, #tpu.memory_space<hbm>>
    tpu.wait_dma2 semaphore(%arg76 : memref<!tpu.dma_semaphore, #tpu.memory_space<semaphore_mem>>) src(%dma_wait3A_397 : memref<80xi32, #tpu.memory_space<hbm>>) dst(%arg21 : memref<80xi32, #tpu.memory_space<vmem>>)
    %dma_start3A_398 = arith.constant 0 : i32
    %dma_start3A_399 = tpu.memref_slice %arg96[%dma_start3A_398] : memref<10000xi32, #tpu.memory_space<vmem_shared>> -> memref<10000xi32, #tpu.memory_space<vmem_shared>>
    tpu.enqueue_indirect_dma source(%dma_start3A_399 : memref<10000xi32, #tpu.memory_space<vmem_shared>>) target(%arg32 : memref<80xi32, #tpu.memory_space<vmem>>) offsets(%arg10 : memref<80xi32, #tpu.memory_space<vmem>>) semaphore(%arg76 : memref<!tpu.dma_semaphore, #tpu.memory_space<semaphore_mem>>)
    %dma_start3A_400 = arith.constant 0 : i32
    %dma_start3A_401 = tpu.memref_slice %arg96[%dma_start3A_400] : memref<10000xi32, #tpu.memory_space<vmem_shared>> -> memref<10000xi32, #tpu.memory_space<vmem_shared>>
    tpu.enqueue_indirect_dma source(%dma_start3A_401 : memref<10000xi32, #tpu.memory_space<vmem_shared>>) target(%arg43 : memref<80xi32, #tpu.memory_space<vmem>>) offsets(%arg21 : memref<80xi32, #tpu.memory_space<vmem>>) semaphore(%arg76 : memref<!tpu.dma_semaphore, #tpu.memory_space<semaphore_mem>>)
    %dma_wait3A_402 = arith.constant 0 : i32
    %dma_wait3A_403 = tpu.memref_slice %arg96[%dma_wait3A_402] : memref<10000xi32, #tpu.memory_space<vmem_shared>> -> memref<10000xi32, #tpu.memory_space<vmem_shared>>
    tpu.wait_indirect_dma semaphore(%arg76 : memref<!tpu.dma_semaphore, #tpu.memory_space<semaphore_mem>>) src(%dma_wait3A_403 : memref<10000xi32, #tpu.memory_space<vmem_shared>>) dst(%arg32 : memref<80xi32, #tpu.memory_space<vmem>>)
    %dma_wait3A_404 = arith.constant 0 : i32
    %dma_wait3A_405 = tpu.memref_slice %arg96[%dma_wait3A_404] : memref<10000xi32, #tpu.memory_space<vmem_shared>> -> memref<10000xi32, #tpu.memory_space<vmem_shared>>
    tpu.wait_indirect_dma semaphore(%arg76 : memref<!tpu.dma_semaphore, #tpu.memory_space<semaphore_mem>>) src(%dma_wait3A_405 : memref<10000xi32, #tpu.memory_space<vmem_shared>>) dst(%arg43 : memref<80xi32, #tpu.memory_space<vmem>>)
    %scan3A_406 = arith.constant 0 : i32
    %scan3A_407 = arith.constant 0 : i32
    %mul3A_408 = arith.constant 16 : i32
    %mul3A_409 = arith.muli %scan3A_407, %mul3A_408 : i32
    %get3A_410 = arith.index_cast %mul3A_409 : i32 to index
    %get3A_411 = tpu.vector_load %arg32[%get3A_410] {strides = array<i32>} : memref<80xi32, #tpu.memory_space<vmem>>, vector<16xi32>,
    %get3A_412 = vector.shape_cast %get3A_411 : vector<16xi32> to vector<16xi32>
    %mul3A_413 = arith.constant 32 : i32
    %mul3A_414 = vector.broadcast %mul3A_413 : i32 to vector<16xi32>
    %mul3A_415 = arith.muli %get3A_412, %mul3A_414 : vector<16xi32>
    %get3A_416 = arith.index_cast %mul3A_409 : i32 to index
    %get3A_417 = tpu.vector_load %arg43[%get3A_416] {strides = array<i32>} : memref<80xi32, #tpu.memory_space<vmem>>, vector<16xi32>,
    %get3A_418 = vector.shape_cast %get3A_417 : vector<16xi32> to vector<16xi32>
    %add3A_419 = arith.addi %mul3A_415, %get3A_418 : vector<16xi32>
    %swap3A_420 = arith.index_cast %mul3A_409 : i32 to index
    %swap3A_421 = tpu.vector_load %arg54[%swap3A_420] {strides = array<i32>} : memref<80xi32, #tpu.memory_space<vmem>>, vector<16xi32>,
    %swap3A_422 = vector.shape_cast %swap3A_421 : vector<16xi32> to vector<16xi32>
    %swap3A_423 = vector.shape_cast %add3A_419 : vector<16xi32> to vector<16xi32>
    tpu.vector_store %arg54[%swap3A_420], %swap3A_423 {strides = array<i32>} : memref<80xi32, #tpu.memory_space<vmem>>, vector<16xi32>,
    %scan3A_424 = arith.constant 1 : i32
    %mul3A_425 = arith.constant 16 : i32
    %mul3A_426 = arith.muli %scan3A_424, %mul3A_425 : i32
    %get3A_427 = arith.index_cast %mul3A_426 : i32 to index
    %get3A_428 = tpu.vector_load %arg32[%get3A_427] {strides = array<i32>} : memref<80xi32, #tpu.memory_space<vmem>>, vector<16xi32>,
    %get3A_429 = vector.shape_cast %get3A_428 : vector<16xi32> to vector<16xi32>
    %mul3A_430 = arith.constant 32 : i32
    %mul3A_431 = vector.broadcast %mul3A_430 : i32 to vector<16xi32>
    %mul3A_432 = arith.muli %get3A_429, %mul3A_431 : vector<16xi32>
    %get3A_433 = arith.index_cast %mul3A_426 : i32 to index
    %get3A_434 = tpu.vector_load %arg43[%get3A_433] {strides = array<i32>} : memref<80xi32, #tpu.memory_space<vmem>>, vector<16xi32>,
    %get3A_435 = vector.shape_cast %get3A_434 : vector<16xi32> to vector<16xi32>
    %add3A_436 = arith.addi %mul3A_432, %get3A_435 : vector<16xi32>
    %swap3A_437 = arith.index_cast %mul3A_426 : i32 to index
    %swap3A_438 = tpu.vector_load %arg54[%swap3A_437] {strides = array<i32>} : memref<80xi32, #tpu.memory_space<vmem>>, vector<16xi32>,
    %swap3A_439 = vector.shape_cast %swap3A_438 : vector<16xi32> to vector<16xi32>
    %swap3A_440 = vector.shape_cast %add3A_436 : vector<16xi32> to vector<16xi32>
    tpu.vector_store %arg54[%swap3A_437], %swap3A_440 {strides = array<i32>} : memref<80xi32, #tpu.memory_space<vmem>>, vector<16xi32>,
    %scan3A_441 = arith.constant 2 : i32
    %mul3A_442 = arith.constant 16 : i32
    %mul3A_443 = arith.muli %scan3A_441, %mul3A_442 : i32
    %get3A_444 = arith.index_cast %mul3A_443 : i32 to index
    %get3A_445 = tpu.vector_load %arg32[%get3A_444] {strides = array<i32>} : memref<80xi32, #tpu.memory_space<vmem>>, vector<16xi32>,
    %get3A_446 = vector.shape_cast %get3A_445 : vector<16xi32> to vector<16xi32>
    %mul3A_447 = arith.constant 32 : i32
    %mul3A_448 = vector.broadcast %mul3A_447 : i32 to vector<16xi32>
    %mul3A_449 = arith.muli %get3A_446, %mul3A_448 : vector<16xi32>
    %get3A_450 = arith.index_cast %mul3A_443 : i32 to index
    %get3A_451 = tpu.vector_load %arg43[%get3A_450] {strides = array<i32>} : memref<80xi32, #tpu.memory_space<vmem>>, vector<16xi32>,
    %get3A_452 = vector.shape_cast %get3A_451 : vector<16xi32> to vector<16xi32>
    %add3A_453 = arith.addi %mul3A_449, %get3A_452 : vector<16xi32>
    %swap3A_454 = arith.index_cast %mul3A_443 : i32 to index
    %swap3A_455 = tpu.vector_load %arg54[%swap3A_454] {strides = array<i32>} : memref<80xi32, #tpu.memory_space<vmem>>, vector<16xi32>,
    %swap3A_456 = vector.shape_cast %swap3A_455 : vector<16xi32> to vector<16xi32>
    %swap3A_457 = vector.shape_cast %add3A_453 : vector<16xi32> to vector<16xi32>
    tpu.vector_store %arg54[%swap3A_454], %swap3A_457 {strides = array<i32>} : memref<80xi32, #tpu.memory_space<vmem>>, vector<16xi32>,
    %scan3A_458 = arith.constant 3 : i32
    %mul3A_459 = arith.constant 16 : i32
    %mul3A_460 = arith.muli %scan3A_458, %mul3A_459 : i32
    %get3A_461 = arith.index_cast %mul3A_460 : i32 to index
    %get3A_462 = tpu.vector_load %arg32[%get3A_461] {strides = array<i32>} : memref<80xi32, #tpu.memory_space<vmem>>, vector<16xi32>,
    %get3A_463 = vector.shape_cast %get3A_462 : vector<16xi32> to vector<16xi32>
    %mul3A_464 = arith.constant 32 : i32
    %mul3A_465 = vector.broadcast %mul3A_464 : i32 to vector<16xi32>
    %mul3A_466 = arith.muli %get3A_463, %mul3A_465 : vector<16xi32>
    %get3A_467 = arith.index_cast %mul3A_460 : i32 to index
    %get3A_468 = tpu.vector_load %arg43[%get3A_467] {strides = array<i32>} : memref<80xi32, #tpu.memory_space<vmem>>, vector<16xi32>,
    %get3A_469 = vector.shape_cast %get3A_468 : vector<16xi32> to vector<16xi32>
    %add3A_470 = arith.addi %mul3A_466, %get3A_469 : vector<16xi32>
    %swap3A_471 = arith.index_cast %mul3A_460 : i32 to index
    %swap3A_472 = tpu.vector_load %arg54[%swap3A_471] {strides = array<i32>} : memref<80xi32, #tpu.memory_space<vmem>>, vector<16xi32>,
    %swap3A_473 = vector.shape_cast %swap3A_472 : vector<16xi32> to vector<16xi32>
    %swap3A_474 = vector.shape_cast %add3A_470 : vector<16xi32> to vector<16xi32>
    tpu.vector_store %arg54[%swap3A_471], %swap3A_474 {strides = array<i32>} : memref<80xi32, #tpu.memory_space<vmem>>, vector<16xi32>,
    %scan3A_475 = arith.constant 4 : i32
    %mul3A_476 = arith.constant 16 : i32
    %mul3A_477 = arith.muli %scan3A_475, %mul3A_476 : i32
    %get3A_478 = arith.index_cast %mul3A_477 : i32 to index
    %get3A_479 = tpu.vector_load %arg32[%get3A_478] {strides = array<i32>} : memref<80xi32, #tpu.memory_space<vmem>>, vector<16xi32>,
    %get3A_480 = vector.shape_cast %get3A_479 : vector<16xi32> to vector<16xi32>
    %mul3A_481 = arith.constant 32 : i32
    %mul3A_482 = vector.broadcast %mul3A_481 : i32 to vector<16xi32>
    %mul3A_483 = arith.muli %get3A_480, %mul3A_482 : vector<16xi32>
    %get3A_484 = arith.index_cast %mul3A_477 : i32 to index
    %get3A_485 = tpu.vector_load %arg43[%get3A_484] {strides = array<i32>} : memref<80xi32, #tpu.memory_space<vmem>>, vector<16xi32>,
    %get3A_486 = vector.shape_cast %get3A_485 : vector<16xi32> to vector<16xi32>
    %add3A_487 = arith.addi %mul3A_483, %get3A_486 : vector<16xi32>
    %swap3A_488 = arith.index_cast %mul3A_477 : i32 to index
    %swap3A_489 = tpu.vector_load %arg54[%swap3A_488] {strides = array<i32>} : memref<80xi32, #tpu.memory_space<vmem>>, vector<16xi32>,
    %swap3A_490 = vector.shape_cast %swap3A_489 : vector<16xi32> to vector<16xi32>
    %swap3A_491 = vector.shape_cast %add3A_487 : vector<16xi32> to vector<16xi32>
    tpu.vector_store %arg54[%swap3A_488], %swap3A_491 {strides = array<i32>} : memref<80xi32, #tpu.memory_space<vmem>>, vector<16xi32>,
    %scan3A_492 = arith.constant 5 : i32
    %cond3A_493 = arith.constant 1 : i32
    %dma_wait3A_494 = arith.constant 0 : i32
    %dma_wait3A_495 = tpu.memref_slice %arg6[%mul3A_2, %dma_wait3A_494] : memref<320000x128xf32, #tpu.memory_space<hbm>> -> memref<80x128xf32, #tpu.memory_space<hbm>>
    %dma_wait3A_496 = arith.constant 0 : i32
    %dma_wait3A_497 = tpu.memref_slice %arg6[%mul3A_2, %dma_wait3A_496] : memref<320000x128xf32, #tpu.memory_space<hbm>> -> memref<80x128xf32, #tpu.memory_space<hbm>>
    tpu.wait_dma2 semaphore(%arg87 : memref<!tpu.dma_semaphore, #tpu.memory_space<semaphore_mem>>) src(%arg65 : memref<80x128xf32, #tpu.memory_space<vmem>>) dst(%dma_wait3A_497 : memref<80x128xf32, #tpu.memory_space<hbm>>)
    %dma_start3A_498 = arith.constant 0 : i32
    %dma_start3A_499 = arith.constant 0 : i32
    %dma_start3A_500 = tpu.memref_slice %arg95[%dma_start3A_498, %dma_start3A_499] : memref<1024x128xf32, #tpu.memory_space<vmem_shared>> -> memref<1024x128xf32, #tpu.memory_space<vmem_shared>>
    tpu.enqueue_indirect_dma source(%dma_start3A_500 : memref<1024x128xf32, #tpu.memory_space<vmem_shared>>) target(%arg65 : memref<80x128xf32, #tpu.memory_space<vmem>>) offsets(%arg54 : memref<80xi32, #tpu.memory_space<vmem>>) semaphore(%arg76 : memref<!tpu.dma_semaphore, #tpu.memory_space<semaphore_mem>>)
    %dma_wait3A_501 = arith.constant 0 : i32
    %dma_wait3A_502 = arith.constant 0 : i32
    %dma_wait3A_503 = tpu.memref_slice %arg95[%dma_wait3A_501, %dma_wait3A_502] : memref<1024x128xf32, #tpu.memory_space<vmem_shared>> -> memref<1024x128xf32, #tpu.memory_space<vmem_shared>>
    tpu.wait_indirect_dma semaphore(%arg76 : memref<!tpu.dma_semaphore, #tpu.memory_space<semaphore_mem>>) src(%dma_wait3A_503 : memref<1024x128xf32, #tpu.memory_space<vmem_shared>>) dst(%arg65 : memref<80x128xf32, #tpu.memory_space<vmem>>)
    %add3A_504 = arith.constant 9920 : i32
    %add3A_505 = arith.addi %mul3A_2, %add3A_504 : i32
    %dma_start3A_506 = arith.constant 0 : i32
    %dma_start3A_507 = tpu.memref_slice %arg6[%add3A_505, %dma_start3A_506] : memref<320000x128xf32, #tpu.memory_space<hbm>> -> memref<80x128xf32, #tpu.memory_space<hbm>>
    %dma_start3A_508 = arith.constant 0 : i32
    %dma_start3A_509 = tpu.memref_slice %arg6[%add3A_505, %dma_start3A_508] : memref<320000x128xf32, #tpu.memory_space<hbm>> -> memref<80x128xf32, #tpu.memory_space<hbm>>
    tpu.enqueue_dma source(%arg65 : memref<80x128xf32, #tpu.memory_space<vmem>>) target(%dma_start3A_509 : memref<80x128xf32, #tpu.memory_space<hbm>>) target_semaphore(%arg87 : memref<!tpu.dma_semaphore, #tpu.memory_space<semaphore_mem>>)
    %dma_wait3A_510 = arith.constant 0 : i32
    %dma_wait3A_511 = tpu.memref_slice %arg6[%mul3A_2, %dma_wait3A_510] : memref<320000x128xf32, #tpu.memory_space<hbm>> -> memref<80x128xf32, #tpu.memory_space<hbm>>
    %dma_wait3A_512 = arith.constant 0 : i32
    %dma_wait3A_513 = tpu.memref_slice %arg6[%mul3A_2, %dma_wait3A_512] : memref<320000x128xf32, #tpu.memory_space<hbm>> -> memref<80x128xf32, #tpu.memory_space<hbm>>
    tpu.wait_dma2 semaphore(%arg84 : memref<!tpu.dma_semaphore, #tpu.memory_space<semaphore_mem>>) src(%arg62 : memref<80x128xf32, #tpu.memory_space<vmem>>) dst(%dma_wait3A_513 : memref<80x128xf32, #tpu.memory_space<hbm>>)
    %dma_wait3A_514 = arith.constant 0 : i32
    %dma_wait3A_515 = tpu.memref_slice %arg6[%mul3A_2, %dma_wait3A_514] : memref<320000x128xf32, #tpu.memory_space<hbm>> -> memref<80x128xf32, #tpu.memory_space<hbm>>
    %dma_wait3A_516 = arith.constant 0 : i32
    %dma_wait3A_517 = tpu.memref_slice %arg6[%mul3A_2, %dma_wait3A_516] : memref<320000x128xf32, #tpu.memory_space<hbm>> -> memref<80x128xf32, #tpu.memory_space<hbm>>
    tpu.wait_dma2 semaphore(%arg85 : memref<!tpu.dma_semaphore, #tpu.memory_space<semaphore_mem>>) src(%arg63 : memref<80x128xf32, #tpu.memory_space<vmem>>) dst(%dma_wait3A_517 : memref<80x128xf32, #tpu.memory_space<hbm>>)
    %dma_wait3A_518 = arith.constant 0 : i32
    %dma_wait3A_519 = tpu.memref_slice %arg6[%mul3A_2, %dma_wait3A_518] : memref<320000x128xf32, #tpu.memory_space<hbm>> -> memref<80x128xf32, #tpu.memory_space<hbm>>
    %dma_wait3A_520 = arith.constant 0 : i32
    %dma_wait3A_521 = tpu.memref_slice %arg6[%mul3A_2, %dma_wait3A_520] : memref<320000x128xf32, #tpu.memory_space<hbm>> -> memref<80x128xf32, #tpu.memory_space<hbm>>
    tpu.wait_dma2 semaphore(%arg86 : memref<!tpu.dma_semaphore, #tpu.memory_space<semaphore_mem>>) src(%arg64 : memref<80x128xf32, #tpu.memory_space<vmem>>) dst(%dma_wait3A_521 : memref<80x128xf32, #tpu.memory_space<hbm>>)
    %dma_wait3A_522 = arith.constant 0 : i32
    %dma_wait3A_523 = tpu.memref_slice %arg6[%mul3A_2, %dma_wait3A_522] : memref<320000x128xf32, #tpu.memory_space<hbm>> -> memref<80x128xf32, #tpu.memory_space<hbm>>
    %dma_wait3A_524 = arith.constant 0 : i32
    %dma_wait3A_525 = tpu.memref_slice %arg6[%mul3A_2, %dma_wait3A_524] : memref<320000x128xf32, #tpu.memory_space<hbm>> -> memref<80x128xf32, #tpu.memory_space<hbm>>
    tpu.wait_dma2 semaphore(%arg87 : memref<!tpu.dma_semaphore, #tpu.memory_space<semaphore_mem>>) src(%arg65 : memref<80x128xf32, #tpu.memory_space<vmem>>) dst(%dma_wait3A_525 : memref<80x128xf32, #tpu.memory_space<hbm>>)
    %dma_wait3A_526 = arith.constant 0 : i32
    %dma_wait3A_527 = tpu.memref_slice %arg6[%mul3A_2, %dma_wait3A_526] : memref<320000x128xf32, #tpu.memory_space<hbm>> -> memref<80x128xf32, #tpu.memory_space<hbm>>
    %dma_wait3A_528 = arith.constant 0 : i32
    %dma_wait3A_529 = tpu.memref_slice %arg6[%mul3A_2, %dma_wait3A_528] : memref<320000x128xf32, #tpu.memory_space<hbm>> -> memref<80x128xf32, #tpu.memory_space<hbm>>
    tpu.wait_dma2 semaphore(%arg88 : memref<!tpu.dma_semaphore, #tpu.memory_space<semaphore_mem>>) src(%arg66 : memref<80x128xf32, #tpu.memory_space<vmem>>) dst(%dma_wait3A_529 : memref<80x128xf32, #tpu.memory_space<hbm>>)
    %dma_wait3A_530 = arith.constant 0 : i32
    %dma_wait3A_531 = tpu.memref_slice %arg6[%mul3A_2, %dma_wait3A_530] : memref<320000x128xf32, #tpu.memory_space<hbm>> -> memref<80x128xf32, #tpu.memory_space<hbm>>
    %dma_wait3A_532 = arith.constant 0 : i32
    %dma_wait3A_533 = tpu.memref_slice %arg6[%mul3A_2, %dma_wait3A_532] : memref<320000x128xf32, #tpu.memory_space<hbm>> -> memref<80x128xf32, #tpu.memory_space<hbm>>
    tpu.wait_dma2 semaphore(%arg89 : memref<!tpu.dma_semaphore, #tpu.memory_space<semaphore_mem>>) src(%arg67 : memref<80x128xf32, #tpu.memory_space<vmem>>) dst(%dma_wait3A_533 : memref<80x128xf32, #tpu.memory_space<hbm>>)
    %dma_wait3A_534 = arith.constant 0 : i32
    %dma_wait3A_535 = tpu.memref_slice %arg6[%mul3A_2, %dma_wait3A_534] : memref<320000x128xf32, #tpu.memory_space<hbm>> -> memref<80x128xf32, #tpu.memory_space<hbm>>
    %dma_wait3A_536 = arith.constant 0 : i32
    %dma_wait3A_537 = tpu.memref_slice %arg6[%mul3A_2, %dma_wait3A_536] : memref<320000x128xf32, #tpu.memory_space<hbm>> -> memref<80x128xf32, #tpu.memory_space<hbm>>
    tpu.wait_dma2 semaphore(%arg90 : memref<!tpu.dma_semaphore, #tpu.memory_space<semaphore_mem>>) src(%arg68 : memref<80x128xf32, #tpu.memory_space<vmem>>) dst(%dma_wait3A_537 : memref<80x128xf32, #tpu.memory_space<hbm>>)
    %dma_wait3A_538 = arith.constant 0 : i32
    %dma_wait3A_539 = tpu.memref_slice %arg6[%mul3A_2, %dma_wait3A_538] : memref<320000x128xf32, #tpu.memory_space<hbm>> -> memref<80x128xf32, #tpu.memory_space<hbm>>
    %dma_wait3A_540 = arith.constant 0 : i32
    %dma_wait3A_541 = tpu.memref_slice %arg6[%mul3A_2, %dma_wait3A_540] : memref<320000x128xf32, #tpu.memory_space<hbm>> -> memref<80x128xf32, #tpu.memory_space<hbm>>
    tpu.wait_dma2 semaphore(%arg91 : memref<!tpu.dma_semaphore, #tpu.memory_space<semaphore_mem>>) src(%arg69 : memref<80x128xf32, #tpu.memory_space<vmem>>) dst(%dma_wait3A_541 : memref<80x128xf32, #tpu.memory_space<hbm>>)
    %dma_wait3A_542 = arith.constant 0 : i32
    %dma_wait3A_543 = tpu.memref_slice %arg6[%mul3A_2, %dma_wait3A_542] : memref<320000x128xf32, #tpu.memory_space<hbm>> -> memref<80x128xf32, #tpu.memory_space<hbm>>
    %dma_wait3A_544 = arith.constant 0 : i32
    %dma_wait3A_545 = tpu.memref_slice %arg6[%mul3A_2, %dma_wait3A_544] : memref<320000x128xf32, #tpu.memory_space<hbm>> -> memref<80x128xf32, #tpu.memory_space<hbm>>
    tpu.wait_dma2 semaphore(%arg92 : memref<!tpu.dma_semaphore, #tpu.memory_space<semaphore_mem>>) src(%arg70 : memref<80x128xf32, #tpu.memory_space<vmem>>) dst(%dma_wait3A_545 : memref<80x128xf32, #tpu.memory_space<hbm>>)
    %dma_wait3A_546 = arith.constant 0 : i32
    %dma_wait3A_547 = tpu.memref_slice %arg6[%mul3A_2, %dma_wait3A_546] : memref<320000x128xf32, #tpu.memory_space<hbm>> -> memref<80x128xf32, #tpu.memory_space<hbm>>
    %dma_wait3A_548 = arith.constant 0 : i32
    %dma_wait3A_549 = tpu.memref_slice %arg6[%mul3A_2, %dma_wait3A_548] : memref<320000x128xf32, #tpu.memory_space<hbm>> -> memref<80x128xf32, #tpu.memory_space<hbm>>
    tpu.wait_dma2 semaphore(%arg93 : memref<!tpu.dma_semaphore, #tpu.memory_space<semaphore_mem>>) src(%arg71 : memref<80x128xf32, #tpu.memory_space<vmem>>) dst(%dma_wait3A_549 : memref<80x128xf32, #tpu.memory_space<hbm>>)
    %dma_wait3A_550 = arith.constant 0 : i32
    %dma_wait3A_551 = tpu.memref_slice %arg6[%mul3A_2, %dma_wait3A_550] : memref<320000x128xf32, #tpu.memory_space<hbm>> -> memref<80x128xf32, #tpu.memory_space<hbm>>
    %dma_wait3A_552 = arith.constant 0 : i32
    %dma_wait3A_553 = tpu.memref_slice %arg6[%mul3A_2, %dma_wait3A_552] : memref<320000x128xf32, #tpu.memory_space<hbm>> -> memref<80x128xf32, #tpu.memory_space<hbm>>
    tpu.wait_dma2 semaphore(%arg94 : memref<!tpu.dma_semaphore, #tpu.memory_space<semaphore_mem>>) src(%arg72 : memref<80x128xf32, #tpu.memory_space<vmem>>) dst(%dma_wait3A_553 : memref<80x128xf32, #tpu.memory_space<hbm>>)
    return
  }
}

</mosaic_0001>

<sc_bundles>
// kernel: kernel.3.cloned.1.call-start
scs
__scs_entry_jumppad:
0x0: {  	(pc) =	sbr.rel $0x88, $3  }
0x1: {  	(tag) =	ssettag $0x0;
	lr =	simm.s32 $0x1  }
0x2: {  	[smem:$0x3F9E] =	sst lr;
	_ =	strace $0xD0000000  }
0x3: {  	_ = 	snop  }
0x4: {  	_ = 	snop  }
0x5: {  	_ = 	snop  }
0x6: {  	_ = 	snop  }
0x7: {  	_ = 	snop  }
__scs_overlays_trampoline_lowered:
0x8: {  	[smem:$0x3FAD] =	sst s0  }
0x9: {  	[smem:$0x3FAE] =	sst s1  }
0xa: {  	[smem:$0x3FAF] =	sst s2  }
0xb: {  	[smem:$0x3FB0] =	sst s3  }
0xc: {  	[smem:$0x3FB1] =	sst s4  }
0xd: {  	[smem:$0x3FB2] =	sst s5  }
0xe: {  	[smem:$0x3FB3] =	sst s6  }
0xf: {  	[smem:$0x3FB4] =	sst s7  }
0x10: {  	[smem:$0x3FB5] =	sst s8  }
0x11: {  	[smem:$0x3FB6] =	sst s9;
	s0 =	simm.s32 @!p0 $0x0  }
0x12: {  	s1 =	sld [smem:$0x3F9C];
	s0 =	simm.s32 @p0 $0x1  }
0x13: {  	[smem:$0x3FB7] =	sst s0;
	s0 =	simm.s32 @!p1 $0x0  }
0x14: {  	s2 =	sld [smem:$0x3F9B];
	s0 =	simm.s32 @p1 $0x1  }
0x15: {  	[smem:$0x3FB8] =	sst s0;
	s0 =	simm.s32 @!p2 $0x0  }
0x16: {  	s3 =	sld [smem:$0x3FDB];
	s0 =	simm.s32 @p2 $0x1  }
0x17: {  	s4 =	simm.s32 $0x1BF5;
	[smem:$0x3FBA] =	sst s0  }
0x18: {  	s0 =	sld [smem:$0x3F9D];
	_ =	swait.ge [sflag:s4], $0x0  }
0x19: {  	s7 =	sld [smem:$0x3F9E]  }
0x1a: {  	s8 =	sadd.s32 $0xFFFFE003, lr  }
0x1b: {  	s9 =	sadd.s32 $0xFFFFFEF7, lr;
	s5 =	simm.s32 $0xFFFFFFFF;
	p2 =	slt.u32 s8, $0xFFFFF086  }
0x1c: {  	p1 =	slt.u32 s9, $0xF7A;
	s5 =	simm.s32 @!p2 $0x0  }
0x1d: {  	s5 =	simm.s32 @p1 $0x1;
	p0 =	seq.s32 s7, s2  }
0x1e: {  	s7 =	smul.u32 @!p0 $0xF7A, s2;
	p2 =	seq.s32 @!p0 s5, $0x0  }
0x1f: {  	s9 =	smul.u32 $0xF7A, s1;
	s8 =	simm.s32 @!p0 $0x1BF5;
	p2 =	por !p2, p0  }
0x20: {  	[sflag:s8] =	ssyncset.s32 @!p0 $0xFFFFF086;
	s6 =	sadd.s32 @!p0 s3, s7;
	s7 =	simm.s32 @!p0 $0x108  }
0x21: {  	s3 =	sadd.s32 s3, s9;
	s6 =	sadd.s32 @!p0 $0x88, s6;
	s7 =	simm.s32 @p2 $0x1082  }
0x22: {  	[simem:s7], [sflag:s8] =	dma.local @!p0 [hbm:s6], $0xF7A  }
0x23: {  	s9 =	sor.u32 $0xD0000000, s2;
	s6 =	simm.s32 $0x108;
	_ =	swait.ge @!p0 [sflag:s8], $0x0  }
0x24: {  	s3 =	sadd.s32 $0x88, s3;
	s6 =	simm.s32 @!p1 $0x1082;
	[sflag:s4] =	ssyncset.s32 $0xFFFFF086  }
0x25: {  	[simem:s6], [sflag:s4] =	dma.local [hbm:s3], $0xF7A  }
0x26: {  	[smem:$0x3F9E] =	sst s1;
	(tag) =	ssettag s2;
	_ =	strace s9  }
0x27: {  	s1 =	sld [smem:$0x3FAE]  }
0x28: {  	s2 =	sld [smem:$0x3FAF]  }
0x29: {  	s4 =	sld [smem:$0x3FB1]  }
0x2a: {  	p0 =	seq.s32 s5, $0x0;
	s5 =	sld [smem:$0x3FB2]  }
0x2b: {  	s6 =	sld [smem:$0x3FB3]  }
0x2c: {  	s7 =	sld [smem:$0x3FB4]  }
0x2d: {  	s3 =	simm.s32 $0x108;
	s8 =	sld [smem:$0x3FB5]  }
0x2e: {  	s3 =	simm.s32 @!p0 $0x1082;
	s9 =	sld [smem:$0x3FB6]  }
0x2f: {  	lr =	sadd.s32 s0, s3;
	s0 =	sld [smem:$0x3FAD]  }
0x30: {  	s3 =	sld [smem:$0x3FB0]  }
0x31: {  	[smem:$0x3FB9] =	sst s10  }
0x32: {  	s10 =	sld [smem:$0x3FB7];
	_ =	sdelay $0x3  }
0x33: {  	p0 =	seq.s32 s10, $0x1;
	s10 =	sld [smem:$0x3FB9];
	_ =	sdelay $0x3  }
0x34: {  	[smem:$0x3FB9] =	sst s10  }
0x35: {  	s10 =	sld [smem:$0x3FB8];
	_ =	sdelay $0x3  }
0x36: {  	p1 =	seq.s32 s10, $0x1;
	s10 =	sld [smem:$0x3FB9];
	_ =	sdelay $0x3  }
0x37: {  	[smem:$0x3FB9] =	sst s10  }
0x38: {  	s10 =	sld [smem:$0x3FBA]  }
0x39: {  	_ = 	snop;
	(pc) =	sbr.ind lr, $3  }
0x3a: {  	_ = 	snop  }
0x3b: {  	_ = 	snop  }
0x3c: {  	p2 =	seq.s32 s10, $0x1;
	s10 =	sld [smem:$0x3FB9]  }
0x3d: {  	_ =	shalt  }
0x3e: {  	_ =	shalt  }
0x3f: {  	_ =	shalt  }
0x40: {  	_ =	shalt  }
0x41: {  	_ =	shalt  }
0x42: {  	_ =	shalt  }
0x43: {  	_ =	shalt  }
0x44: {  	_ =	shalt  }
0x45: {  	_ =	shalt  }
0x46: {  	_ =	shalt  }
0x47: {  	_ =	shalt  }
0x48: {  	_ =	shalt  }
0x49: {  	_ =	shalt  }
0x4a: {  	_ =	shalt  }
0x4b: {  	_ =	shalt  }
0x4c: {  	_ =	shalt  }
0x4d: {  	_ =	shalt  }
0x4e: {  	_ =	shalt  }
0x4f: {  	_ =	shalt  }
0x50: {  	_ =	shalt  }
0x51: {  	_ =	shalt  }
0x52: {  	_ =	shalt  }
0x53: {  	_ =	shalt  }
0x54: {  	_ =	shalt  }
0x55: {  	_ =	shalt  }
0x56: {  	_ =	shalt  }
0x57: {  	_ =	shalt  }
0x58: {  	_ =	shalt  }
0x59: {  	_ =	shalt  }
0x5a: {  	_ =	shalt  }
0x5b: {  	_ =	shalt  }
0x5c: {  	_ =	shalt  }
0x5d: {  	_ =	shalt  }
0x5e: {  	_ =	shalt  }
0x5f: {  	_ =	shalt  }
0x60: {  	_ =	shalt  }
0x61: {  	_ =	shalt  }
0x62: {  	_ =	shalt  }
0x63: {  	_ =	shalt  }
0x64: {  	_ =	shalt  }
0x65: {  	_ =	shalt  }
0x66: {  	_ =	shalt  }
0x67: {  	_ =	shalt  }
0x68: {  	_ =	shalt  }
0x69: {  	_ =	shalt  }
0x6a: {  	_ =	shalt  }
0x6b: {  	_ =	shalt  }
0x6c: {  	_ =	shalt  }
0x6d: {  	_ =	shalt  }
0x6e: {  	_ =	shalt  }
0x6f: {  	_ =	shalt  }
0x70: {  	_ =	shalt  }
0x71: {  	_ =	shalt  }
0x72: {  	_ =	shalt  }
0x73: {  	_ =	shalt  }
0x74: {  	_ =	shalt  }
0x75: {  	_ =	shalt  }
0x76: {  	_ =	shalt  }
0x77: {  	_ =	shalt  }
0x78: {  	_ =	shalt  }
0x79: {  	_ =	shalt  }
0x7a: {  	_ =	shalt  }
0x7b: {  	_ =	shalt  }
0x7c: {  	_ =	shalt  }
0x7d: {  	_ =	shalt  }
0x7e: {  	_ =	shalt  }
0x7f: {  	_ =	shalt  }
0x80: {  	_ =	shalt  }
0x81: {  	_ =	shalt  }
0x82: {  	_ =	shalt  }
0x83: {  	_ =	shalt  }
0x84: {  	_ =	shalt  }
0x85: {  	_ =	shalt  }
0x86: {  	_ =	shalt  }
0x87: {  	_ =	shalt  }
.Lfunc_end0:
.L_simem_size_0:
called_computation_lowered:
.L_overlay_start_0:
0x88: {  	s2 =	sld [smem:$0x3FD9]  }
0x89: {  	s3 =	sld [smem:$0x3FFE];
	_ =	sdelay $0x1  }
0x8a: {  	s1 =	srdreg.scid  }
0x8b: {  	s0 =	sand.u32 $0x1, s1  }
0x8c: {  	s17 =	sshll.u32 s0, $0xA;
	s2 =	sadd.s32 s3, s2  }
0x8d: {  	s2 =	sadd.s32 s2, s17  }
0x8e: {  	[smem:$0x3FC5] =	sst s2  }
0x8f: {  	_ = 	snop  }
0x90: {  	s2 =	sld [smem:$0x3FC9]  }
0x91: {  	s18 =	sld [smem:$0x3FC7]  }
0x92: {  	s4 =	sld [smem:$0x3FD0];
	(tm) =	ssettm $0x1  }
0x93: {  	s5 =	sld [smem:$0x3FFB];
	_ =	sdelay $0x3  }
0x94: {  	_ =	strace s5  }
0x95: {  	s5 =	sld [smem:$0x3FFC];
	_ =	sdelay $0x3  }
0x96: {  	_ =	strace s5  }
0x97: {  	s5 =	sld [smem:$0x3FFD];
	_ =	sdelay $0x3  }
0x98: {  	_ =	strace s5  }
0x99: {  	_ =	strace $0x8FFFFFFF  }
0x9a: {  	s19 =	sld [smem:$0x3FDB];
	_ =	sdelay $0x1  }
0x9b: {  	s6 =	simm.s32 $_scs_section_size  }
0x9c: {  	s7 =	simm.s32 $_size__tile_overlayer_lowered;
	s8 =	simm.s32 $_tile_overlayer_lowered  }
0x9d: {  	s22 =	simm.s32 $0x1BFF;
	s21 =	sshll.u32 s8, $0x1;
	s5 =	sadd.s32 s6, s19  }
0x9e: {  	s9 =	simm.s32 $0x0;
	s20 =	sshll.u32 s7, $0x1;
	s7 =	sadd.s32 s21, s5  }
0x9f: {  	[timem:s9], [sflag:s22] =	dma.local [hbm:s7], s20  }
0xa0: {  	_ =	swait.ge [sflag:s22], s20  }
0xa1: {  	s6 =	ssub.s32 $0x0, s20;
	[sflag:s22] =	ssyncset.done $0x0  }
0xa2: {  	[sflag:s22] =	ssyncadd.s32 s6;
	_ =	sdelay $0x1  }
0xa3: {  	s23 =	simm.s32 $0x1B8B  }
0xa4: {  	_ =	swait.ge [sflag:s23], $0x1  }
0xa5: {  	[sflag:s23] =	ssyncset.done $0x0  }
0xa6: {  	s25 =	simm.s32 $0x1B8E;
	s24 =	sld [smem:$0x3FFE];
	[sflag:s23] =	ssyncadd.s32 $0xFFFFFFFF  }
0xa7: {  	s26 =	simm.s32 $execute0_lowered;
	[smem:$0x3FD2] =	sst s25  }
0xa8: {  	s7 =	sshll.u32 s26, $0x1;
	_ =	strace $0x80000046;
	[dreg:$0x1] =	wrdreg $0xFFFFFFFF  }
0xa9: {  	s28 =	simm.s32 $_size_execute0_lowered;
	s5 =	sadd.s32 s5, s7;
	[dreg:$0x0] =	wrdreg $0x0  }
0xaa: {  	s7 =	sshll.u32 s28, $0x1;
	[dreg:$0x2] =	wrdreg s5  }
0xab: {  	[dreg:$0x3] =	wrdreg s7  }
0xac: {  	[dreg:$0x4] =	wrdreg $0xC0  }
0xad: {  	_ =	task [dreg:s9], $0x5FFFF  }
0xae: {  	[dreg:$0x1] =	wrdreg $0xFFFFFFFF  }
0xaf: {  	[dreg:$0x0] =	wrdreg $0x60  }
0xb0: {  	[dreg:$0x2] =	wrdreg s24  }
0xb1: {  	[dreg:$0x3] =	wrdreg s2  }
0xb2: {  	[dreg:$0x4] =	wrdreg s18  }
0xb3: {  	[dreg:$0x5] =	wrdreg s4  }
0xb4: {  	[dreg:$0x6] =	wrdreg $0x1D3800  }
0xb5: {  	[dreg:$0x7] =	wrdreg $0x1F3800  }
0xb6: {  	[dreg:$0x8] =	wrdreg $0x9  }
0xb7: {  	_ =	task.clear_ibuf [dreg:s9], $0x9FFFF;
	_ =	strace $0x90000046  }
0xb8: {  	s29 =	simm.s32 $0x9;
	_ =	strace $0x80000048  }
0xb9: {  	_ =	swait.ge [sflag:s29], $0x1  }
0xba: {  	[sflag:s29] =	ssyncadd.s32 $0xFFFFFFFF  }
0xbb: {  	_ =	strace $0x90000048  }
0xbc: {  	_ =	sfence  }
0xbd: {  	s30 =	sld [smem:$0x0];
	_ =	sdelay $0x2  }
0xbe: {  	s31 =	sshll.u32 s1, $0xD;
	s1 =	sshrl.u32 s1, $0x2  }
0xbf: {  	s3 =	sand.u32 $0x4000, s31;
	s1 =	sadd.s32 s1, s30  }
0xc0: {  	s0 =	sor.u32 s3, s0;
	s1 =	sshll.u32 s1, $0x11  }
0xc1: {  	s0 =	sor.u32 s1, s0  }
0xc2: {  	s0 =	sadd.s32 $0x8F2B, s0  }
0xc3: {  	[sflag:s0] =	ssyncadd.remote.s32 $0x1  }
0xc4: {  	_ =	sfence.sel $0xFFFF  }
0xc5: {  	[dreg:$0x0] =	wrdreg $0xFFFFFFFF;
	(pc) =	sbr.abs _section_cstart, $3  }
0xc6: {  	[dreg:$0x1] =	wrdreg $0xFFFFFFFF  }
0xc7: {  	_ =	task.clear_ibuf [dreg:s9], $0x2FFFF;
	_ =	strace $0x9FFFFFFF  }
0xc8: {  	(tm) =	ssettm $0x7FFFFFFF  }
0xc9: {  	_ =	shalt  }
tec
execute0_lowered:
.L_overlay_start_1:
0x0: {  	(tag) =	ssettag $0x1  }
0x1: {  	s6 =	rddreg [dreg:$0x0]  }
0x2: {  	s2 =	srdreg.scid;
	s0 =	stileid.u32  }
0x3: {  	s1 =	rddreg [dreg:$0x3];
	s2 =	sand.u32 $0x1, s2;
	s5 =	sshll.u32 s0, $0x1  }
0x4: {  	s4 =	rddreg [dreg:$0x5];
	s10 =	smul.u32 $0x4E20, s0;
	s7 =	sor.u32 s2, s5  }
0x5: {  	s5 =	simm.s32 $0x0;
	s30 =	ssub.s32 $0x2, s2;
	s14 =	smul.u32 $0x2710, s2  }
0x6: {  	s9 =	smul.u32 $0x2710, s7;
	[smem:$0x7FF] =	sst s5;
	s12 =	sshrl.u32 s30, $0x1  }
0x7: {  	s8 =	sadd.s32 $0x9E00, s6;
	_ =	strace $0x80000047;
	s7 =	ssub.s32 s30, s12  }
0x8: {  	s10 =	sadd.s32 s14, s10;
	s11 =	sadd.s32 $0x25D0, s9;
	s12 =	sadd.s32 $0x2620, s9  }
0x9: {  	s14 =	sadd.s32 $0x320, s10;
	s7 =	smax.u32 s7, $0x1;
	s13 =	sshrl.u32 s11, $0x3  }
0xa: {  	s19 =	sadd.s32 $0x2D0, s10;
	[smem:$0x7F1] =	sst s7;
	s3 =	sadd.s32 s8, s13  }
0xb: {  	s11 =	sshll.u32 s11, $0x4;
	s13 =	sadd.s32 s6, s13;
	[smem:$0x7DE] =	sst s3  }
0xc: {  	s15 =	sshrl.u32 s12, $0x3;
	s11 =	sadd.s32 s1, s11;
	[smem:$0x7DF] =	sst s13  }
0xd: {  	s17 =	sshrl.u32 s14, $0x3;
	s16 =	sadd.s32 s8, s15;
	[smem:$0x7E0] =	sst s11  }
0xe: {  	s20 =	sshrl.u32 s19, $0x3;
	s18 =	sadd.s32 s17, s6;
	[smem:$0x7E1] =	sst s16  }
0xf: {  	s22 =	sadd.s32 $0x280, s10;
	s21 =	sadd.s32 s20, s6;
	[dreg:$0x7] =	wrdreg s18  }
0x10: {  	s24 =	sshrl.u32 s22, $0x3;
	s23 =	sadd.s32 s20, s8;
	[dreg:$0x9] =	wrdreg s21  }
0x11: {  	s26 =	sadd.s32 $0x230, s10;
	s25 =	sadd.s32 s24, s6;
	[dreg:$0xa] =	wrdreg s23  }
0x12: {  	s29 =	sshrl.u32 s26, $0x3;
	s28 =	sadd.s32 s24, s8;
	[dreg:$0xb] =	wrdreg s25  }
0x13: {  	s12 =	sshll.u32 s12, $0x4;
	s30 =	sadd.s32 s29, s6;
	[dreg:$0xc] =	wrdreg s28  }
0x14: {  	s12 =	sadd.s32 s1, s12;
	[dreg:$0xd] =	wrdreg s30  }
0x15: {  	s13 =	sadd.s32 s6, s15;
	[smem:$0x7E3] =	sst s12  }
0x16: {  	s22 =	sadd.s32 $0x140, s10;
	s11 =	sadd.s32 s17, s8;
	[smem:$0x7E2] =	sst s13  }
0x17: {  	s24 =	sshrl.u32 s22, $0x3;
	s15 =	sadd.s32 s29, s8;
	[dreg:$0x8] =	wrdreg s11  }
0x18: {  	s25 =	sadd.s32 s24, s6;
	[dreg:$0xe] =	wrdreg s15  }
0x19: {  	s28 =	sadd.s32 s24, s8;
	[dreg:$0x13] =	wrdreg s25  }
0x1a: {  	s26 =	sadd.s32 $0xF0, s10;
	s24 =	simm.s32 $0xD00;
	[dreg:$0x14] =	wrdreg s28  }
0x1b: {  	s29 =	sshrl.u32 s26, $0x3;
	s26 =	simm.s32 $0x1280;
	[dreg:$0x1d] =	wrdreg s24  }
0x1c: {  	s30 =	sadd.s32 s29, s6;
	[dreg:$0x1e] =	wrdreg s26  }
0x1d: {  	s13 =	sadd.s32 s29, s8;
	[dreg:$0x15] =	wrdreg s30  }
0x1e: {  	s28 =	simm.s32 $0xD80;
	[dreg:$0x16] =	wrdreg s13  }
0x1f: {  	s3 =	sadd.s32 $0x1E0, s10;
	s24 =	simm.s32 $0x1880;
	[dreg:$0x1f] =	wrdreg s28  }
0x20: {  	s16 =	sshrl.u32 s3, $0x3;
	s26 =	simm.s32 $0x1980;
	[smem:$0x7F8] =	sst s24  }
0x21: {  	s18 =	sadd.s32 $0x190, s10;
	s17 =	sadd.s32 s16, s6;
	[smem:$0x7FA] =	sst s26  }
0x22: {  	s20 =	sshrl.u32 s18, $0x3;
	s19 =	sadd.s32 s16, s8;
	[dreg:$0xf] =	wrdreg s17  }
0x23: {  	s21 =	sadd.s32 s20, s6;
	[dreg:$0x10] =	wrdreg s19  }
0x24: {  	s23 =	sadd.s32 s20, s8;
	[dreg:$0x11] =	wrdreg s21  }
0x25: {  	s3 =	sadd.s32 $0xA0, s10;
	s30 =	simm.s32 $0x1300;
	[dreg:$0x12] =	wrdreg s23  }
0x26: {  	s14 =	sshrl.u32 s3, $0x3;
	s3 =	simm.s32 $0xE00;
	[smem:$0x7E7] =	sst s30  }
0x27: {  	s13 =	simm.s32 $0xE80;
	[smem:$0x7E8] =	sst s3  }
0x28: {  	s28 =	simm.s32 $0x1A00;
	[smem:$0x7EB] =	sst s13  }
0x29: {  	s16 =	sadd.s32 $0x50, s10;
	s15 =	sadd.s32 s14, s6;
	[smem:$0x7FB] =	sst s28  }
0x2a: {  	s10 =	sshrl.u32 s10, $0x3;
	s17 =	sadd.s32 s14, s8;
	[dreg:$0x17] =	wrdreg s15  }
0x2b: {  	s21 =	sadd.s32 s10, s6;
	[dreg:$0x18] =	wrdreg s17  }
0x2c: {  	s22 =	sadd.s32 $0x2670, s9;
	s10 =	sadd.s32 s10, s8;
	[dreg:$0x1b] =	wrdreg s21  }
0x2d: {  	s29 =	sshll.u32 s22, $0x4;
	s14 =	simm.s32 $0x1400;
	[dreg:$0x1c] =	wrdreg s10  }
0x2e: {  	s23 =	sshrl.u32 s22, $0x3;
	s22 =	simm.s32 $0x1580;
	[smem:$0x7ED] =	sst s14  }
0x2f: {  	s18 =	sshrl.u32 s16, $0x3;
	s30 =	simm.s32 $0x1B00;
	[smem:$0x7F5] =	sst s22  }
0x30: {  	s19 =	sadd.s32 s18, s6;
	[smem:$0x7FD] =	sst s30  }
0x31: {  	s20 =	sadd.s32 s18, s8;
	[dreg:$0x19] =	wrdreg s19  }
0x32: {  	s9 =	sadd.s32 $0x26C0, s9;
	s25 =	sadd.s32 s8, s23;
	[dreg:$0x1a] =	wrdreg s20  }
0x33: {  	s12 =	sshrl.u32 s9, $0x3;
	s11 =	sadd.s32 s6, s23;
	[smem:$0x7E4] =	sst s25  }
0x34: {  	s8 =	sadd.s32 s8, s12;
	[smem:$0x7E5] =	sst s11  }
0x35: {  	s6 =	sadd.s32 s6, s12;
	[smem:$0x7EA] =	sst s8  }
0x36: {  	s15 =	simm.s32 $0xF00;
	[smem:$0x7EC] =	sst s6  }
0x37: {  	s17 =	simm.s32 $0x1480;
	[smem:$0x7EE] =	sst s15  }
0x38: {  	s31 =	simm.s32 $0xA00;
	s18 =	simm.s32 $0xF80;
	[smem:$0x7F0] =	sst s17  }
0x39: {  	p0 =	sne.s32 s0, $0x0;
	s21 =	simm.s32 $0x1000;
	[smem:$0x7F2] =	sst s18  }
0x3a: {  	s2 =	smul.u32 $0x27100, s2;
	s23 =	simm.s32 $0x1800;
	[smem:$0x7F4] =	sst s21  }
0x3b: {  	s16 =	sshll.u32 s9, $0x4;
	s11 =	sadd.s32 s1, s29;
	[smem:$0x7F6] =	sst s23  }
0x3c: {  	s14 =	simm.s32 $0x50;
	s8 =	sadd.s32 s1, s16;
	[smem:$0x7E6] =	sst s11  }
0x3d: {  	s19 =	simm.s32 $0x1500;
	s20 =	smul.u32 $0x4E200, s0;
	[smem:$0x7EF] =	sst s8  }
0x3e: {  	s25 =	simm.s32 $0x1900;
	s29 =	simm.s32 $0x1A80;
	[smem:$0x7F3] =	sst s19  }
0x3f: {  	s17 =	simm.s32 $0x1;
	[smem:$0x7F9] =	sst s25;
	s1 =	sadd.s32 s20, s1  }
0x40: {  	s11 =	simm.s32 $0x1380;
	[smem:$0x7FC] =	sst s29;
	s1 =	sadd.s32 s2, s1  }
0x41: {  	s15 =	simm.s32 $0x2;
	[smem:$0x7E9] =	sst s11;
	s1 =	sadd.s32 $0x3200, s1  }
0x42: {  	s19 =	simm.s32 $0x3;
	[smem:$0x7F7] =	sst s1;
	s1 =	simm.s32 $0x0  }
.LBB2_1:
0x43: {  	[smem:$0x7DD] =	sst s1  }
0x44: {  	s0 =	rddreg [dreg:$0x4]  }
0x45: {  	s23 =	simm.s32 @!p0 $0x1C17;
	s24 =	rddreg [dreg:$0x2];
	s22 =	sshrl.u32 @!p0 s0, $0x3  }
0x46: {  	[spmem:s22], [sflag:s23] =	dma.local @!p0 [hbm:s24], $0x4000  }
0x47: {  	s22 =	simm.s32 @!p0 $0x17  }
0x48: {  	_ =	swait.ge @!p0 [sflag:s22], $0x4000  }
0x49: {  	[sflag:s22] =	ssyncset.done @!p0 $0x0  }
0x4a: {  	[sflag:s22] =	ssyncadd.s32 @!p0 $0xFFFFC000  }
0x4b: {  	s24 =	sshrl.u32 @!p0 s4, $0x3;
	s25 =	rddreg [dreg:$0x1]  }
0x4c: {  	[spmem:s24], [sflag:s23] =	dma.local @!p0 [hbm:s25], $0x4F0  }
0x4d: {  	_ =	swait.ge @!p0 [sflag:s22], $0x4F0  }
0x4e: {  	[sflag:s22] =	ssyncset.done @!p0 $0x0  }
0x4f: {  	[sflag:s22] =	ssyncadd.s32 @!p0 $0xFFFFFB10  }
0x50: {  	[bflag:$0x0] =	sbarrier.arrive $0xFFFF  }
0x51: {  	s23 =	simm.s32 $0x0;
	s22 =	sld [smem:$0x7F7]  }
.LBB2_2:
0x52: {  	s24 =	rddreg [dreg:$0x1c]  }
0x53: {  	s25 =	rddreg [dreg:$0x1b];
	s24 =	sadd.s32 s23, s24  }
0x54: {  	[tilespmem:s5], [sflag:$0x1] =	stream.linear.gather [hbm4b:s24+s5], $0x50, $0x38;
	[tilespmem:$0x1F5F8] =	vst v63  }
0x55: {  	s20 =	rddreg [dreg:$0x1a];
	s6 =	simm.s32 $0x580;
	s18 =	sadd.s32 s23, s25  }
0x56: {  	[tilespmem:s6], [sflag:$0x1] =	stream.linear.gather [hbm4b:s18+s5], $0x50, $0x38;
	[tilespmem:$0x1F5F8] =	vst v63  }
0x57: {  	s21 =	rddreg [dreg:$0x19];
	s1 =	simm.s32 $0x80;
	s25 =	sadd.s32 s23, s20  }
0x58: {  	[tilespmem:s1], [sflag:$0x2] =	stream.linear.gather [hbm4b:s25+s5], $0x50, $0x38;
	[tilespmem:$0x1F5F8] =	vst v63  }
0x59: {  	s26 =	rddreg [dreg:$0x18];
	s0 =	simm.s32 $0x600;
	s24 =	sadd.s32 s23, s21  }
0x5a: {  	[tilespmem:s0], [sflag:$0x2] =	stream.linear.gather [hbm4b:s24+s5], $0x50, $0x38;
	[tilespmem:$0x1F5F8] =	vst v63  }
0x5b: {  	s28 =	rddreg [dreg:$0x17];
	s21 =	simm.s32 $0x100;
	s25 =	sadd.s32 s23, s26  }
0x5c: {  	[tilespmem:s21], [sflag:$0x3] =	stream.linear.gather [hbm4b:s25+s5], $0x50, $0x38;
	[tilespmem:$0x1F5F8] =	vst v63  }
0x5d: {  	s29 =	rddreg [dreg:$0x16];
	s26 =	simm.s32 $0x680;
	s24 =	sadd.s32 s23, s28  }
0x5e: {  	[tilespmem:s26], [sflag:$0x3] =	stream.linear.gather [hbm4b:s24+s5], $0x50, $0x38;
	[tilespmem:$0x1F5F8] =	vst v63  }
0x5f: {  	s30 =	rddreg [dreg:$0x15];
	s8 =	simm.s32 $0x180;
	s25 =	sadd.s32 s23, s29  }
0x60: {  	[tilespmem:s8], [sflag:$0x4] =	stream.linear.gather [hbm4b:s25+s5], $0x50, $0x38;
	[tilespmem:$0x1F5F8] =	vst v63  }
0x61: {  	s2 =	rddreg [dreg:$0x14];
	s9 =	simm.s32 $0x700;
	s24 =	sadd.s32 s23, s30  }
0x62: {  	[tilespmem:s9], [sflag:$0x4] =	stream.linear.gather [hbm4b:s24+s5], $0x50, $0x38;
	[tilespmem:$0x1F5F8] =	vst v63  }
0x63: {  	s3 =	rddreg [dreg:$0x13];
	s7 =	simm.s32 $0x200;
	s25 =	sadd.s32 s23, s2  }
0x64: {  	[tilespmem:s7], [sflag:$0x5] =	stream.linear.gather [hbm4b:s25+s5], $0x50, $0x38;
	[tilespmem:$0x1F5F8] =	vst v63  }
0x65: {  	s10 =	rddreg [dreg:$0x12];
	s20 =	simm.s32 $0x780;
	s24 =	sadd.s32 s23, s3  }
0x66: {  	[tilespmem:s20], [sflag:$0x5] =	stream.linear.gather [hbm4b:s24+s5], $0x50, $0x38;
	[tilespmem:$0x1F5F8] =	vst v63  }
0x67: {  	s11 =	rddreg [dreg:$0x11];
	s12 =	simm.s32 $0x280;
	s25 =	sadd.s32 s23, s10  }
0x68: {  	[tilespmem:s12], [sflag:$0x6] =	stream.linear.gather [hbm4b:s25+s5], $0x50, $0x38;
	[tilespmem:$0x1F5F8] =	vst v63  }
0x69: {  	s13 =	rddreg [dreg:$0x10];
	s24 =	sadd.s32 s23, s11;
	s11 =	simm.s32 $0x800  }
0x6a: {  	[tilespmem:s11], [sflag:$0x6] =	stream.linear.gather [hbm4b:s24+s5], $0x50, $0x38;
	[tilespmem:$0x1F5F8] =	vst v63  }
0x6b: {  	s16 =	rddreg [dreg:$0xf];
	s10 =	simm.s32 $0x300;
	s25 =	sadd.s32 s23, s13  }
0x6c: {  	[tilespmem:s10], [sflag:$0x7] =	stream.linear.gather [hbm4b:s25+s5], $0x50, $0x38;
	[tilespmem:$0x1F5F8] =	vst v63  }
0x6d: {  	s18 =	rddreg [dreg:$0xe];
	s3 =	simm.s32 $0x880;
	s24 =	sadd.s32 s23, s16  }
0x6e: {  	[tilespmem:s3], [sflag:$0x7] =	stream.linear.gather [hbm4b:s24+s5], $0x50, $0x38;
	[tilespmem:$0x1F5F8] =	vst v63  }
0x6f: {  	s28 =	rddreg [dreg:$0xd];
	s16 =	simm.s32 $0x380;
	s25 =	sadd.s32 s23, s18  }
0x70: {  	[tilespmem:s16], [sflag:$0x8] =	stream.linear.gather [hbm4b:s25+s5], $0x50, $0x38;
	[tilespmem:$0x1F5F8] =	vst v63  }
0x71: {  	s29 =	rddreg [dreg:$0xc];
	s18 =	simm.s32 $0x900;
	s24 =	sadd.s32 s23, s28  }
0x72: {  	[tilespmem:s18], [sflag:$0x8] =	stream.linear.gather [hbm4b:s24+s5], $0x50, $0x38;
	[tilespmem:$0x1F5F8] =	vst v63  }
0x73: {  	s30 =	rddreg [dreg:$0xb];
	s28 =	simm.s32 $0x400;
	s25 =	sadd.s32 s23, s29  }
0x74: {  	[tilespmem:s28], [sflag:$0x9] =	stream.linear.gather [hbm4b:s25+s5], $0x50, $0x38;
	[tilespmem:$0x1F5F8] =	vst v63  }
0x75: {  	s2 =	rddreg [dreg:$0xa];
	s29 =	simm.s32 $0x980;
	s24 =	sadd.s32 s23, s30  }
0x76: {  	[tilespmem:s29], [sflag:$0x9] =	stream.linear.gather [hbm4b:s24+s5], $0x50, $0x38;
	[tilespmem:$0x1F5F8] =	vst v63  }
0x77: {  	s13 =	rddreg [dreg:$0x9];
	s30 =	simm.s32 $0x480;
	s25 =	sadd.s32 s23, s2  }
0x78: {  	[tilespmem:s30], [sflag:$0xA] =	stream.linear.gather [hbm4b:s25+s5], $0x50, $0x38;
	[tilespmem:$0x1F5F8] =	vst v63  }
0x79: {  	s2 =	rddreg [dreg:$0x8];
	s24 =	sadd.s32 s23, s13  }
0x7a: {  	[tilespmem:s31], [sflag:$0xA] =	stream.linear.gather [hbm4b:s24+s5], $0x50, $0x38;
	[tilespmem:$0x1F5F8] =	vst v63  }
0x7b: {  	s13 =	rddreg [dreg:$0x7];
	s25 =	sadd.s32 s23, s2;
	s2 =	simm.s32 $0x500  }
0x7c: {  	[tilespmem:s2], [sflag:$0xB] =	stream.linear.gather [hbm4b:s25+s5], $0x50, $0x38;
	[tilespmem:$0x1F5F8] =	vst v63  }
0x7d: {  	s24 =	sadd.s32 s23, s13;
	s13 =	simm.s32 $0xA80  }
0x7e: {  	[tilespmem:s13], [sflag:$0xB] =	stream.linear.gather [hbm4b:s24+s5], $0x50, $0x38;
	[tilespmem:$0x1F5F8] =	vst v63  }
0x7f: {  	_ =	swait.ge [sflag:s17], $0x50  }
0x80: {  	[sflag:s17] =	ssyncset.done $0x0  }
0x81: {  	[sflag:s17] =	ssyncadd.s32 $0xFFFFFFB0  }
0x82: {  	_ =	swait.ge [sflag:s17], $0x50  }
0x83: {  	[sflag:s17] =	ssyncset.done $0x0  }
0x84: {  	s25 =	simm.s32 $0xB00;
	[sflag:s17] =	ssyncadd.s32 $0xFFFFFFB0  }
0x85: {  	[tilespmem:s25], [sflag:$0x1] =	stream.indirect.gather [spmem:s4], $0x1, s5, s14, $0xb8;
	[tilespmem:$0x1F5F8] =	vst v63  }
0x86: {  	s25 =	simm.s32 $0x1080  }
0x87: {  	[tilespmem:s25], [sflag:$0x1] =	stream.indirect.gather [spmem:s4], $0x1, s6, s14, $0xb8;
	[tilespmem:$0x1F5F8] =	vst v63  }
0x88: {  	_ =	swait.ge [sflag:s15], $0x50  }
0x89: {  	[sflag:s15] =	ssyncset.done $0x0  }
0x8a: {  	[sflag:s15] =	ssyncadd.s32 $0xFFFFFFB0  }
0x8b: {  	_ =	swait.ge [sflag:s15], $0x50  }
0x8c: {  	[sflag:s15] =	ssyncset.done $0x0  }
0x8d: {  	s6 =	simm.s32 $0xB80;
	[sflag:s15] =	ssyncadd.s32 $0xFFFFFFB0  }
0x8e: {  	[tilespmem:s6], [sflag:$0x2] =	stream.indirect.gather [spmem:s4], $0x1, s1, s14, $0xb8;
	[tilespmem:$0x1F5F8] =	vst v63  }
0x8f: {  	s25 =	simm.s32 $0x1100  }
0x90: {  	[tilespmem:s25], [sflag:$0x2] =	stream.indirect.gather [spmem:s4], $0x1, s0, s14, $0xb8;
	[tilespmem:$0x1F5F8] =	vst v63  }
0x91: {  	_ =	swait.ge [sflag:s19], $0x50  }
0x92: {  	[sflag:s19] =	ssyncset.done $0x0  }
0x93: {  	[sflag:s19] =	ssyncadd.s32 $0xFFFFFFB0  }
0x94: {  	_ =	swait.ge [sflag:s19], $0x50  }
0x95: {  	[sflag:s19] =	ssyncset.done $0x0  }
0x96: {  	s1 =	simm.s32 $0xC00;
	[sflag:s19] =	ssyncadd.s32 $0xFFFFFFB0  }
0x97: {  	[tilespmem:s1], [sflag:$0x3] =	stream.indirect.gather [spmem:s4], $0x1, s21, s14, $0xb8;
	[tilespmem:$0x1F5F8] =	vst v63  }
0x98: {  	s6 =	simm.s32 $0x1180  }
0x99: {  	[tilespmem:s6], [sflag:$0x3] =	stream.indirect.gather [spmem:s4], $0x1, s26, s14, $0xb8;
	[tilespmem:$0x1F5F8] =	vst v63  }
0x9a: {  	s26 =	simm.s32 $0x4  }
0x9b: {  	_ =	swait.ge [sflag:s26], $0x50  }
0x9c: {  	[sflag:s26] =	ssyncset.done $0x0  }
0x9d: {  	[sflag:s26] =	ssyncadd.s32 $0xFFFFFFB0  }
0x9e: {  	_ =	swait.ge [sflag:s26], $0x50  }
0x9f: {  	[sflag:s26] =	ssyncset.done $0x0  }
0xa0: {  	s21 =	simm.s32 $0xC80;
	[sflag:s26] =	ssyncadd.s32 $0xFFFFFFB0  }
0xa1: {  	[tilespmem:s21], [sflag:$0x4] =	stream.indirect.gather [spmem:s4], $0x1, s8, s14, $0xb8;
	[tilespmem:$0x1F5F8] =	vst v63  }
0xa2: {  	s25 =	simm.s32 $0x1200;
	s6 =	simm.s32 $0x5  }
0xa3: {  	[tilespmem:s25], [sflag:$0x4] =	stream.indirect.gather [spmem:s4], $0x1, s9, s14, $0xb8;
	[tilespmem:$0x1F5F8] =	vst v63  }
0xa4: {  	_ =	swait.ge [sflag:s6], $0x50  }
0xa5: {  	[sflag:s6] =	ssyncset.done $0x0  }
0xa6: {  	[sflag:s6] =	ssyncadd.s32 $0xFFFFFFB0  }
0xa7: {  	_ =	swait.ge [sflag:s6], $0x50  }
0xa8: {  	[sflag:s6] =	ssyncset.done $0x0  }
0xa9: {  	s0 =	rddreg [dreg:$0x1d];
	[sflag:s6] =	ssyncadd.s32 $0xFFFFFFB0  }
0xaa: {  	[tilespmem:s0], [sflag:$0x5] =	stream.indirect.gather [spmem:s4], $0x1, s7, s14, $0xb8;
	[tilespmem:$0x1F5F8] =	vst v63  }
0xab: {  	s1 =	rddreg [dreg:$0x1e];
	s7 =	simm.s32 $0x6  }
0xac: {  	[tilespmem:s1], [sflag:$0x5] =	stream.indirect.gather [spmem:s4], $0x1, s20, s14, $0xb8;
	[tilespmem:$0x1F5F8] =	vst v63  }
0xad: {  	_ =	swait.ge [sflag:s7], $0x50  }
0xae: {  	[sflag:s7] =	ssyncset.done $0x0  }
0xaf: {  	[sflag:s7] =	ssyncadd.s32 $0xFFFFFFB0  }
0xb0: {  	_ =	swait.ge [sflag:s7], $0x50  }
0xb1: {  	s8 =	rddreg [dreg:$0x1f];
	[sflag:s7] =	ssyncset.done $0x0  }
0xb2: {  	s9 =	sld [smem:$0x7E7];
	[sflag:s7] =	ssyncadd.s32 $0xFFFFFFB0  }
0xb3: {  	[tilespmem:s8], [sflag:$0x6] =	stream.indirect.gather [spmem:s4], $0x1, s12, s14, $0xb8;
	[tilespmem:$0x1F5F8] =	vst v63  }
0xb4: {  	_ = 	snop  }
0xb5: {  	[tilespmem:s9], [sflag:$0x6] =	stream.indirect.gather [spmem:s4], $0x1, s11, s14, $0xb8;
	[tilespmem:$0x1F5F8] =	vst v63  }
0xb6: {  	s11 =	simm.s32 $0x7  }
0xb7: {  	_ =	swait.ge [sflag:s11], $0x50  }
0xb8: {  	[sflag:s11] =	ssyncset.done $0x0  }
0xb9: {  	[sflag:s11] =	ssyncadd.s32 $0xFFFFFFB0  }
0xba: {  	_ =	swait.ge [sflag:s11], $0x50  }
0xbb: {  	s20 =	sld [smem:$0x7E8]  }
0xbc: {  	[sflag:s11] =	ssyncset.done $0x0  }
0xbd: {  	s21 =	sld [smem:$0x7E9];
	[sflag:s11] =	ssyncadd.s32 $0xFFFFFFB0  }
0xbe: {  	[tilespmem:s20], [sflag:$0x7] =	stream.indirect.gather [spmem:s4], $0x1, s10, s14, $0xb8;
	[tilespmem:$0x1F5F8] =	vst v63  }
0xbf: {  	s10 =	simm.s32 $0x8  }
0xc0: {  	[tilespmem:s21], [sflag:$0x7] =	stream.indirect.gather [spmem:s4], $0x1, s3, s14, $0xb8;
	[tilespmem:$0x1F5F8] =	vst v63  }
0xc1: {  	_ =	swait.ge [sflag:s10], $0x50  }
0xc2: {  	[sflag:s10] =	ssyncset.done $0x0  }
0xc3: {  	[sflag:s10] =	ssyncadd.s32 $0xFFFFFFB0  }
0xc4: {  	_ =	swait.ge [sflag:s10], $0x50  }
0xc5: {  	s25 =	sld [smem:$0x7EB]  }
0xc6: {  	[sflag:s10] =	ssyncset.done $0x0  }
0xc7: {  	s0 =	sld [smem:$0x7ED];
	[sflag:s10] =	ssyncadd.s32 $0xFFFFFFB0  }
0xc8: {  	[tilespmem:s25], [sflag:$0x8] =	stream.indirect.gather [spmem:s4], $0x1, s16, s14, $0xb8;
	[tilespmem:$0x1F5F8] =	vst v63  }
0xc9: {  	s12 =	simm.s32 $0x9  }
0xca: {  	[tilespmem:s0], [sflag:$0x8] =	stream.indirect.gather [spmem:s4], $0x1, s18, s14, $0xb8;
	[tilespmem:$0x1F5F8] =	vst v63  }
0xcb: {  	_ =	swait.ge [sflag:s12], $0x50  }
0xcc: {  	[sflag:s12] =	ssyncset.done $0x0  }
0xcd: {  	[sflag:s12] =	ssyncadd.s32 $0xFFFFFFB0  }
0xce: {  	_ =	swait.ge [sflag:s12], $0x50  }
0xcf: {  	s1 =	sld [smem:$0x7EE]  }
0xd0: {  	[sflag:s12] =	ssyncset.done $0x0  }
0xd1: {  	s3 =	sld [smem:$0x7F0];
	[sflag:s12] =	ssyncadd.s32 $0xFFFFFFB0  }
0xd2: {  	[tilespmem:s1], [sflag:$0x9] =	stream.indirect.gather [spmem:s4], $0x1, s28, s14, $0xb8;
	[tilespmem:$0x1F5F8] =	vst v63  }
0xd3: {  	s16 =	simm.s32 $0xA  }
0xd4: {  	[tilespmem:s3], [sflag:$0x9] =	stream.indirect.gather [spmem:s4], $0x1, s29, s14, $0xb8;
	[tilespmem:$0x1F5F8] =	vst v63  }
0xd5: {  	_ =	swait.ge [sflag:s16], $0x50  }
0xd6: {  	[sflag:s16] =	ssyncset.done $0x0  }
0xd7: {  	[sflag:s16] =	ssyncadd.s32 $0xFFFFFFB0  }
0xd8: {  	_ =	swait.ge [sflag:s16], $0x50  }
0xd9: {  	s8 =	sld [smem:$0x7F2]  }
0xda: {  	[sflag:s16] =	ssyncset.done $0x0  }
0xdb: {  	s9 =	sld [smem:$0x7F3];
	[sflag:s16] =	ssyncadd.s32 $0xFFFFFFB0  }
0xdc: {  	[tilespmem:s8], [sflag:$0xA] =	stream.indirect.gather [spmem:s4], $0x1, s30, s14, $0xb8;
	[tilespmem:$0x1F5F8] =	vst v63  }
0xdd: {  	s18 =	simm.s32 $0xB  }
0xde: {  	[tilespmem:s9], [sflag:$0xA] =	stream.indirect.gather [spmem:s4], $0x1, s31, s14, $0xb8;
	[tilespmem:$0x1F5F8] =	vst v63  }
0xdf: {  	_ =	swait.ge [sflag:s18], $0x50  }
0xe0: {  	[sflag:s18] =	ssyncset.done $0x0  }
0xe1: {  	[sflag:s18] =	ssyncadd.s32 $0xFFFFFFB0  }
0xe2: {  	_ =	swait.ge [sflag:s18], $0x50  }
0xe3: {  	s20 =	sld [smem:$0x7F4]  }
0xe4: {  	[sflag:s18] =	ssyncset.done $0x0  }
0xe5: {  	s21 =	sld [smem:$0x7F5];
	[sflag:s18] =	ssyncadd.s32 $0xFFFFFFB0  }
0xe6: {  	[tilespmem:s20], [sflag:$0xB] =	stream.indirect.gather [spmem:s4], $0x1, s2, s14, $0xb8;
	[tilespmem:$0x1F5F8] =	vst v63  }
0xe7: {  	_ = 	snop  }
0xe8: {  	[tilespmem:s21], [sflag:$0xB] =	stream.indirect.gather [spmem:s4], $0x1, s13, s14, $0xb8;
	[tilespmem:$0x1F5F8] =	vst v63  }
0xe9: {  	_ =	swait.ge [sflag:s17], $0x50  }
0xea: {  	[sflag:s17] =	ssyncset.done $0x0  }
0xeb: {  	[sflag:s17] =	ssyncadd.s32 $0xFFFFFFB0  }
0xec: {  	_ =	swait.ge [sflag:s17], $0x50  }
0xed: {  	[sflag:s17] =	ssyncset.done $0x0  }
0xee: {  	[sflag:s17] =	ssyncadd.s32 $0xFFFFFFB0  }
0xef: {  	v0 =	vld [tilespmem:$0xB00]  }
0xf0: {  	v1 =	vld [tilespmem:$0x1080]  }
0xf1: {  	v2 =	vld [tilespmem:$0xB10]  }
0xf2: {  	v3 =	vld [tilespmem:$0x1090]  }
0xf3: {  	v4 =	vld [tilespmem:$0xB20]  }
0xf4: {  	v5 =	vld [tilespmem:$0x10A0]  }
0xf5: {  	v6 =	vld [tilespmem:$0xB30]  }
0xf6: {  	v7 =	vld [tilespmem:$0x10B0]  }
0xf7: {  	v8 =	vld [tilespmem:$0xB40]  }
0xf8: {  	v9 =	vld [tilespmem:$0x10C0];
	v0 =	vshll.u32 v0, $0x5  }
0xf9: {  	v32 =	vshll.u32 v2, $0x5;
	v0 =	vadd.s32 v1, v0  }
0xfa: {  	v34 =	vshll.u32 v4, $0x5;
	v33 =	vadd.s32 v3, v32;
	[tilespmem:$0x1600] =	vst v0  }
0xfb: {  	v36 =	vshll.u32 v6, $0x5;
	v35 =	vadd.s32 v5, v34;
	[tilespmem:$0x1610] =	vst v33  }
0xfc: {  	v38 =	vshll.u32 v8, $0x5;
	v37 =	vadd.s32 v7, v36;
	[tilespmem:$0x1620] =	vst v35  }
0xfd: {  	p1 =	seq.s32 s23, $0x0;
	v39 =	vadd.s32 v9, v38;
	[tilespmem:$0x1630] =	vst v37  }
0xfe: {  	s24 =	simm.s32 @!p1 $0xC;
	[tilespmem:$0x1640] =	vst v39  }
0xff: {  	_ =	swait.ge @!p1 [sflag:s24], $0x2800  }
0x100: {  	[sflag:s24] =	ssyncset.done @!p1 $0x0  }
0x101: {  	[sflag:s24] =	ssyncadd.s32 @!p1 $0xFFFFD800  }
0x102: {  	s0 =	simm.s32 $0x1B80;
	s28 =	simm.s32 $0x1600;
	s3 =	rddreg [dreg:$0x4]  }
0x103: {  	[tilespmem:s0], [sflag:$0x1] =	stream.indirect.gather [spmem:s3], $0x80, s28, s14, $0xb8;
	[tilespmem:$0x1F5F8] =	vst v63  }
0x104: {  	_ =	swait.ge [sflag:s15], $0x50  }
0x105: {  	[sflag:s15] =	ssyncset.done $0x0  }
0x106: {  	[sflag:s15] =	ssyncadd.s32 $0xFFFFFFB0  }
0x107: {  	_ =	swait.ge [sflag:s15], $0x50  }
0x108: {  	[sflag:s15] =	ssyncset.done $0x0  }
0x109: {  	[sflag:s15] =	ssyncadd.s32 $0xFFFFFFB0  }
0x10a: {  	v40 =	vld [tilespmem:$0xB80]  }
0x10b: {  	v41 =	vld [tilespmem:$0x1100]  }
0x10c: {  	v42 =	vld [tilespmem:$0xB90]  }
0x10d: {  	v43 =	vld [tilespmem:$0x1110]  }
0x10e: {  	v44 =	vld [tilespmem:$0xBA0]  }
0x10f: {  	v45 =	vld [tilespmem:$0x1120]  }
0x110: {  	v46 =	vld [tilespmem:$0xBB0]  }
0x111: {  	v47 =	vld [tilespmem:$0x1130]  }
0x112: {  	v48 =	vld [tilespmem:$0xBC0]  }
0x113: {  	v49 =	vld [tilespmem:$0x1140];
	v0 =	vshll.u32 v40, $0x5  }
0x114: {  	v50 =	vshll.u32 v42, $0x5;
	v0 =	vadd.s32 v41, v0  }
0x115: {  	v52 =	vshll.u32 v44, $0x5;
	v51 =	vadd.s32 v43, v50;
	[tilespmem:$0x1680] =	vst v0  }
0x116: {  	v54 =	vshll.u32 v46, $0x5;
	v53 =	vadd.s32 v45, v52;
	[tilespmem:$0x1690] =	vst v51  }
0x117: {  	v56 =	vshll.u32 v48, $0x5;
	v55 =	vadd.s32 v47, v54;
	[tilespmem:$0x16A0] =	vst v53  }
0x118: {  	v57 =	vadd.s32 v49, v56;
	[tilespmem:$0x16B0] =	vst v55  }
0x119: {  	s24 =	simm.s32 @!p1 $0xD;
	[tilespmem:$0x16C0] =	vst v57  }
0x11a: {  	_ =	swait.ge @!p1 [sflag:s24], $0x2800  }
0x11b: {  	[sflag:s24] =	ssyncset.done @!p1 $0x0  }
0x11c: {  	s29 =	simm.s32 $0x1680;
	s21 =	simm.s32 $0x4380;
	[sflag:s24] =	ssyncadd.s32 @!p1 $0xFFFFD800  }
0x11d: {  	[tilespmem:s21], [sflag:$0x2] =	stream.indirect.gather [spmem:s3], $0x80, s29, s14, $0xb8;
	[tilespmem:$0x1F5F8] =	vst v63  }
0x11e: {  	_ =	swait.ge [sflag:s19], $0x50  }
0x11f: {  	[sflag:s19] =	ssyncset.done $0x0  }
0x120: {  	[sflag:s19] =	ssyncadd.s32 $0xFFFFFFB0  }
0x121: {  	_ =	swait.ge [sflag:s19], $0x50  }
0x122: {  	[sflag:s19] =	ssyncset.done $0x0  }
0x123: {  	[sflag:s19] =	ssyncadd.s32 $0xFFFFFFB0  }
0x124: {  	v58 =	vld [tilespmem:$0xC00]  }
0x125: {  	v59 =	vld [tilespmem:$0x1180]  }
0x126: {  	v60 =	vld [tilespmem:$0xC10]  }
0x127: {  	v61 =	vld [tilespmem:$0x1190]  }
0x128: {  	v62 =	vld [tilespmem:$0xC20]  }
0x129: {  	v63 =	vld [tilespmem:$0x11A0]  }
0x12a: {  	v12 =	vld [tilespmem:$0xC30]  }
0x12b: {  	v13 =	vld [tilespmem:$0x11B0]  }
0x12c: {  	v14 =	vld [tilespmem:$0xC40]  }
0x12d: {  	v15 =	vld [tilespmem:$0x11C0];
	v0 =	vshll.u32 v58, $0x5  }
0x12e: {  	v16 =	vshll.u32 v60, $0x5;
	v0 =	vadd.s32 v59, v0  }
0x12f: {  	v18 =	vshll.u32 v62, $0x5;
	v17 =	vadd.s32 v61, v16;
	[tilespmem:$0x1700] =	vst v0  }
0x130: {  	v20 =	vshll.u32 v12, $0x5;
	v19 =	vadd.s32 v63, v18;
	[tilespmem:$0x1710] =	vst v17  }
0x131: {  	v22 =	vshll.u32 v14, $0x5;
	v21 =	vadd.s32 v13, v20;
	[tilespmem:$0x1720] =	vst v19  }
0x132: {  	v23 =	vadd.s32 v15, v22;
	[tilespmem:$0x1730] =	vst v21  }
0x133: {  	s24 =	simm.s32 @!p1 $0xE;
	[tilespmem:$0x1740] =	vst v23  }
0x134: {  	_ =	swait.ge @!p1 [sflag:s24], $0x2800  }
0x135: {  	[sflag:s24] =	ssyncset.done @!p1 $0x0  }
0x136: {  	s8 =	simm.s32 $0x6B80;
	s30 =	simm.s32 $0x1700;
	[sflag:s24] =	ssyncadd.s32 @!p1 $0xFFFFD800  }
0x137: {  	[tilespmem:s8], [sflag:$0x3] =	stream.indirect.gather [spmem:s3], $0x80, s30, s14, $0xb8;
	[tilespmem:$0x1F5F8] =	vst v63  }
0x138: {  	_ =	swait.ge [sflag:s26], $0x50  }
0x139: {  	[sflag:s26] =	ssyncset.done $0x0  }
0x13a: {  	[sflag:s26] =	ssyncadd.s32 $0xFFFFFFB0  }
0x13b: {  	_ =	swait.ge [sflag:s26], $0x50  }
0x13c: {  	[sflag:s26] =	ssyncset.done $0x0  }
0x13d: {  	[sflag:s26] =	ssyncadd.s32 $0xFFFFFFB0  }
0x13e: {  	v24 =	vld [tilespmem:$0xC80]  }
0x13f: {  	v25 =	vld [tilespmem:$0x1200]  }
0x140: {  	v26 =	vld [tilespmem:$0xC90]  }
0x141: {  	v27 =	vld [tilespmem:$0x1210]  }
0x142: {  	v28 =	vld [tilespmem:$0xCA0]  }
0x143: {  	v29 =	vld [tilespmem:$0x1220]  }
0x144: {  	v30 =	vld [tilespmem:$0xCB0]  }
0x145: {  	v31 =	vld [tilespmem:$0x1230]  }
0x146: {  	v32 =	vld [tilespmem:$0xCC0]  }
0x147: {  	v33 =	vld [tilespmem:$0x1240];
	v0 =	vshll.u32 v24, $0x5  }
0x148: {  	v34 =	vshll.u32 v26, $0x5;
	v0 =	vadd.s32 v25, v0  }
0x149: {  	v36 =	vshll.u32 v28, $0x5;
	v35 =	vadd.s32 v27, v34;
	[tilespmem:$0x1780] =	vst v0  }
0x14a: {  	v38 =	vshll.u32 v30, $0x5;
	v37 =	vadd.s32 v29, v36;
	[tilespmem:$0x1790] =	vst v35  }
0x14b: {  	v40 =	vshll.u32 v32, $0x5;
	v39 =	vadd.s32 v31, v38;
	[tilespmem:$0x17A0] =	vst v37  }
0x14c: {  	v41 =	vadd.s32 v33, v40;
	[tilespmem:$0x17B0] =	vst v39  }
0x14d: {  	s24 =	simm.s32 @!p1 $0xF;
	[tilespmem:$0x17C0] =	vst v41  }
0x14e: {  	_ =	swait.ge @!p1 [sflag:s24], $0x2800  }
0x14f: {  	[sflag:s24] =	ssyncset.done @!p1 $0x0  }
0x150: {  	s1 =	simm.s32 $0x1780;
	s9 =	simm.s32 $0x9380;
	[sflag:s24] =	ssyncadd.s32 @!p1 $0xFFFFD800  }
0x151: {  	[tilespmem:s9], [sflag:$0x4] =	stream.indirect.gather [spmem:s3], $0x80, s1, s14, $0xb8;
	[tilespmem:$0x1F5F8] =	vst v63  }
0x152: {  	_ =	swait.ge [sflag:s6], $0x50  }
0x153: {  	[sflag:s6] =	ssyncset.done $0x0  }
0x154: {  	[sflag:s6] =	ssyncadd.s32 $0xFFFFFFB0  }
0x155: {  	_ =	swait.ge [sflag:s6], $0x50  }
0x156: {  	[sflag:s6] =	ssyncset.done $0x0  }
0x157: {  	[sflag:s6] =	ssyncadd.s32 $0xFFFFFFB0  }
0x158: {  	v42 =	vld [tilespmem:$0xD00]  }
0x159: {  	v43 =	vld [tilespmem:$0x1280]  }
0x15a: {  	v44 =	vld [tilespmem:$0xD10]  }
0x15b: {  	v45 =	vld [tilespmem:$0x1290]  }
0x15c: {  	v46 =	vld [tilespmem:$0xD20]  }
0x15d: {  	v47 =	vld [tilespmem:$0x12A0]  }
0x15e: {  	v48 =	vld [tilespmem:$0xD30]  }
0x15f: {  	v49 =	vld [tilespmem:$0x12B0]  }
0x160: {  	v50 =	vld [tilespmem:$0xD40]  }
0x161: {  	v51 =	vld [tilespmem:$0x12C0];
	v0 =	vshll.u32 v42, $0x5  }
0x162: {  	v52 =	vshll.u32 v44, $0x5;
	v0 =	vadd.s32 v43, v0  }
0x163: {  	v54 =	vshll.u32 v46, $0x5;
	v53 =	vadd.s32 v45, v52;
	[tilespmem:$0x1800] =	vst v0  }
0x164: {  	v56 =	vshll.u32 v48, $0x5;
	v55 =	vadd.s32 v47, v54;
	[tilespmem:$0x1810] =	vst v53  }
0x165: {  	v58 =	vshll.u32 v50, $0x5;
	v57 =	vadd.s32 v49, v56;
	[tilespmem:$0x1820] =	vst v55  }
0x166: {  	v59 =	vadd.s32 v51, v58;
	[tilespmem:$0x1830] =	vst v57  }
0x167: {  	s24 =	simm.s32 @!p1 $0x10;
	[tilespmem:$0x1840] =	vst v59  }
0x168: {  	_ =	swait.ge @!p1 [sflag:s24], $0x2800  }
0x169: {  	s2 =	sld [smem:$0x7F6]  }
0x16a: {  	[sflag:s24] =	ssyncset.done @!p1 $0x0  }
0x16b: {  	s1 =	simm.s32 $0xBB80;
	[sflag:s24] =	ssyncadd.s32 @!p1 $0xFFFFD800  }
0x16c: {  	[tilespmem:s1], [sflag:$0x5] =	stream.indirect.gather [spmem:s3], $0x80, s2, s14, $0xb8;
	[tilespmem:$0x1F5F8] =	vst v63  }
0x16d: {  	_ =	swait.ge [sflag:s7], $0x50  }
0x16e: {  	[sflag:s7] =	ssyncset.done $0x0  }
0x16f: {  	[sflag:s7] =	ssyncadd.s32 $0xFFFFFFB0  }
0x170: {  	_ =	swait.ge [sflag:s7], $0x50  }
0x171: {  	[sflag:s7] =	ssyncset.done $0x0  }
0x172: {  	[sflag:s7] =	ssyncadd.s32 $0xFFFFFFB0  }
0x173: {  	v60 =	vld [tilespmem:$0xD80]  }
0x174: {  	v61 =	vld [tilespmem:$0x1300]  }
0x175: {  	v62 =	vld [tilespmem:$0xD90]  }
0x176: {  	v63 =	vld [tilespmem:$0x1310]  }
0x177: {  	v12 =	vld [tilespmem:$0xDA0]  }
0x178: {  	v13 =	vld [tilespmem:$0x1320]  }
0x179: {  	v14 =	vld [tilespmem:$0xDB0]  }
0x17a: {  	v15 =	vld [tilespmem:$0x1330]  }
0x17b: {  	v16 =	vld [tilespmem:$0xDC0]  }
0x17c: {  	v17 =	vld [tilespmem:$0x1340];
	v0 =	vshll.u32 v60, $0x5  }
0x17d: {  	v18 =	vshll.u32 v62, $0x5;
	v0 =	vadd.s32 v61, v0  }
0x17e: {  	v20 =	vshll.u32 v12, $0x5;
	v19 =	vadd.s32 v63, v18;
	[tilespmem:$0x1880] =	vst v0  }
0x17f: {  	v22 =	vshll.u32 v14, $0x5;
	v21 =	vadd.s32 v13, v20;
	[tilespmem:$0x1890] =	vst v19  }
0x180: {  	v24 =	vshll.u32 v16, $0x5;
	v23 =	vadd.s32 v15, v22;
	[tilespmem:$0x18A0] =	vst v21  }
0x181: {  	v25 =	vadd.s32 v17, v24;
	[tilespmem:$0x18B0] =	vst v23  }
0x182: {  	s24 =	simm.s32 @!p1 $0x11;
	[tilespmem:$0x18C0] =	vst v25  }
0x183: {  	_ =	swait.ge @!p1 [sflag:s24], $0x2800  }
0x184: {  	s13 =	sld [smem:$0x7F8]  }
0x185: {  	[sflag:s24] =	ssyncset.done @!p1 $0x0  }
0x186: {  	s2 =	simm.s32 $0xE380;
	[sflag:s24] =	ssyncadd.s32 @!p1 $0xFFFFD800  }
0x187: {  	[tilespmem:s2], [sflag:$0x6] =	stream.indirect.gather [spmem:s3], $0x80, s13, s14, $0xb8;
	[tilespmem:$0x1F5F8] =	vst v63  }
0x188: {  	_ =	swait.ge [sflag:s11], $0x50  }
0x189: {  	[sflag:s11] =	ssyncset.done $0x0  }
0x18a: {  	[sflag:s11] =	ssyncadd.s32 $0xFFFFFFB0  }
0x18b: {  	_ =	swait.ge [sflag:s11], $0x50  }
0x18c: {  	[sflag:s11] =	ssyncset.done $0x0  }
0x18d: {  	[sflag:s11] =	ssyncadd.s32 $0xFFFFFFB0  }
0x18e: {  	v26 =	vld [tilespmem:$0xE00]  }
0x18f: {  	v27 =	vld [tilespmem:$0x1380]  }
0x190: {  	v28 =	vld [tilespmem:$0xE10]  }
0x191: {  	v29 =	vld [tilespmem:$0x1390]  }
0x192: {  	v30 =	vld [tilespmem:$0xE20]  }
0x193: {  	v31 =	vld [tilespmem:$0x13A0]  }
0x194: {  	v32 =	vld [tilespmem:$0xE30]  }
0x195: {  	v33 =	vld [tilespmem:$0x13B0]  }
0x196: {  	v34 =	vld [tilespmem:$0xE40]  }
0x197: {  	v35 =	vld [tilespmem:$0x13C0];
	v0 =	vshll.u32 v26, $0x5  }
0x198: {  	v36 =	vshll.u32 v28, $0x5;
	v0 =	vadd.s32 v27, v0  }
0x199: {  	v38 =	vshll.u32 v30, $0x5;
	v37 =	vadd.s32 v29, v36;
	[tilespmem:$0x1900] =	vst v0  }
0x19a: {  	v40 =	vshll.u32 v32, $0x5;
	v39 =	vadd.s32 v31, v38;
	[tilespmem:$0x1910] =	vst v37  }
0x19b: {  	v42 =	vshll.u32 v34, $0x5;
	v41 =	vadd.s32 v33, v40;
	[tilespmem:$0x1920] =	vst v39  }
0x19c: {  	v43 =	vadd.s32 v35, v42;
	[tilespmem:$0x1930] =	vst v41  }
0x19d: {  	s24 =	simm.s32 @!p1 $0x12;
	[tilespmem:$0x1940] =	vst v43  }
0x19e: {  	_ =	swait.ge @!p1 [sflag:s24], $0x2800  }
0x19f: {  	s20 =	sld [smem:$0x7F9]  }
0x1a0: {  	[sflag:s24] =	ssyncset.done @!p1 $0x0  }
0x1a1: {  	s13 =	simm.s32 $0x10B80;
	[sflag:s24] =	ssyncadd.s32 @!p1 $0xFFFFD800  }
0x1a2: {  	[tilespmem:s13], [sflag:$0x7] =	stream.indirect.gather [spmem:s3], $0x80, s20, s14, $0xb8;
	[tilespmem:$0x1F5F8] =	vst v63  }
0x1a3: {  	_ =	swait.ge [sflag:s10], $0x50  }
0x1a4: {  	[sflag:s10] =	ssyncset.done $0x0  }
0x1a5: {  	[sflag:s10] =	ssyncadd.s32 $0xFFFFFFB0  }
0x1a6: {  	_ =	swait.ge [sflag:s10], $0x50  }
0x1a7: {  	[sflag:s10] =	ssyncset.done $0x0  }
0x1a8: {  	[sflag:s10] =	ssyncadd.s32 $0xFFFFFFB0  }
0x1a9: {  	v44 =	vld [tilespmem:$0xE80]  }
0x1aa: {  	v45 =	vld [tilespmem:$0x1400]  }
0x1ab: {  	v46 =	vld [tilespmem:$0xE90]  }
0x1ac: {  	v47 =	vld [tilespmem:$0x1410]  }
0x1ad: {  	v48 =	vld [tilespmem:$0xEA0]  }
0x1ae: {  	v49 =	vld [tilespmem:$0x1420]  }
0x1af: {  	v50 =	vld [tilespmem:$0xEB0]  }
0x1b0: {  	v51 =	vld [tilespmem:$0x1430]  }
0x1b1: {  	v52 =	vld [tilespmem:$0xEC0]  }
0x1b2: {  	v53 =	vld [tilespmem:$0x1440];
	v0 =	vshll.u32 v44, $0x5  }
0x1b3: {  	v54 =	vshll.u32 v46, $0x5;
	v0 =	vadd.s32 v45, v0  }
0x1b4: {  	v56 =	vshll.u32 v48, $0x5;
	v55 =	vadd.s32 v47, v54;
	[tilespmem:$0x1980] =	vst v0  }
0x1b5: {  	v58 =	vshll.u32 v50, $0x5;
	v57 =	vadd.s32 v49, v56;
	[tilespmem:$0x1990] =	vst v55  }
0x1b6: {  	v60 =	vshll.u32 v52, $0x5;
	v59 =	vadd.s32 v51, v58;
	[tilespmem:$0x19A0] =	vst v57  }
0x1b7: {  	v61 =	vadd.s32 v53, v60;
	[tilespmem:$0x19B0] =	vst v59  }
0x1b8: {  	s24 =	simm.s32 @!p1 $0x13;
	[tilespmem:$0x19C0] =	vst v61  }
0x1b9: {  	_ =	swait.ge @!p1 [sflag:s24], $0x2800  }
0x1ba: {  	s28 =	sld [smem:$0x7FA]  }
0x1bb: {  	[sflag:s24] =	ssyncset.done @!p1 $0x0  }
0x1bc: {  	s20 =	simm.s32 $0x13380;
	[sflag:s24] =	ssyncadd.s32 @!p1 $0xFFFFD800  }
0x1bd: {  	[tilespmem:s20], [sflag:$0x8] =	stream.indirect.gather [spmem:s3], $0x80, s28, s14, $0xb8;
	[tilespmem:$0x1F5F8] =	vst v63  }
0x1be: {  	_ =	swait.ge [sflag:s12], $0x50  }
0x1bf: {  	[sflag:s12] =	ssyncset.done $0x0  }
0x1c0: {  	[sflag:s12] =	ssyncadd.s32 $0xFFFFFFB0  }
0x1c1: {  	_ =	swait.ge [sflag:s12], $0x50  }
0x1c2: {  	[sflag:s12] =	ssyncset.done $0x0  }
0x1c3: {  	[sflag:s12] =	ssyncadd.s32 $0xFFFFFFB0  }
0x1c4: {  	v62 =	vld [tilespmem:$0xF00]  }
0x1c5: {  	v63 =	vld [tilespmem:$0x1480]  }
0x1c6: {  	v12 =	vld [tilespmem:$0xF10]  }
0x1c7: {  	v13 =	vld [tilespmem:$0x1490]  }
0x1c8: {  	v14 =	vld [tilespmem:$0xF20]  }
0x1c9: {  	v15 =	vld [tilespmem:$0x14A0]  }
0x1ca: {  	v16 =	vld [tilespmem:$0xF30]  }
0x1cb: {  	v17 =	vld [tilespmem:$0x14B0]  }
0x1cc: {  	v18 =	vld [tilespmem:$0xF40]  }
0x1cd: {  	v19 =	vld [tilespmem:$0x14C0];
	v0 =	vshll.u32 v62, $0x5  }
0x1ce: {  	v20 =	vshll.u32 v12, $0x5;
	v0 =	vadd.s32 v63, v0  }
0x1cf: {  	v22 =	vshll.u32 v14, $0x5;
	v21 =	vadd.s32 v13, v20;
	[tilespmem:$0x1A00] =	vst v0  }
0x1d0: {  	v24 =	vshll.u32 v16, $0x5;
	v23 =	vadd.s32 v15, v22;
	[tilespmem:$0x1A10] =	vst v21  }
0x1d1: {  	v26 =	vshll.u32 v18, $0x5;
	v25 =	vadd.s32 v17, v24;
	[tilespmem:$0x1A20] =	vst v23  }
0x1d2: {  	v27 =	vadd.s32 v19, v26;
	[tilespmem:$0x1A30] =	vst v25  }
0x1d3: {  	s24 =	simm.s32 @!p1 $0x14;
	[tilespmem:$0x1A40] =	vst v27  }
0x1d4: {  	_ =	swait.ge @!p1 [sflag:s24], $0x2800  }
0x1d5: {  	s29 =	sld [smem:$0x7FB]  }
0x1d6: {  	[sflag:s24] =	ssyncset.done @!p1 $0x0  }
0x1d7: {  	s28 =	simm.s32 $0x15B80;
	[sflag:s24] =	ssyncadd.s32 @!p1 $0xFFFFD800  }
0x1d8: {  	[tilespmem:s28], [sflag:$0x9] =	stream.indirect.gather [spmem:s3], $0x80, s29, s14, $0xb8;
	[tilespmem:$0x1F5F8] =	vst v63  }
0x1d9: {  	_ =	swait.ge [sflag:s16], $0x50  }
0x1da: {  	[sflag:s16] =	ssyncset.done $0x0  }
0x1db: {  	[sflag:s16] =	ssyncadd.s32 $0xFFFFFFB0  }
0x1dc: {  	_ =	swait.ge [sflag:s16], $0x50  }
0x1dd: {  	[sflag:s16] =	ssyncset.done $0x0  }
0x1de: {  	[sflag:s16] =	ssyncadd.s32 $0xFFFFFFB0  }
0x1df: {  	v28 =	vld [tilespmem:$0xF80]  }
0x1e0: {  	v29 =	vld [tilespmem:$0x1500]  }
0x1e1: {  	v30 =	vld [tilespmem:$0xF90]  }
0x1e2: {  	v31 =	vld [tilespmem:$0x1510]  }
0x1e3: {  	v32 =	vld [tilespmem:$0xFA0]  }
0x1e4: {  	v33 =	vld [tilespmem:$0x1520]  }
0x1e5: {  	v34 =	vld [tilespmem:$0xFB0]  }
0x1e6: {  	v35 =	vld [tilespmem:$0x1530]  }
0x1e7: {  	v36 =	vld [tilespmem:$0xFC0]  }
0x1e8: {  	v37 =	vld [tilespmem:$0x1540];
	v0 =	vshll.u32 v28, $0x5  }
0x1e9: {  	v38 =	vshll.u32 v30, $0x5;
	v0 =	vadd.s32 v29, v0  }
0x1ea: {  	v40 =	vshll.u32 v32, $0x5;
	v39 =	vadd.s32 v31, v38;
	[tilespmem:$0x1A80] =	vst v0  }
0x1eb: {  	v42 =	vshll.u32 v34, $0x5;
	v41 =	vadd.s32 v33, v40;
	[tilespmem:$0x1A90] =	vst v39  }
0x1ec: {  	v44 =	vshll.u32 v36, $0x5;
	v43 =	vadd.s32 v35, v42;
	[tilespmem:$0x1AA0] =	vst v41  }
0x1ed: {  	v45 =	vadd.s32 v37, v44;
	[tilespmem:$0x1AB0] =	vst v43  }
0x1ee: {  	s24 =	simm.s32 @!p1 $0x15;
	[tilespmem:$0x1AC0] =	vst v45  }
0x1ef: {  	_ =	swait.ge @!p1 [sflag:s24], $0x2800  }
0x1f0: {  	s30 =	sld [smem:$0x7FC]  }
0x1f1: {  	[sflag:s24] =	ssyncset.done @!p1 $0x0  }
0x1f2: {  	s29 =	simm.s32 $0x18380;
	[sflag:s24] =	ssyncadd.s32 @!p1 $0xFFFFD800  }
0x1f3: {  	[tilespmem:s29], [sflag:$0xA] =	stream.indirect.gather [spmem:s3], $0x80, s30, s14, $0xb8;
	[tilespmem:$0x1F5F8] =	vst v63  }
0x1f4: {  	_ =	swait.ge [sflag:s18], $0x50  }
0x1f5: {  	[sflag:s18] =	ssyncset.done $0x0  }
0x1f6: {  	[sflag:s18] =	ssyncadd.s32 $0xFFFFFFB0  }
0x1f7: {  	_ =	swait.ge [sflag:s18], $0x50  }
0x1f8: {  	[sflag:s18] =	ssyncset.done $0x0  }
0x1f9: {  	[sflag:s18] =	ssyncadd.s32 $0xFFFFFFB0  }
0x1fa: {  	v46 =	vld [tilespmem:$0x1000]  }
0x1fb: {  	v47 =	vld [tilespmem:$0x1580]  }
0x1fc: {  	v48 =	vld [tilespmem:$0x1010]  }
0x1fd: {  	v49 =	vld [tilespmem:$0x1590]  }
0x1fe: {  	v50 =	vld [tilespmem:$0x1020]  }
0x1ff: {  	v51 =	vld [tilespmem:$0x15A0]  }
0x200: {  	v52 =	vld [tilespmem:$0x1030]  }
0x201: {  	v53 =	vld [tilespmem:$0x15B0]  }
0x202: {  	v54 =	vld [tilespmem:$0x1040]  }
0x203: {  	v55 =	vld [tilespmem:$0x15C0];
	v0 =	vshll.u32 v46, $0x5  }
0x204: {  	v56 =	vshll.u32 v48, $0x5;
	v0 =	vadd.s32 v47, v0  }
0x205: {  	v58 =	vshll.u32 v50, $0x5;
	v57 =	vadd.s32 v49, v56;
	[tilespmem:$0x1B00] =	vst v0  }
0x206: {  	v60 =	vshll.u32 v52, $0x5;
	v59 =	vadd.s32 v51, v58;
	[tilespmem:$0x1B10] =	vst v57  }
0x207: {  	v62 =	vshll.u32 v54, $0x5;
	v61 =	vadd.s32 v53, v60;
	[tilespmem:$0x1B20] =	vst v59  }
0x208: {  	v63 =	vadd.s32 v55, v62;
	[tilespmem:$0x1B30] =	vst v61  }
0x209: {  	s24 =	simm.s32 @!p1 $0x16;
	[tilespmem:$0x1B40] =	vst v63  }
0x20a: {  	_ =	swait.ge @!p1 [sflag:s24], $0x2800  }
0x20b: {  	s25 =	sld [smem:$0x7FD]  }
0x20c: {  	[sflag:s24] =	ssyncset.done @!p1 $0x0  }
0x20d: {  	s30 =	simm.s32 $0x1AB80;
	[sflag:s24] =	ssyncadd.s32 @!p1 $0xFFFFD800  }
0x20e: {  	[tilespmem:s30], [sflag:$0xB] =	stream.indirect.gather [spmem:s3], $0x80, s25, s14, $0xb8;
	[tilespmem:$0x1F5F8] =	vst v63  }
0x20f: {  	_ =	swait.ge [sflag:s17], $0x2800  }
0x210: {  	[sflag:s17] =	ssyncset.done $0x0  }
0x211: {  	s3 =	sadd.s32 $0xFFFFCE00, s22;
	[sflag:s17] =	ssyncadd.s32 $0xFFFFD800  }
0x212: {  	[hbm4b:s3+s5] =	stream.linear.scatter [tilespmem:s0], [sflag:$0xC], $0x2800, $0x38;
	[tilespmem:$0x1F5F8] =	vst v63  }
0x213: {  	_ =	swait.ge [sflag:s15], $0x2800  }
0x214: {  	[sflag:s15] =	ssyncset.done $0x0  }
0x215: {  	s25 =	sadd.s32 $0xFFFFD300, s22;
	[sflag:s15] =	ssyncadd.s32 $0xFFFFD800  }
0x216: {  	[hbm4b:s25+s5] =	stream.linear.scatter [tilespmem:s21], [sflag:$0xD], $0x2800, $0x38;
	[tilespmem:$0x1F5F8] =	vst v63  }
0x217: {  	_ =	swait.ge [sflag:s19], $0x2800  }
0x218: {  	[sflag:s19] =	ssyncset.done $0x0  }
0x219: {  	s0 =	sadd.s32 $0xFFFFD800, s22;
	[sflag:s19] =	ssyncadd.s32 $0xFFFFD800  }
0x21a: {  	[hbm4b:s0+s5] =	stream.linear.scatter [tilespmem:s8], [sflag:$0xE], $0x2800, $0x38;
	[tilespmem:$0x1F5F8] =	vst v63  }
0x21b: {  	_ =	swait.ge [sflag:s26], $0x2800  }
0x21c: {  	[sflag:s26] =	ssyncset.done $0x0  }
0x21d: {  	s3 =	sadd.s32 $0xFFFFDD00, s22;
	[sflag:s26] =	ssyncadd.s32 $0xFFFFD800  }
0x21e: {  	[hbm4b:s3+s5] =	stream.linear.scatter [tilespmem:s9], [sflag:$0xF], $0x2800, $0x38;
	[tilespmem:$0x1F5F8] =	vst v63  }
0x21f: {  	_ =	swait.ge [sflag:s6], $0x2800  }
0x220: {  	[sflag:s6] =	ssyncset.done $0x0  }
0x221: {  	s8 =	sadd.s32 $0xFFFFE200, s22;
	[sflag:s6] =	ssyncadd.s32 $0xFFFFD800  }
0x222: {  	[hbm4b:s8+s5] =	stream.linear.scatter [tilespmem:s1], [sflag:$0x10], $0x2800, $0x38;
	[tilespmem:$0x1F5F8] =	vst v63  }
0x223: {  	_ =	swait.ge [sflag:s7], $0x2800  }
0x224: {  	[sflag:s7] =	ssyncset.done $0x0  }
0x225: {  	s9 =	sadd.s32 $0xFFFFE700, s22;
	[sflag:s7] =	ssyncadd.s32 $0xFFFFD800  }
0x226: {  	[hbm4b:s9+s5] =	stream.linear.scatter [tilespmem:s2], [sflag:$0x11], $0x2800, $0x38;
	[tilespmem:$0x1F5F8] =	vst v63  }
0x227: {  	_ =	swait.ge [sflag:s11], $0x2800  }
0x228: {  	[sflag:s11] =	ssyncset.done $0x0  }
0x229: {  	[sflag:s11] =	ssyncadd.s32 $0xFFFFD800;
	s11 =	sadd.s32 $0xFFFFEC00, s22  }
0x22a: {  	[hbm4b:s11+s5] =	stream.linear.scatter [tilespmem:s13], [sflag:$0x12], $0x2800, $0x38;
	[tilespmem:$0x1F5F8] =	vst v63  }
0x22b: {  	_ =	swait.ge [sflag:s10], $0x2800  }
0x22c: {  	[sflag:s10] =	ssyncset.done $0x0  }
0x22d: {  	s21 =	sadd.s32 $0xFFFFF100, s22;
	[sflag:s10] =	ssyncadd.s32 $0xFFFFD800  }
0x22e: {  	[hbm4b:s21+s5] =	stream.linear.scatter [tilespmem:s20], [sflag:$0x13], $0x2800, $0x38;
	[tilespmem:$0x1F5F8] =	vst v63  }
0x22f: {  	_ =	swait.ge [sflag:s12], $0x2800  }
0x230: {  	[sflag:s12] =	ssyncset.done $0x0  }
0x231: {  	s25 =	sadd.s32 $0xFFFFF600, s22;
	[sflag:s12] =	ssyncadd.s32 $0xFFFFD800  }
0x232: {  	[hbm4b:s25+s5] =	stream.linear.scatter [tilespmem:s28], [sflag:$0x14], $0x2800, $0x38;
	[tilespmem:$0x1F5F8] =	vst v63  }
0x233: {  	_ =	swait.ge [sflag:s16], $0x2800  }
0x234: {  	s23 =	sadd.s32 $0x6E, s23;
	[sflag:s16] =	ssyncset.done $0x0  }
0x235: {  	p1 =	sne.s32 s23, $0x4BA;
	s28 =	sadd.s32 $0xFFFFFB00, s22;
	[sflag:s16] =	ssyncadd.s32 $0xFFFFD800  }
0x236: {  	[hbm4b:s28+s5] =	stream.linear.scatter [tilespmem:s29], [sflag:$0x15], $0x2800, $0x38;
	[tilespmem:$0x1F5F8] =	vst v63  }
.Ltmp0:
0x237: {  	_ =	swait.ge [sflag:s18], $0x2800;
	(pc) =	sbr.rel @p1 .LBB2_2-.Ltmp0, $4  }
0x238: {  	[sflag:s18] =	ssyncset.done $0x0  }
0x239: {  	[sflag:s18] =	ssyncadd.s32 $0xFFFFD800  }
0x23a: {  	[hbm4b:s22+s5] =	stream.linear.scatter [tilespmem:s30], [sflag:$0x16], $0x2800, $0x38;
	[tilespmem:$0x1F5F8] =	vst v63  }
0x23b: {  	s22 =	sadd.s32 $0x3700, s22  }
0x23c: {  	s22 =	sld [smem:$0x7DE];
	_ =	sdelay $0x1  }
0x23d: {  	s29 =	sld [smem:$0x7DF]  }
0x23e: {  	[tilespmem:s5], [sflag:$0x1] =	stream.linear.gather [hbm4b:s22+s5], $0x50, $0x38;
	[tilespmem:$0x1F5F8] =	vst v63  }
0x23f: {  	s0 =	simm.s32 $0x580  }
0x240: {  	[tilespmem:s0], [sflag:$0x1] =	stream.linear.gather [hbm4b:s29+s5], $0x50, $0x38;
	[tilespmem:$0x1F5F8] =	vst v63  }
0x241: {  	_ =	swait.ge [sflag:s17], $0x50  }
0x242: {  	[sflag:s17] =	ssyncset.done $0x0  }
0x243: {  	[sflag:s17] =	ssyncadd.s32 $0xFFFFFFB0  }
0x244: {  	_ =	swait.ge [sflag:s17], $0x50  }
0x245: {  	[sflag:s17] =	ssyncset.done $0x0  }
0x246: {  	s1 =	simm.s32 $0xB00;
	[sflag:s17] =	ssyncadd.s32 $0xFFFFFFB0  }
0x247: {  	[tilespmem:s1], [sflag:$0x1] =	stream.indirect.gather [spmem:s4], $0x1, s5, s14, $0xb8;
	[tilespmem:$0x1F5F8] =	vst v63  }
0x248: {  	s30 =	simm.s32 $0x1080  }
0x249: {  	[tilespmem:s30], [sflag:$0x1] =	stream.indirect.gather [spmem:s4], $0x1, s0, s14, $0xb8;
	[tilespmem:$0x1F5F8] =	vst v63  }
0x24a: {  	_ =	swait.ge [sflag:s17], $0x50  }
0x24b: {  	[sflag:s17] =	ssyncset.done $0x0  }
0x24c: {  	[sflag:s17] =	ssyncadd.s32 $0xFFFFFFB0  }
0x24d: {  	_ =	swait.ge [sflag:s17], $0x50  }
0x24e: {  	[sflag:s17] =	ssyncset.done $0x0  }
0x24f: {  	[sflag:s17] =	ssyncadd.s32 $0xFFFFFFB0  }
0x250: {  	v0 =	vld [tilespmem:$0xB00]  }
0x251: {  	v1 =	vld [tilespmem:$0x1080]  }
0x252: {  	v2 =	vld [tilespmem:$0xB10]  }
0x253: {  	v3 =	vld [tilespmem:$0x1090]  }
0x254: {  	v4 =	vld [tilespmem:$0xB20]  }
0x255: {  	v5 =	vld [tilespmem:$0x10A0]  }
0x256: {  	v6 =	vld [tilespmem:$0xB30]  }
0x257: {  	v7 =	vld [tilespmem:$0x10B0]  }
0x258: {  	v8 =	vld [tilespmem:$0xB40]  }
0x259: {  	v9 =	vld [tilespmem:$0x10C0];
	v0 =	vshll.u32 v0, $0x5  }
0x25a: {  	v54 =	vshll.u32 v2, $0x5;
	v0 =	vadd.s32 v1, v0  }
0x25b: {  	v56 =	vshll.u32 v4, $0x5;
	v55 =	vadd.s32 v3, v54;
	[tilespmem:$0x1600] =	vst v0  }
0x25c: {  	v58 =	vshll.u32 v6, $0x5;
	v57 =	vadd.s32 v5, v56;
	[tilespmem:$0x1610] =	vst v55  }
0x25d: {  	v60 =	vshll.u32 v8, $0x5;
	v59 =	vadd.s32 v7, v58;
	[tilespmem:$0x1620] =	vst v57  }
0x25e: {  	v61 =	vadd.s32 v9, v60;
	[tilespmem:$0x1630] =	vst v59  }
0x25f: {  	s0 =	simm.s32 $0xC;
	[tilespmem:$0x1640] =	vst v61  }
0x260: {  	_ =	swait.ge [sflag:s0], $0x2800  }
0x261: {  	[sflag:s0] =	ssyncset.done $0x0  }
0x262: {  	[sflag:s0] =	ssyncadd.s32 $0xFFFFD800  }
0x263: {  	s2 =	simm.s32 $0x1B80;
	s6 =	simm.s32 $0x1600;
	s3 =	rddreg [dreg:$0x4]  }
0x264: {  	[tilespmem:s2], [sflag:$0x1] =	stream.indirect.gather [spmem:s3], $0x80, s6, s14, $0xb8;
	[tilespmem:$0x1F5F8] =	vst v63  }
0x265: {  	_ =	swait.ge [sflag:s17], $0x2800  }
0x266: {  	s6 =	sld [smem:$0x7E0]  }
0x267: {  	[sflag:s17] =	ssyncset.done $0x0  }
0x268: {  	s7 =	sld [smem:$0x7E1];
	[sflag:s17] =	ssyncadd.s32 $0xFFFFD800  }
0x269: {  	[hbm4b:s6+s5] =	stream.linear.scatter [tilespmem:s2], [sflag:$0xC], $0x2800, $0x38;
	[tilespmem:$0x1F5F8] =	vst v63  }
0x26a: {  	s8 =	simm.s32 $0x80;
	s9 =	sld [smem:$0x7E2]  }
0x26b: {  	[tilespmem:s8], [sflag:$0x2] =	stream.linear.gather [hbm4b:s7+s5], $0x50, $0x38;
	[tilespmem:$0x1F5F8] =	vst v63  }
0x26c: {  	s10 =	simm.s32 $0x600  }
0x26d: {  	[tilespmem:s10], [sflag:$0x2] =	stream.linear.gather [hbm4b:s9+s5], $0x50, $0x38;
	[tilespmem:$0x1F5F8] =	vst v63  }
0x26e: {  	_ =	swait.ge [sflag:s15], $0x50  }
0x26f: {  	[sflag:s15] =	ssyncset.done $0x0  }
0x270: {  	[sflag:s15] =	ssyncadd.s32 $0xFFFFFFB0  }
0x271: {  	_ =	swait.ge [sflag:s15], $0x50  }
0x272: {  	[sflag:s15] =	ssyncset.done $0x0  }
0x273: {  	s7 =	simm.s32 $0xB80;
	[sflag:s15] =	ssyncadd.s32 $0xFFFFFFB0  }
0x274: {  	[tilespmem:s7], [sflag:$0x2] =	stream.indirect.gather [spmem:s4], $0x1, s8, s14, $0xb8;
	[tilespmem:$0x1F5F8] =	vst v63  }
0x275: {  	s11 =	simm.s32 $0x1100  }
0x276: {  	[tilespmem:s11], [sflag:$0x2] =	stream.indirect.gather [spmem:s4], $0x1, s10, s14, $0xb8;
	[tilespmem:$0x1F5F8] =	vst v63  }
0x277: {  	_ =	swait.ge [sflag:s15], $0x50  }
0x278: {  	[sflag:s15] =	ssyncset.done $0x0  }
0x279: {  	[sflag:s15] =	ssyncadd.s32 $0xFFFFFFB0  }
0x27a: {  	_ =	swait.ge [sflag:s15], $0x50  }
0x27b: {  	[sflag:s15] =	ssyncset.done $0x0  }
0x27c: {  	[sflag:s15] =	ssyncadd.s32 $0xFFFFFFB0  }
0x27d: {  	v62 =	vld [tilespmem:$0xB80]  }
0x27e: {  	v63 =	vld [tilespmem:$0x1100]  }
0x27f: {  	v12 =	vld [tilespmem:$0xB90]  }
0x280: {  	v13 =	vld [tilespmem:$0x1110]  }
0x281: {  	v14 =	vld [tilespmem:$0xBA0]  }
0x282: {  	v15 =	vld [tilespmem:$0x1120]  }
0x283: {  	v16 =	vld [tilespmem:$0xBB0]  }
0x284: {  	v17 =	vld [tilespmem:$0x1130]  }
0x285: {  	v18 =	vld [tilespmem:$0xBC0]  }
0x286: {  	v19 =	vld [tilespmem:$0x1140];
	v0 =	vshll.u32 v62, $0x5  }
0x287: {  	v20 =	vshll.u32 v12, $0x5;
	v0 =	vadd.s32 v63, v0  }
0x288: {  	v22 =	vshll.u32 v14, $0x5;
	v21 =	vadd.s32 v13, v20;
	[tilespmem:$0x1680] =	vst v0  }
0x289: {  	v24 =	vshll.u32 v16, $0x5;
	v23 =	vadd.s32 v15, v22;
	[tilespmem:$0x1690] =	vst v21  }
0x28a: {  	v26 =	vshll.u32 v18, $0x5;
	v25 =	vadd.s32 v17, v24;
	[tilespmem:$0x16A0] =	vst v23  }
0x28b: {  	v27 =	vadd.s32 v19, v26;
	[tilespmem:$0x16B0] =	vst v25  }
0x28c: {  	s1 =	simm.s32 $0xD;
	[tilespmem:$0x16C0] =	vst v27  }
0x28d: {  	_ =	swait.ge [sflag:s1], $0x2800  }
0x28e: {  	[sflag:s1] =	ssyncset.done $0x0  }
0x28f: {  	s12 =	simm.s32 $0x4380;
	s13 =	simm.s32 $0x1680;
	[sflag:s1] =	ssyncadd.s32 $0xFFFFD800  }
0x290: {  	[tilespmem:s12], [sflag:$0x2] =	stream.indirect.gather [spmem:s3], $0x80, s13, s14, $0xb8;
	[tilespmem:$0x1F5F8] =	vst v63  }
0x291: {  	_ =	swait.ge [sflag:s15], $0x2800  }
0x292: {  	s16 =	sld [smem:$0x7E3]  }
0x293: {  	[sflag:s15] =	ssyncset.done $0x0  }
0x294: {  	s18 =	sld [smem:$0x7E4];
	[sflag:s15] =	ssyncadd.s32 $0xFFFFD800  }
0x295: {  	[hbm4b:s16+s5] =	stream.linear.scatter [tilespmem:s12], [sflag:$0xD], $0x2800, $0x38;
	[tilespmem:$0x1F5F8] =	vst v63  }
0x296: {  	s20 =	simm.s32 $0x100;
	s21 =	sld [smem:$0x7E5]  }
0x297: {  	[tilespmem:s20], [sflag:$0x3] =	stream.linear.gather [hbm4b:s18+s5], $0x50, $0x38;
	[tilespmem:$0x1F5F8] =	vst v63  }
0x298: {  	s23 =	simm.s32 $0x680  }
0x299: {  	[tilespmem:s23], [sflag:$0x3] =	stream.linear.gather [hbm4b:s21+s5], $0x50, $0x38;
	[tilespmem:$0x1F5F8] =	vst v63  }
0x29a: {  	_ =	swait.ge [sflag:s19], $0x50  }
0x29b: {  	[sflag:s19] =	ssyncset.done $0x0  }
0x29c: {  	[sflag:s19] =	ssyncadd.s32 $0xFFFFFFB0  }
0x29d: {  	_ =	swait.ge [sflag:s19], $0x50  }
0x29e: {  	[sflag:s19] =	ssyncset.done $0x0  }
0x29f: {  	s8 =	simm.s32 $0xC00;
	[sflag:s19] =	ssyncadd.s32 $0xFFFFFFB0  }
0x2a0: {  	[tilespmem:s8], [sflag:$0x3] =	stream.indirect.gather [spmem:s4], $0x1, s20, s14, $0xb8;
	[tilespmem:$0x1F5F8] =	vst v63  }
0x2a1: {  	s24 =	simm.s32 $0x1180  }
0x2a2: {  	[tilespmem:s24], [sflag:$0x3] =	stream.indirect.gather [spmem:s4], $0x1, s23, s14, $0xb8;
	[tilespmem:$0x1F5F8] =	vst v63  }
0x2a3: {  	_ =	swait.ge [sflag:s19], $0x50  }
0x2a4: {  	[sflag:s19] =	ssyncset.done $0x0  }
0x2a5: {  	[sflag:s19] =	ssyncadd.s32 $0xFFFFFFB0  }
0x2a6: {  	_ =	swait.ge [sflag:s19], $0x50  }
0x2a7: {  	[sflag:s19] =	ssyncset.done $0x0  }
0x2a8: {  	[sflag:s19] =	ssyncadd.s32 $0xFFFFFFB0  }
0x2a9: {  	v28 =	vld [tilespmem:$0xC00]  }
0x2aa: {  	v29 =	vld [tilespmem:$0x1180]  }
0x2ab: {  	v30 =	vld [tilespmem:$0xC10]  }
0x2ac: {  	v31 =	vld [tilespmem:$0x1190]  }
0x2ad: {  	v32 =	vld [tilespmem:$0xC20]  }
0x2ae: {  	v33 =	vld [tilespmem:$0x11A0]  }
0x2af: {  	v34 =	vld [tilespmem:$0xC30]  }
0x2b0: {  	v35 =	vld [tilespmem:$0x11B0]  }
0x2b1: {  	v36 =	vld [tilespmem:$0xC40]  }
0x2b2: {  	v37 =	vld [tilespmem:$0x11C0];
	v0 =	vshll.u32 v28, $0x5  }
0x2b3: {  	v38 =	vshll.u32 v30, $0x5;
	v0 =	vadd.s32 v29, v0  }
0x2b4: {  	v40 =	vshll.u32 v32, $0x5;
	v39 =	vadd.s32 v31, v38;
	[tilespmem:$0x1700] =	vst v0  }
0x2b5: {  	v42 =	vshll.u32 v34, $0x5;
	v41 =	vadd.s32 v33, v40;
	[tilespmem:$0x1710] =	vst v39  }
0x2b6: {  	v44 =	vshll.u32 v36, $0x5;
	v43 =	vadd.s32 v35, v42;
	[tilespmem:$0x1720] =	vst v41  }
0x2b7: {  	v45 =	vadd.s32 v37, v44;
	[tilespmem:$0x1730] =	vst v43  }
0x2b8: {  	s25 =	simm.s32 $0xE;
	[tilespmem:$0x1740] =	vst v45  }
0x2b9: {  	_ =	swait.ge [sflag:s25], $0x2800  }
0x2ba: {  	[sflag:s25] =	ssyncset.done $0x0  }
0x2bb: {  	s28 =	simm.s32 $0x6B80;
	s29 =	simm.s32 $0x1700;
	[sflag:s25] =	ssyncadd.s32 $0xFFFFD800  }
0x2bc: {  	[tilespmem:s28], [sflag:$0x3] =	stream.indirect.gather [spmem:s3], $0x80, s29, s14, $0xb8;
	[tilespmem:$0x1F5F8] =	vst v63  }
0x2bd: {  	_ =	swait.ge [sflag:s19], $0x2800  }
0x2be: {  	s30 =	sld [smem:$0x7E6]  }
0x2bf: {  	[sflag:s19] =	ssyncset.done $0x0  }
0x2c0: {  	s2 =	sld [smem:$0x7EA];
	[sflag:s19] =	ssyncadd.s32 $0xFFFFD800  }
0x2c1: {  	[hbm4b:s30+s5] =	stream.linear.scatter [tilespmem:s28], [sflag:$0xE], $0x2800, $0x38;
	[tilespmem:$0x1F5F8] =	vst v63  }
0x2c2: {  	s7 =	simm.s32 $0x180;
	s10 =	sld [smem:$0x7EC]  }
0x2c3: {  	[tilespmem:s7], [sflag:$0x4] =	stream.linear.gather [hbm4b:s2+s5], $0x50, $0x38;
	[tilespmem:$0x1F5F8] =	vst v63  }
0x2c4: {  	s11 =	simm.s32 $0x700  }
0x2c5: {  	[tilespmem:s11], [sflag:$0x4] =	stream.linear.gather [hbm4b:s10+s5], $0x50, $0x38;
	[tilespmem:$0x1F5F8] =	vst v63  }
0x2c6: {  	_ =	swait.ge [sflag:s26], $0x50  }
0x2c7: {  	[sflag:s26] =	ssyncset.done $0x0  }
0x2c8: {  	[sflag:s26] =	ssyncadd.s32 $0xFFFFFFB0  }
0x2c9: {  	_ =	swait.ge [sflag:s26], $0x50  }
0x2ca: {  	[sflag:s26] =	ssyncset.done $0x0  }
0x2cb: {  	s9 =	simm.s32 $0xC80;
	[sflag:s26] =	ssyncadd.s32 $0xFFFFFFB0  }
0x2cc: {  	[tilespmem:s9], [sflag:$0x4] =	stream.indirect.gather [spmem:s4], $0x1, s7, s14, $0xb8;
	[tilespmem:$0x1F5F8] =	vst v63  }
0x2cd: {  	s12 =	simm.s32 $0x1200  }
0x2ce: {  	[tilespmem:s12], [sflag:$0x4] =	stream.indirect.gather [spmem:s4], $0x1, s11, s14, $0xb8;
	[tilespmem:$0x1F5F8] =	vst v63  }
0x2cf: {  	_ =	swait.ge [sflag:s26], $0x50  }
0x2d0: {  	[sflag:s26] =	ssyncset.done $0x0  }
0x2d1: {  	[sflag:s26] =	ssyncadd.s32 $0xFFFFFFB0  }
0x2d2: {  	_ =	swait.ge [sflag:s26], $0x50  }
0x2d3: {  	[sflag:s26] =	ssyncset.done $0x0  }
0x2d4: {  	[sflag:s26] =	ssyncadd.s32 $0xFFFFFFB0  }
0x2d5: {  	v46 =	vld [tilespmem:$0xC80]  }
0x2d6: {  	v47 =	vld [tilespmem:$0x1200]  }
0x2d7: {  	v48 =	vld [tilespmem:$0xC90]  }
0x2d8: {  	v49 =	vld [tilespmem:$0x1210]  }
0x2d9: {  	v50 =	vld [tilespmem:$0xCA0]  }
0x2da: {  	v51 =	vld [tilespmem:$0x1220]  }
0x2db: {  	v52 =	vld [tilespmem:$0xCB0]  }
0x2dc: {  	v53 =	vld [tilespmem:$0x1230]  }
0x2dd: {  	v54 =	vld [tilespmem:$0xCC0]  }
0x2de: {  	v55 =	vld [tilespmem:$0x1240];
	v0 =	vshll.u32 v46, $0x5  }
0x2df: {  	v56 =	vshll.u32 v48, $0x5;
	v0 =	vadd.s32 v47, v0  }
0x2e0: {  	v58 =	vshll.u32 v50, $0x5;
	v57 =	vadd.s32 v49, v56;
	[tilespmem:$0x1780] =	vst v0  }
0x2e1: {  	v60 =	vshll.u32 v52, $0x5;
	v59 =	vadd.s32 v51, v58;
	[tilespmem:$0x1790] =	vst v57  }
0x2e2: {  	v62 =	vshll.u32 v54, $0x5;
	v61 =	vadd.s32 v53, v60;
	[tilespmem:$0x17A0] =	vst v59  }
0x2e3: {  	v63 =	vadd.s32 v55, v62;
	[tilespmem:$0x17B0] =	vst v61  }
0x2e4: {  	s13 =	simm.s32 $0xF;
	[tilespmem:$0x17C0] =	vst v63  }
0x2e5: {  	_ =	swait.ge [sflag:s13], $0x2800  }
0x2e6: {  	[sflag:s13] =	ssyncset.done $0x0  }
0x2e7: {  	s16 =	simm.s32 $0x9380;
	s18 =	simm.s32 $0x1780;
	[sflag:s13] =	ssyncadd.s32 $0xFFFFD800  }
0x2e8: {  	[tilespmem:s16], [sflag:$0x4] =	stream.indirect.gather [spmem:s3], $0x80, s18, s14, $0xb8;
	[tilespmem:$0x1F5F8] =	vst v63  }
0x2e9: {  	_ =	swait.ge [sflag:s26], $0x2800  }
0x2ea: {  	s20 =	sld [smem:$0x7EF]  }
0x2eb: {  	[sflag:s26] =	ssyncset.done $0x0  }
0x2ec: {  	[sflag:s26] =	ssyncadd.s32 $0xFFFFD800  }
0x2ed: {  	[hbm4b:s20+s5] =	stream.linear.scatter [tilespmem:s16], [sflag:$0xF], $0x2800, $0x38;
	[tilespmem:$0x1F5F8] =	vst v63  }
0x2ee: {  	_ =	swait.ge [sflag:s0], $0x2800  }
0x2ef: {  	[sflag:s0] =	ssyncset.done $0x0  }
0x2f0: {  	[sflag:s0] =	ssyncadd.s32 $0xFFFFD800  }
0x2f1: {  	_ =	swait.ge [sflag:s1], $0x2800  }
0x2f2: {  	[sflag:s1] =	ssyncset.done $0x0  }
0x2f3: {  	[sflag:s1] =	ssyncadd.s32 $0xFFFFD800  }
0x2f4: {  	_ =	swait.ge [sflag:s25], $0x2800  }
0x2f5: {  	[sflag:s25] =	ssyncset.done $0x0  }
0x2f6: {  	[sflag:s25] =	ssyncadd.s32 $0xFFFFD800  }
0x2f7: {  	_ =	swait.ge [sflag:s13], $0x2800  }
0x2f8: {  	[sflag:s13] =	ssyncset.done $0x0  }
0x2f9: {  	s21 =	simm.s32 $0x10;
	[sflag:s13] =	ssyncadd.s32 $0xFFFFD800  }
0x2fa: {  	_ =	swait.ge [sflag:s21], $0x2800  }
0x2fb: {  	[sflag:s21] =	ssyncset.done $0x0  }
0x2fc: {  	s22 =	simm.s32 $0x11;
	[sflag:s21] =	ssyncadd.s32 $0xFFFFD800  }
0x2fd: {  	_ =	swait.ge [sflag:s22], $0x2800  }
0x2fe: {  	[sflag:s22] =	ssyncset.done $0x0  }
0x2ff: {  	s23 =	simm.s32 $0x12;
	[sflag:s22] =	ssyncadd.s32 $0xFFFFD800  }
0x300: {  	_ =	swait.ge [sflag:s23], $0x2800  }
0x301: {  	[sflag:s23] =	ssyncset.done $0x0  }
0x302: {  	s24 =	simm.s32 $0x13;
	[sflag:s23] =	ssyncadd.s32 $0xFFFFD800  }
0x303: {  	_ =	swait.ge [sflag:s24], $0x2800  }
0x304: {  	[sflag:s24] =	ssyncset.done $0x0  }
0x305: {  	s25 =	simm.s32 $0x14;
	[sflag:s24] =	ssyncadd.s32 $0xFFFFD800  }
0x306: {  	_ =	swait.ge [sflag:s25], $0x2800  }
0x307: {  	[sflag:s25] =	ssyncset.done $0x0  }
0x308: {  	s26 =	simm.s32 $0x15;
	[sflag:s25] =	ssyncadd.s32 $0xFFFFD800  }
0x309: {  	_ =	swait.ge [sflag:s26], $0x2800  }
0x30a: {  	[sflag:s26] =	ssyncset.done $0x0  }
0x30b: {  	s28 =	simm.s32 $0x16;
	[sflag:s26] =	ssyncadd.s32 $0xFFFFD800  }
0x30c: {  	_ =	swait.ge [sflag:s28], $0x2800  }
0x30d: {  	s29 =	sld [smem:$0x7DD]  }
0x30e: {  	s30 =	sld [smem:$0x7F1];
	_ =	sdelay $0x1  }
0x30f: {  	s1 =	sadd.s32 $0x1, s29  }
0x310: {  	p1 =	sne.s32 s1, s30  }
.Ltmp1:
0x311: {  	_ = 	snop;
	(pc) =	sbr.rel @p1 .LBB2_1-.Ltmp1, $3  }
0x312: {  	_ =	sdelay $0x1  }
0x313: {  	[sflag:s28] =	ssyncset.done $0x0  }
0x314: {  	[sflag:s28] =	ssyncadd.s32 $0xFFFFD800  }
0x315: {  	_ =	sfence.sel $0x180000  }
0x316: {  	[bflag:$0x0] =	sbarrier.arrive $0xFFFF  }
0x317: {  	_ =	strace $0x90000047  }
0x318: {  	[bflag:$0x2] =	sbarrier.arrive $0xFFFF  }
0x319: {  	s0 =	rddreg [dreg:$0x6]  }
0x31a: {  	s0 =	sadd.s32 @!p0 $0x100000, s0  }
0x31b: {  	[sflag:s0] =	ssyncadd.tile.s32 @!p0 $0x1;
	_ =	shalt  }
.Lfunc_end2:
_tile_overlayer_lowered:
.L_overlay_start_2:
0x31c: {  	(tag) =	ssettag $0x2  }
0x31d: {  	s0 =	rddreg [dreg:$0x0];
	s2 =	stileid.u32  }
0x31e: {  	s1 =	rddreg [dreg:$0x1];
	p0 =	sne.s32 s2, $0x0  }
0x31f: {  	s3 =	rddreg [dreg:$0x2];
	[bflag:$0x3] =	sbarrier.arrive $0xFFFF;
	s2 =	simm.s32 @!p0 $0x1C17  }
0x320: {  	[timem:s3], [sflag:s2] =	dma.local @!p0 [hbm:s0], s1  }
0x321: {  	s0 =	simm.s32 @!p0 $0x17  }
0x322: {  	_ =	swait.ge @!p0 [sflag:s0], s1  }
0x323: {  	s1 =	ssub.s32 @!p0 $0x0, s1;
	[sflag:s0] =	ssyncset.done @!p0 $0x0  }
0x324: {  	[sflag:s0] =	ssyncadd.s32 @!p0 s1  }
0x325: {  	[bflag:$0x3] =	sbarrier.arrive $0xFFFF  }
0x326: {  	_ =	shalt  }

</sc_bundles>
